<compile_context>
chip_gen: v7x
topology: tpu7x:2x2x1
jax: 0.10.2.dev20260603
libtpu: 0.0.44.dev20260713+nightly
codegen_flags: <defaults>
</compile_context>

<pallas_src>
import functools

import jax
import jax.numpy as jnp
from jax import lax
from jax.experimental import pallas as pl
from jax.experimental.pallas import tpu as pltpu
from jax.experimental.pallas import tpu_sc as plsc

_NUM_CORES = 2
_NUM_SUBCORES = 16
_NUM_WORKERS = _NUM_CORES * _NUM_SUBCORES
_LANES = 16
_BATCH = 4
_NBANK = 2


@functools.lru_cache(maxsize=None)
def _build(B, V, D):
    b_per_w = B // _NUM_WORKERS
    n_groups = b_per_w // _LANES
    nslots = _BATCH * _NBANK
    mesh = plsc.VectorSubcoreMesh(core_axis_name="c", subcore_axis_name="s")

    @functools.partial(
        pl.kernel,
        mesh=mesh,
        out_type=jax.ShapeDtypeStruct((D, B), jnp.float32),
        compiler_params=pltpu.CompilerParams(
            use_tc_tiling_on_sc=True, needs_layout_passes=False
        ),
        scratch_types=[
            pltpu.VMEM((b_per_w,), jnp.int32),
            pltpu.VMEM((nslots, D, 128), jnp.float32),
            pltpu.VMEM((D, b_per_w), jnp.float32),
            pltpu.SemaphoreType.DMA,
            pltpu.SemaphoreType.DMA,
        ],
    )
    def emb(idx_hbm, tableT_hbm, outT_hbm, idx_v, tiles_v, stag_v, sem_i, sem_g):
        wid = lax.axis_index("s") * _NUM_CORES + lax.axis_index("c")
        base = wid * b_per_w
        pltpu.async_copy(idx_hbm.at[wid], idx_v, sem_i).wait()

        lane_iota = lax.iota(jnp.int32, _LANES)

        def issue(jb_scalar, slot):
            col0 = pl.multiple_of(jb_scalar * 128, 128)
            pltpu.async_copy(
                tableT_hbm.at[:, pl.ds(col0, 128)],
                tiles_v.at[slot],
                sem_g,
            )

        def wait_one(slot):
            pltpu.make_async_copy(
                tableT_hbm.at[:, pl.ds(0, 128)], tiles_v.at[slot], sem_g
            ).wait()

        def extract(c_scalar, slot, kloc):
            for q in range(D // _LANES):
                rows = q * _LANES + lane_iota
                x = plsc.load_gather(
                    tiles_v.at[slot],
                    [rows, jnp.full((_LANES,), c_scalar, jnp.int32)],
                )
                plsc.store_scatter(
                    stag_v,
                    [rows, jnp.full((_LANES,), kloc, jnp.int32)],
                    x,
                )

        def gbody(g, _):
            wv = idx_v[pl.ds(g * _LANES, _LANES)]
            wv2 = idx_v[pl.ds(lax.rem((g + 1), n_groups) * _LANES, _LANES)]
            jbv = lax.shift_right_logical(wv, 7)
            jbv2 = lax.shift_right_logical(wv2, 7)
            cv = lax.bitwise_and(wv, 127)
            gbase = g * _LANES

            for t in range(_LANES):
                tn = t + _BATCH
                nslot = tn % nslots
                if tn < _LANES:
                    jb_next = jbv[tn]
                else:
                    jb_next = jbv2[tn - _LANES]
                issue(jb_next, nslot)
                wait_one(t % nslots)
                extract(cv[t], t % nslots, gbase + t)
            return ()

        wv0 = idx_v[pl.ds(0, _LANES)]
        jbv0 = lax.shift_right_logical(wv0, 7)
        for t in range(_BATCH):
            issue(jbv0[t], t)

        lax.fori_loop(0, n_groups, gbody, ())

        for t in range(_BATCH):
            wait_one(t % nslots)

        pltpu.sync_copy(stag_v, outT_hbm.at[:, pl.ds(base, b_per_w)])

    return emb


def kernel(word, table):
    (B,) = word.shape
    V, D = table.shape
    idx = word.astype(jnp.int32).reshape(_NUM_WORKERS, B // _NUM_WORKERS)
    outT = _build(B, V, D)(idx, table.T)
    return outT.T

# --- scband reference (transcript-rebuilt; emitter-appended) ---
"""Pipeline reference for scband-prior-mu-57269093925553 (READ-ONLY COPY).

The authoritative reference and input builder live on the scoring server;
editing this copy changes nothing except your own understanding.
"""

import jax, jax.numpy as jnp
import numpy as np

VOCAB = 1000000
EMBED = 64
BATCH = 16384

def setup_inputs(seed: int = 0) -> dict:
    key = jax.random.key(seed)
    k1, k2 = jax.random.split(key)
    word = jax.random.randint(k1, (BATCH,), 0, VOCAB, dtype=jnp.int64 if jax.config.jax_enable_x64 else jnp.int32)
    table = jax.random.normal(k2, (VOCAB, EMBED), dtype=jnp.float32)
    return {"word": word, "table": table}

def reference(word, table):
    # nn.Embedding lookup followed by squeeze()
    out = jnp.take(table, word, axis=0)
    return jnp.squeeze(out)

if __name__ == "__main__":
    import jax
    _d = setup_inputs()
    print(jax.jit(kernel)(*tuple(_d.values())))

</pallas_src>

<mosaic_0001>
#map = affine_map<(d0, d1) -> (0, 0)>
module attributes {stable_mosaic.version = 14 : i64} {
  func.func @emb(%arg0: i32, %arg1: i32, %arg2: memref<32x512xi32, #tpu.memory_space<hbm>>, %arg3: memref<64x1000000xf32, #tpu.memory_space<hbm>>, %arg4: memref<64x16384xf32, #tpu.memory_space<hbm>>, %arg5: memref<512xi32, #tpu.memory_space<vmem>>, %arg6: memref<8x64x128xf32, #tpu.memory_space<vmem>>, %arg7: memref<64x512xf32, #tpu.memory_space<vmem>>, %arg8: memref<!tpu.dma_semaphore, #tpu.memory_space<semaphore_mem>>, %arg9: memref<!tpu.dma_semaphore, #tpu.memory_space<semaphore_mem>>) attributes {dimension_semantics = [#tpu.dimension_semantics<core_parallel>, #tpu.dimension_semantics<subcore_parallel>], iteration_bounds = array<i64: 2, 16>, scalar_prefetch = 0 : i64, scratch_operands = 5 : i64, tpu.core_type = #tpu.core_type<sc_vector_subcore>, window_params = [{transform_indices = #map}, {transform_indices = #map}, {transform_indices = #map}]} {
    %mul3A = arith.constant 2 : i32
    %mul3A_0 = arith.muli %arg1, %mul3A : i32
    %add3A = arith.addi %mul3A_0, %arg0 : i32
    %mul3A_1 = arith.constant 512 : i32
    %mul3A_2 = arith.muli %add3A, %mul3A_1 : i32
    %dma_start3A = arith.constant 0 : i32
    %dma_start3A_3 = tpu.memref_slice %arg2[%add3A, %dma_start3A] : memref<32x512xi32, #tpu.memory_space<hbm>> -> memref<1x512xi32, #tpu.memory_space<hbm>>
    %dma_start3A_4 = tpu.memref_squeeze %dma_start3A_3 : memref<1x512xi32, #tpu.memory_space<hbm>> -> memref<512xi32, #tpu.memory_space<hbm>>
    %dma_start3A_5 = arith.constant 0 : i32
    %dma_start3A_6 = tpu.memref_slice %arg2[%add3A, %dma_start3A_5] : memref<32x512xi32, #tpu.memory_space<hbm>> -> memref<1x512xi32, #tpu.memory_space<hbm>>
    %dma_start3A_7 = tpu.memref_squeeze %dma_start3A_6 : memref<1x512xi32, #tpu.memory_space<hbm>> -> memref<512xi32, #tpu.memory_space<hbm>>
    tpu.enqueue_dma source(%dma_start3A_7 : memref<512xi32, #tpu.memory_space<hbm>>) target(%arg5 : memref<512xi32, #tpu.memory_space<vmem>>) target_semaphore(%arg8 : memref<!tpu.dma_semaphore, #tpu.memory_space<semaphore_mem>>)
    %dma_wait3A = arith.constant 0 : i32
    %dma_wait3A_8 = tpu.memref_slice %arg2[%add3A, %dma_wait3A] : memref<32x512xi32, #tpu.memory_space<hbm>> -> memref<1x512xi32, #tpu.memory_space<hbm>>
    %dma_wait3A_9 = tpu.memref_squeeze %dma_wait3A_8 : memref<1x512xi32, #tpu.memory_space<hbm>> -> memref<512xi32, #tpu.memory_space<hbm>>
    %dma_wait3A_10 = arith.constant 0 : i32
    %dma_wait3A_11 = tpu.memref_slice %arg2[%add3A, %dma_wait3A_10] : memref<32x512xi32, #tpu.memory_space<hbm>> -> memref<1x512xi32, #tpu.memory_space<hbm>>
    %dma_wait3A_12 = tpu.memref_squeeze %dma_wait3A_11 : memref<1x512xi32, #tpu.memory_space<hbm>> -> memref<512xi32, #tpu.memory_space<hbm>>
    tpu.wait_dma2 semaphore(%arg8 : memref<!tpu.dma_semaphore, #tpu.memory_space<semaphore_mem>>) src(%dma_wait3A_12 : memref<512xi32, #tpu.memory_space<hbm>>) dst(%arg5 : memref<512xi32, #tpu.memory_space<vmem>>)
    %iota3A = tpu.iota {dimensions = array<i32: 0>} : vector<16xi32>
    %get3A = arith.constant 0 : index
    %get3A_13 = tpu.vector_load %arg5[%get3A] {strides = array<i32>} : memref<512xi32, #tpu.memory_space<vmem>>, vector<16xi32>,
    %shift_right_logical3A = arith.constant 7 : i32
    %shift_right_logical3A_14 = vector.broadcast %shift_right_logical3A : i32 to vector<16xi32>
    %shift_right_logical3A_15 = arith.shrui %get3A_13, %shift_right_logical3A_14 : vector<16xi32>
    %slice3A = vector.extract_strided_slice %shift_right_logical3A_15 {offsets = [0], sizes = [1], strides = [1]} : vector<16xi32> to vector<1xi32>
    %squeeze3A = vector.extract %slice3A[0] : i32 from vector<1xi32>
    %mul3A_16 = arith.constant 128 : i32
    %mul3A_17 = arith.muli %squeeze3A, %mul3A_16 : i32
    %multiple_of3A = tpu.assume_multiple %mul3A_17, 128 : i32
    %dma_start3A_18 = arith.constant 0 : i32
    %dma_start3A_19 = arith.constant 0 : i32
    %dma_start3A_20 = arith.constant 0 : i32
    %dma_start3A_21 = tpu.memref_slice %arg6[%dma_start3A_18, %dma_start3A_19, %dma_start3A_20] : memref<8x64x128xf32, #tpu.memory_space<vmem>> -> memref<1x64x128xf32, #tpu.memory_space<vmem>>
    %dma_start3A_22 = tpu.memref_squeeze %dma_start3A_21 : memref<1x64x128xf32, #tpu.memory_space<vmem>> -> memref<64x128xf32, #tpu.memory_space<vmem>>
    %dma_start3A_23 = arith.constant 0 : i32
    %dma_start3A_24 = tpu.memref_slice %arg3[%dma_start3A_23, %multiple_of3A] : memref<64x1000000xf32, #tpu.memory_space<hbm>> -> memref<64x128xf32, #tpu.memory_space<hbm>>
    %dma_start3A_25 = arith.constant 0 : i32
    %dma_start3A_26 = arith.constant 0 : i32
    %dma_start3A_27 = tpu.memref_slice %arg6[%dma_start3A_18, %dma_start3A_25, %dma_start3A_26] : memref<8x64x128xf32, #tpu.memory_space<vmem>> -> memref<1x64x128xf32, #tpu.memory_space<vmem>>
    %dma_start3A_28 = tpu.memref_squeeze %dma_start3A_27 : memref<1x64x128xf32, #tpu.memory_space<vmem>> -> memref<64x128xf32, #tpu.memory_space<vmem>>
    %dma_start3A_29 = arith.constant 0 : i32
    %dma_start3A_30 = tpu.memref_slice %arg3[%dma_start3A_29, %multiple_of3A] : memref<64x1000000xf32, #tpu.memory_space<hbm>> -> memref<64x128xf32, #tpu.memory_space<hbm>>
    tpu.enqueue_dma source(%dma_start3A_30 : memref<64x128xf32, #tpu.memory_space<hbm>>) target(%dma_start3A_28 : memref<64x128xf32, #tpu.memory_space<vmem>>) target_semaphore(%arg9 : memref<!tpu.dma_semaphore, #tpu.memory_space<semaphore_mem>>)
    %slice3A_31 = vector.extract_strided_slice %shift_right_logical3A_15 {offsets = [1], sizes = [1], strides = [1]} : vector<16xi32> to vector<1xi32>
    %squeeze3A_32 = vector.extract %slice3A_31[0] : i32 from vector<1xi32>
    %mul3A_33 = arith.constant 128 : i32
    %mul3A_34 = arith.muli %squeeze3A_32, %mul3A_33 : i32
    %multiple_of3A_35 = tpu.assume_multiple %mul3A_34, 128 : i32
    %dma_start3A_36 = arith.constant 1 : i32
    %dma_start3A_37 = arith.constant 0 : i32
    %dma_start3A_38 = arith.constant 0 : i32
    %dma_start3A_39 = tpu.memref_slice %arg6[%dma_start3A_36, %dma_start3A_37, %dma_start3A_38] : memref<8x64x128xf32, #tpu.memory_space<vmem>> -> memref<1x64x128xf32, #tpu.memory_space<vmem>>
    %dma_start3A_40 = tpu.memref_squeeze %dma_start3A_39 : memref<1x64x128xf32, #tpu.memory_space<vmem>> -> memref<64x128xf32, #tpu.memory_space<vmem>>
    %dma_start3A_41 = arith.constant 0 : i32
    %dma_start3A_42 = tpu.memref_slice %arg3[%dma_start3A_41, %multiple_of3A_35] : memref<64x1000000xf32, #tpu.memory_space<hbm>> -> memref<64x128xf32, #tpu.memory_space<hbm>>
    %dma_start3A_43 = arith.constant 0 : i32
    %dma_start3A_44 = arith.constant 0 : i32
    %dma_start3A_45 = tpu.memref_slice %arg6[%dma_start3A_36, %dma_start3A_43, %dma_start3A_44] : memref<8x64x128xf32, #tpu.memory_space<vmem>> -> memref<1x64x128xf32, #tpu.memory_space<vmem>>
    %dma_start3A_46 = tpu.memref_squeeze %dma_start3A_45 : memref<1x64x128xf32, #tpu.memory_space<vmem>> -> memref<64x128xf32, #tpu.memory_space<vmem>>
    %dma_start3A_47 = arith.constant 0 : i32
    %dma_start3A_48 = tpu.memref_slice %arg3[%dma_start3A_47, %multiple_of3A_35] : memref<64x1000000xf32, #tpu.memory_space<hbm>> -> memref<64x128xf32, #tpu.memory_space<hbm>>
    tpu.enqueue_dma source(%dma_start3A_48 : memref<64x128xf32, #tpu.memory_space<hbm>>) target(%dma_start3A_46 : memref<64x128xf32, #tpu.memory_space<vmem>>) target_semaphore(%arg9 : memref<!tpu.dma_semaphore, #tpu.memory_space<semaphore_mem>>)
    %slice3A_49 = vector.extract_strided_slice %shift_right_logical3A_15 {offsets = [2], sizes = [1], strides = [1]} : vector<16xi32> to vector<1xi32>
    %squeeze3A_50 = vector.extract %slice3A_49[0] : i32 from vector<1xi32>
    %mul3A_51 = arith.constant 128 : i32
    %mul3A_52 = arith.muli %squeeze3A_50, %mul3A_51 : i32
    %multiple_of3A_53 = tpu.assume_multiple %mul3A_52, 128 : i32
    %dma_start3A_54 = arith.constant 2 : i32
    %dma_start3A_55 = arith.constant 0 : i32
    %dma_start3A_56 = arith.constant 0 : i32
    %dma_start3A_57 = tpu.memref_slice %arg6[%dma_start3A_54, %dma_start3A_55, %dma_start3A_56] : memref<8x64x128xf32, #tpu.memory_space<vmem>> -> memref<1x64x128xf32, #tpu.memory_space<vmem>>
    %dma_start3A_58 = tpu.memref_squeeze %dma_start3A_57 : memref<1x64x128xf32, #tpu.memory_space<vmem>> -> memref<64x128xf32, #tpu.memory_space<vmem>>
    %dma_start3A_59 = arith.constant 0 : i32
    %dma_start3A_60 = tpu.memref_slice %arg3[%dma_start3A_59, %multiple_of3A_53] : memref<64x1000000xf32, #tpu.memory_space<hbm>> -> memref<64x128xf32, #tpu.memory_space<hbm>>
    %dma_start3A_61 = arith.constant 0 : i32
    %dma_start3A_62 = arith.constant 0 : i32
    %dma_start3A_63 = tpu.memref_slice %arg6[%dma_start3A_54, %dma_start3A_61, %dma_start3A_62] : memref<8x64x128xf32, #tpu.memory_space<vmem>> -> memref<1x64x128xf32, #tpu.memory_space<vmem>>
    %dma_start3A_64 = tpu.memref_squeeze %dma_start3A_63 : memref<1x64x128xf32, #tpu.memory_space<vmem>> -> memref<64x128xf32, #tpu.memory_space<vmem>>
    %dma_start3A_65 = arith.constant 0 : i32
    %dma_start3A_66 = tpu.memref_slice %arg3[%dma_start3A_65, %multiple_of3A_53] : memref<64x1000000xf32, #tpu.memory_space<hbm>> -> memref<64x128xf32, #tpu.memory_space<hbm>>
    tpu.enqueue_dma source(%dma_start3A_66 : memref<64x128xf32, #tpu.memory_space<hbm>>) target(%dma_start3A_64 : memref<64x128xf32, #tpu.memory_space<vmem>>) target_semaphore(%arg9 : memref<!tpu.dma_semaphore, #tpu.memory_space<semaphore_mem>>)
    %slice3A_67 = vector.extract_strided_slice %shift_right_logical3A_15 {offsets = [3], sizes = [1], strides = [1]} : vector<16xi32> to vector<1xi32>
    %squeeze3A_68 = vector.extract %slice3A_67[0] : i32 from vector<1xi32>
    %mul3A_69 = arith.constant 128 : i32
    %mul3A_70 = arith.muli %squeeze3A_68, %mul3A_69 : i32
    %multiple_of3A_71 = tpu.assume_multiple %mul3A_70, 128 : i32
    %dma_start3A_72 = arith.constant 3 : i32
    %dma_start3A_73 = arith.constant 0 : i32
    %dma_start3A_74 = arith.constant 0 : i32
    %dma_start3A_75 = tpu.memref_slice %arg6[%dma_start3A_72, %dma_start3A_73, %dma_start3A_74] : memref<8x64x128xf32, #tpu.memory_space<vmem>> -> memref<1x64x128xf32, #tpu.memory_space<vmem>>
    %dma_start3A_76 = tpu.memref_squeeze %dma_start3A_75 : memref<1x64x128xf32, #tpu.memory_space<vmem>> -> memref<64x128xf32, #tpu.memory_space<vmem>>
    %dma_start3A_77 = arith.constant 0 : i32
    %dma_start3A_78 = tpu.memref_slice %arg3[%dma_start3A_77, %multiple_of3A_71] : memref<64x1000000xf32, #tpu.memory_space<hbm>> -> memref<64x128xf32, #tpu.memory_space<hbm>>
    %dma_start3A_79 = arith.constant 0 : i32
    %dma_start3A_80 = arith.constant 0 : i32
    %dma_start3A_81 = tpu.memref_slice %arg6[%dma_start3A_72, %dma_start3A_79, %dma_start3A_80] : memref<8x64x128xf32, #tpu.memory_space<vmem>> -> memref<1x64x128xf32, #tpu.memory_space<vmem>>
    %dma_start3A_82 = tpu.memref_squeeze %dma_start3A_81 : memref<1x64x128xf32, #tpu.memory_space<vmem>> -> memref<64x128xf32, #tpu.memory_space<vmem>>
    %dma_start3A_83 = arith.constant 0 : i32
    %dma_start3A_84 = tpu.memref_slice %arg3[%dma_start3A_83, %multiple_of3A_71] : memref<64x1000000xf32, #tpu.memory_space<hbm>> -> memref<64x128xf32, #tpu.memory_space<hbm>>
    tpu.enqueue_dma source(%dma_start3A_84 : memref<64x128xf32, #tpu.memory_space<hbm>>) target(%dma_start3A_82 : memref<64x128xf32, #tpu.memory_space<vmem>>) target_semaphore(%arg9 : memref<!tpu.dma_semaphore, #tpu.memory_space<semaphore_mem>>)
    %scan3A = arith.constant 0 : i32
    %scan3A_85 = arith.constant 32 : i32
    %scan3A_86 = arith.addi %scan3A, %scan3A_85 : i32
    %scan3A_87 = arith.constant 1 : i32
    scf.for %scan3A_149 = %scan3A to %scan3A_86 step %scan3A_87  : i32 {
      %mul3A_150 = arith.constant 16 : i32
      %mul3A_151 = arith.muli %scan3A_149, %mul3A_150 : i32
      %get3A_152 = arith.index_cast %mul3A_151 : i32 to index
      %get3A_153 = tpu.vector_load %arg5[%get3A_152] {strides = array<i32>} : memref<512xi32, #tpu.memory_space<vmem>>, vector<16xi32>,
      %add3A_154 = arith.constant 1 : i32
      %add3A_155 = arith.addi %scan3A_149, %add3A_154 : i32
      %rem3A = arith.constant 32 : i32
      %rem3A_156 = arith.remsi %add3A_155, %rem3A : i32
      %mul3A_157 = arith.constant 16 : i32
      %mul3A_158 = arith.muli %rem3A_156, %mul3A_157 : i32
      %get3A_159 = arith.index_cast %mul3A_158 : i32 to index
      %get3A_160 = tpu.vector_load %arg5[%get3A_159] {strides = array<i32>} : memref<512xi32, #tpu.memory_space<vmem>>, vector<16xi32>,
      %shift_right_logical3A_161 = arith.constant 7 : i32
      %shift_right_logical3A_162 = vector.broadcast %shift_right_logical3A_161 : i32 to vector<16xi32>
      %shift_right_logical3A_163 = arith.shrui %get3A_153, %shift_right_logical3A_162 : vector<16xi32>
      %shift_right_logical3A_164 = arith.constant 7 : i32
      %shift_right_logical3A_165 = vector.broadcast %shift_right_logical3A_164 : i32 to vector<16xi32>
      %shift_right_logical3A_166 = arith.shrui %get3A_160, %shift_right_logical3A_165 : vector<16xi32>
      %and3A = arith.constant 127 : i32
      %and3A_167 = vector.broadcast %and3A : i32 to vector<16xi32>
      %and3A_168 = arith.andi %get3A_153, %and3A_167 : vector<16xi32>
      %mul3A_169 = arith.constant 16 : i32
      %mul3A_170 = arith.muli %scan3A_149, %mul3A_169 : i32
      %slice3A_171 = vector.extract_strided_slice %shift_right_logical3A_163 {offsets = [4], sizes = [1], strides = [1]} : vector<16xi32> to vector<1xi32>
      %squeeze3A_172 = vector.extract %slice3A_171[0] : i32 from vector<1xi32>
      %mul3A_173 = arith.constant 128 : i32
      %mul3A_174 = arith.muli %squeeze3A_172, %mul3A_173 : i32
      %multiple_of3A_175 = tpu.assume_multiple %mul3A_174, 128 : i32
      %dma_start3A_176 = arith.constant 4 : i32
      %dma_start3A_177 = arith.constant 0 : i32
      %dma_start3A_178 = arith.constant 0 : i32
      %dma_start3A_179 = tpu.memref_slice %arg6[%dma_start3A_176, %dma_start3A_177, %dma_start3A_178] : memref<8x64x128xf32, #tpu.memory_space<vmem>> -> memref<1x64x128xf32, #tpu.memory_space<vmem>>
      %dma_start3A_180 = tpu.memref_squeeze %dma_start3A_179 : memref<1x64x128xf32, #tpu.memory_space<vmem>> -> memref<64x128xf32, #tpu.memory_space<vmem>>
      %dma_start3A_181 = arith.constant 0 : i32
      %dma_start3A_182 = tpu.memref_slice %arg3[%dma_start3A_181, %multiple_of3A_175] : memref<64x1000000xf32, #tpu.memory_space<hbm>> -> memref<64x128xf32, #tpu.memory_space<hbm>>
      %dma_start3A_183 = arith.constant 0 : i32
      %dma_start3A_184 = arith.constant 0 : i32
      %dma_start3A_185 = tpu.memref_slice %arg6[%dma_start3A_176, %dma_start3A_183, %dma_start3A_184] : memref<8x64x128xf32, #tpu.memory_space<vmem>> -> memref<1x64x128xf32, #tpu.memory_space<vmem>>
      %dma_start3A_186 = tpu.memref_squeeze %dma_start3A_185 : memref<1x64x128xf32, #tpu.memory_space<vmem>> -> memref<64x128xf32, #tpu.memory_space<vmem>>
      %dma_start3A_187 = arith.constant 0 : i32
      %dma_start3A_188 = tpu.memref_slice %arg3[%dma_start3A_187, %multiple_of3A_175] : memref<64x1000000xf32, #tpu.memory_space<hbm>> -> memref<64x128xf32, #tpu.memory_space<hbm>>
      tpu.enqueue_dma source(%dma_start3A_188 : memref<64x128xf32, #tpu.memory_space<hbm>>) target(%dma_start3A_186 : memref<64x128xf32, #tpu.memory_space<vmem>>) target_semaphore(%arg9 : memref<!tpu.dma_semaphore, #tpu.memory_space<semaphore_mem>>)
      %dma_wait3A_189 = arith.constant 0 : i32
      %dma_wait3A_190 = arith.constant 0 : i32
      %dma_wait3A_191 = arith.constant 0 : i32
      %dma_wait3A_192 = tpu.memref_slice %arg6[%dma_wait3A_189, %dma_wait3A_190, %dma_wait3A_191] : memref<8x64x128xf32, #tpu.memory_space<vmem>> -> memref<1x64x128xf32, #tpu.memory_space<vmem>>
      %dma_wait3A_193 = tpu.memref_squeeze %dma_wait3A_192 : memref<1x64x128xf32, #tpu.memory_space<vmem>> -> memref<64x128xf32, #tpu.memory_space<vmem>>
      %dma_wait3A_194 = arith.constant 0 : i32
      %dma_wait3A_195 = arith.constant 0 : i32
      %dma_wait3A_196 = tpu.memref_slice %arg3[%dma_wait3A_194, %dma_wait3A_195] : memref<64x1000000xf32, #tpu.memory_space<hbm>> -> memref<64x128xf32, #tpu.memory_space<hbm>>
      %dma_wait3A_197 = arith.constant 0 : i32
      %dma_wait3A_198 = arith.constant 0 : i32
      %dma_wait3A_199 = tpu.memref_slice %arg6[%dma_wait3A_189, %dma_wait3A_197, %dma_wait3A_198] : memref<8x64x128xf32, #tpu.memory_space<vmem>> -> memref<1x64x128xf32, #tpu.memory_space<vmem>>
      %dma_wait3A_200 = tpu.memref_squeeze %dma_wait3A_199 : memref<1x64x128xf32, #tpu.memory_space<vmem>> -> memref<64x128xf32, #tpu.memory_space<vmem>>
      %dma_wait3A_201 = arith.constant 0 : i32
      %dma_wait3A_202 = arith.constant 0 : i32
      %dma_wait3A_203 = tpu.memref_slice %arg3[%dma_wait3A_201, %dma_wait3A_202] : memref<64x1000000xf32, #tpu.memory_space<hbm>> -> memref<64x128xf32, #tpu.memory_space<hbm>>
      tpu.wait_dma2 semaphore(%arg9 : memref<!tpu.dma_semaphore, #tpu.memory_space<semaphore_mem>>) src(%dma_wait3A_203 : memref<64x128xf32, #tpu.memory_space<hbm>>) dst(%dma_wait3A_200 : memref<64x128xf32, #tpu.memory_space<vmem>>)
      %slice3A_204 = vector.extract_strided_slice %and3A_168 {offsets = [0], sizes = [1], strides = [1]} : vector<16xi32> to vector<1xi32>
      %squeeze3A_205 = vector.extract %slice3A_204[0] : i32 from vector<1xi32>
      %add3A_206 = arith.constant 0 : i32
      %add3A_207 = arith.addi %mul3A_170, %add3A_206 : i32
      %add3A_208 = arith.constant 0 : i32
      %add3A_209 = vector.broadcast %add3A_208 : i32 to vector<16xi32>
      %add3A_210 = arith.addi %add3A_209, %iota3A : vector<16xi32>
      %broadcast_in_dim3A = vector.broadcast %squeeze3A_205 : i32 to vector<16xi32>
      %gather3A = arith.constant 0 : i32
      %gather3A_211 = arith.constant 0 : i32
      %gather3A_212 = arith.constant 0 : i32
      %gather3A_213 = tpu.memref_slice %arg6[%gather3A, %gather3A_211, %gather3A_212] : memref<8x64x128xf32, #tpu.memory_space<vmem>> -> memref<1x64x128xf32, #tpu.memory_space<vmem>>
      %gather3A_214 = tpu.memref_squeeze %gather3A_213 : memref<1x64x128xf32, #tpu.memory_space<vmem>> -> memref<64x128xf32, #tpu.memory_space<vmem>>
      %gather3A_215 = tpu.vector_load_idx %gather3A_214[%add3A_210, %broadcast_in_dim3A] : memref<64x128xf32, #tpu.memory_space<vmem>>[vector<16xi32>, vector<16xi32>], vector<16xf32>,
      %broadcast_in_dim3A_216 = vector.broadcast %add3A_207 : i32 to vector<16xi32>
      tpu.vector_store_idx %arg7[%add3A_210, %broadcast_in_dim3A_216], %gather3A_215 : memref<64x512xf32, #tpu.memory_space<vmem>>[vector<16xi32>, vector<16xi32>], vector<16xf32>,
      %add3A_217 = arith.constant 16 : i32
      %add3A_218 = vector.broadcast %add3A_217 : i32 to vector<16xi32>
      %add3A_219 = arith.addi %add3A_218, %iota3A : vector<16xi32>
      %broadcast_in_dim3A_220 = vector.broadcast %squeeze3A_205 : i32 to vector<16xi32>
      %gather3A_221 = arith.constant 0 : i32
      %gather3A_222 = arith.constant 0 : i32
      %gather3A_223 = arith.constant 0 : i32
      %gather3A_224 = tpu.memref_slice %arg6[%gather3A_221, %gather3A_222, %gather3A_223] : memref<8x64x128xf32, #tpu.memory_space<vmem>> -> memref<1x64x128xf32, #tpu.memory_space<vmem>>
      %gather3A_225 = tpu.memref_squeeze %gather3A_224 : memref<1x64x128xf32, #tpu.memory_space<vmem>> -> memref<64x128xf32, #tpu.memory_space<vmem>>
      %gather3A_226 = tpu.vector_load_idx %gather3A_225[%add3A_219, %broadcast_in_dim3A_220] : memref<64x128xf32, #tpu.memory_space<vmem>>[vector<16xi32>, vector<16xi32>], vector<16xf32>,
      %broadcast_in_dim3A_227 = vector.broadcast %add3A_207 : i32 to vector<16xi32>
      tpu.vector_store_idx %arg7[%add3A_219, %broadcast_in_dim3A_227], %gather3A_226 : memref<64x512xf32, #tpu.memory_space<vmem>>[vector<16xi32>, vector<16xi32>], vector<16xf32>,
      %add3A_228 = arith.constant 32 : i32
      %add3A_229 = vector.broadcast %add3A_228 : i32 to vector<16xi32>
      %add3A_230 = arith.addi %add3A_229, %iota3A : vector<16xi32>
      %broadcast_in_dim3A_231 = vector.broadcast %squeeze3A_205 : i32 to vector<16xi32>
      %gather3A_232 = arith.constant 0 : i32
      %gather3A_233 = arith.constant 0 : i32
      %gather3A_234 = arith.constant 0 : i32
      %gather3A_235 = tpu.memref_slice %arg6[%gather3A_232, %gather3A_233, %gather3A_234] : memref<8x64x128xf32, #tpu.memory_space<vmem>> -> memref<1x64x128xf32, #tpu.memory_space<vmem>>
      %gather3A_236 = tpu.memref_squeeze %gather3A_235 : memref<1x64x128xf32, #tpu.memory_space<vmem>> -> memref<64x128xf32, #tpu.memory_space<vmem>>
      %gather3A_237 = tpu.vector_load_idx %gather3A_236[%add3A_230, %broadcast_in_dim3A_231] : memref<64x128xf32, #tpu.memory_space<vmem>>[vector<16xi32>, vector<16xi32>], vector<16xf32>,
      %broadcast_in_dim3A_238 = vector.broadcast %add3A_207 : i32 to vector<16xi32>
      tpu.vector_store_idx %arg7[%add3A_230, %broadcast_in_dim3A_238], %gather3A_237 : memref<64x512xf32, #tpu.memory_space<vmem>>[vector<16xi32>, vector<16xi32>], vector<16xf32>,
      %add3A_239 = arith.constant 48 : i32
      %add3A_240 = vector.broadcast %add3A_239 : i32 to vector<16xi32>
      %add3A_241 = arith.addi %add3A_240, %iota3A : vector<16xi32>
      %broadcast_in_dim3A_242 = vector.broadcast %squeeze3A_205 : i32 to vector<16xi32>
      %gather3A_243 = arith.constant 0 : i32
      %gather3A_244 = arith.constant 0 : i32
      %gather3A_245 = arith.constant 0 : i32
      %gather3A_246 = tpu.memref_slice %arg6[%gather3A_243, %gather3A_244, %gather3A_245] : memref<8x64x128xf32, #tpu.memory_space<vmem>> -> memref<1x64x128xf32, #tpu.memory_space<vmem>>
      %gather3A_247 = tpu.memref_squeeze %gather3A_246 : memref<1x64x128xf32, #tpu.memory_space<vmem>> -> memref<64x128xf32, #tpu.memory_space<vmem>>
      %gather3A_248 = tpu.vector_load_idx %gather3A_247[%add3A_241, %broadcast_in_dim3A_242] : memref<64x128xf32, #tpu.memory_space<vmem>>[vector<16xi32>, vector<16xi32>], vector<16xf32>,
      %broadcast_in_dim3A_249 = vector.broadcast %add3A_207 : i32 to vector<16xi32>
      tpu.vector_store_idx %arg7[%add3A_241, %broadcast_in_dim3A_249], %gather3A_248 : memref<64x512xf32, #tpu.memory_space<vmem>>[vector<16xi32>, vector<16xi32>], vector<16xf32>,
      %slice3A_250 = vector.extract_strided_slice %shift_right_logical3A_163 {offsets = [5], sizes = [1], strides = [1]} : vector<16xi32> to vector<1xi32>
      %squeeze3A_251 = vector.extract %slice3A_250[0] : i32 from vector<1xi32>
      %mul3A_252 = arith.constant 128 : i32
      %mul3A_253 = arith.muli %squeeze3A_251, %mul3A_252 : i32
      %multiple_of3A_254 = tpu.assume_multiple %mul3A_253, 128 : i32
      %dma_start3A_255 = arith.constant 5 : i32
      %dma_start3A_256 = arith.constant 0 : i32
      %dma_start3A_257 = arith.constant 0 : i32
      %dma_start3A_258 = tpu.memref_slice %arg6[%dma_start3A_255, %dma_start3A_256, %dma_start3A_257] : memref<8x64x128xf32, #tpu.memory_space<vmem>> -> memref<1x64x128xf32, #tpu.memory_space<vmem>>
      %dma_start3A_259 = tpu.memref_squeeze %dma_start3A_258 : memref<1x64x128xf32, #tpu.memory_space<vmem>> -> memref<64x128xf32, #tpu.memory_space<vmem>>
      %dma_start3A_260 = arith.constant 0 : i32
      %dma_start3A_261 = tpu.memref_slice %arg3[%dma_start3A_260, %multiple_of3A_254] : memref<64x1000000xf32, #tpu.memory_space<hbm>> -> memref<64x128xf32, #tpu.memory_space<hbm>>
      %dma_start3A_262 = arith.constant 0 : i32
      %dma_start3A_263 = arith.constant 0 : i32
      %dma_start3A_264 = tpu.memref_slice %arg6[%dma_start3A_255, %dma_start3A_262, %dma_start3A_263] : memref<8x64x128xf32, #tpu.memory_space<vmem>> -> memref<1x64x128xf32, #tpu.memory_space<vmem>>
      %dma_start3A_265 = tpu.memref_squeeze %dma_start3A_264 : memref<1x64x128xf32, #tpu.memory_space<vmem>> -> memref<64x128xf32, #tpu.memory_space<vmem>>
      %dma_start3A_266 = arith.constant 0 : i32
      %dma_start3A_267 = tpu.memref_slice %arg3[%dma_start3A_266, %multiple_of3A_254] : memref<64x1000000xf32, #tpu.memory_space<hbm>> -> memref<64x128xf32, #tpu.memory_space<hbm>>
      tpu.enqueue_dma source(%dma_start3A_267 : memref<64x128xf32, #tpu.memory_space<hbm>>) target(%dma_start3A_265 : memref<64x128xf32, #tpu.memory_space<vmem>>) target_semaphore(%arg9 : memref<!tpu.dma_semaphore, #tpu.memory_space<semaphore_mem>>)
      %dma_wait3A_268 = arith.constant 1 : i32
      %dma_wait3A_269 = arith.constant 0 : i32
      %dma_wait3A_270 = arith.constant 0 : i32
      %dma_wait3A_271 = tpu.memref_slice %arg6[%dma_wait3A_268, %dma_wait3A_269, %dma_wait3A_270] : memref<8x64x128xf32, #tpu.memory_space<vmem>> -> memref<1x64x128xf32, #tpu.memory_space<vmem>>
      %dma_wait3A_272 = tpu.memref_squeeze %dma_wait3A_271 : memref<1x64x128xf32, #tpu.memory_space<vmem>> -> memref<64x128xf32, #tpu.memory_space<vmem>>
      %dma_wait3A_273 = arith.constant 0 : i32
      %dma_wait3A_274 = arith.constant 0 : i32
      %dma_wait3A_275 = tpu.memref_slice %arg3[%dma_wait3A_273, %dma_wait3A_274] : memref<64x1000000xf32, #tpu.memory_space<hbm>> -> memref<64x128xf32, #tpu.memory_space<hbm>>
      %dma_wait3A_276 = arith.constant 0 : i32
      %dma_wait3A_277 = arith.constant 0 : i32
      %dma_wait3A_278 = tpu.memref_slice %arg6[%dma_wait3A_268, %dma_wait3A_276, %dma_wait3A_277] : memref<8x64x128xf32, #tpu.memory_space<vmem>> -> memref<1x64x128xf32, #tpu.memory_space<vmem>>
      %dma_wait3A_279 = tpu.memref_squeeze %dma_wait3A_278 : memref<1x64x128xf32, #tpu.memory_space<vmem>> -> memref<64x128xf32, #tpu.memory_space<vmem>>
      %dma_wait3A_280 = arith.constant 0 : i32
      %dma_wait3A_281 = arith.constant 0 : i32
      %dma_wait3A_282 = tpu.memref_slice %arg3[%dma_wait3A_280, %dma_wait3A_281] : memref<64x1000000xf32, #tpu.memory_space<hbm>> -> memref<64x128xf32, #tpu.memory_space<hbm>>
      tpu.wait_dma2 semaphore(%arg9 : memref<!tpu.dma_semaphore, #tpu.memory_space<semaphore_mem>>) src(%dma_wait3A_282 : memref<64x128xf32, #tpu.memory_space<hbm>>) dst(%dma_wait3A_279 : memref<64x128xf32, #tpu.memory_space<vmem>>)
      %slice3A_283 = vector.extract_strided_slice %and3A_168 {offsets = [1], sizes = [1], strides = [1]} : vector<16xi32> to vector<1xi32>
      %squeeze3A_284 = vector.extract %slice3A_283[0] : i32 from vector<1xi32>
      %add3A_285 = arith.constant 1 : i32
      %add3A_286 = arith.addi %mul3A_170, %add3A_285 : i32
      %add3A_287 = arith.constant 0 : i32
      %add3A_288 = vector.broadcast %add3A_287 : i32 to vector<16xi32>
      %add3A_289 = arith.addi %add3A_288, %iota3A : vector<16xi32>
      %broadcast_in_dim3A_290 = vector.broadcast %squeeze3A_284 : i32 to vector<16xi32>
      %gather3A_291 = arith.constant 1 : i32
      %gather3A_292 = arith.constant 0 : i32
      %gather3A_293 = arith.constant 0 : i32
      %gather3A_294 = tpu.memref_slice %arg6[%gather3A_291, %gather3A_292, %gather3A_293] : memref<8x64x128xf32, #tpu.memory_space<vmem>> -> memref<1x64x128xf32, #tpu.memory_space<vmem>>
      %gather3A_295 = tpu.memref_squeeze %gather3A_294 : memref<1x64x128xf32, #tpu.memory_space<vmem>> -> memref<64x128xf32, #tpu.memory_space<vmem>>
      %gather3A_296 = tpu.vector_load_idx %gather3A_295[%add3A_289, %broadcast_in_dim3A_290] : memref<64x128xf32, #tpu.memory_space<vmem>>[vector<16xi32>, vector<16xi32>], vector<16xf32>,
      %broadcast_in_dim3A_297 = vector.broadcast %add3A_286 : i32 to vector<16xi32>
      tpu.vector_store_idx %arg7[%add3A_289, %broadcast_in_dim3A_297], %gather3A_296 : memref<64x512xf32, #tpu.memory_space<vmem>>[vector<16xi32>, vector<16xi32>], vector<16xf32>,
      %add3A_298 = arith.constant 16 : i32
      %add3A_299 = vector.broadcast %add3A_298 : i32 to vector<16xi32>
      %add3A_300 = arith.addi %add3A_299, %iota3A : vector<16xi32>
      %broadcast_in_dim3A_301 = vector.broadcast %squeeze3A_284 : i32 to vector<16xi32>
      %gather3A_302 = arith.constant 1 : i32
      %gather3A_303 = arith.constant 0 : i32
      %gather3A_304 = arith.constant 0 : i32
      %gather3A_305 = tpu.memref_slice %arg6[%gather3A_302, %gather3A_303, %gather3A_304] : memref<8x64x128xf32, #tpu.memory_space<vmem>> -> memref<1x64x128xf32, #tpu.memory_space<vmem>>
      %gather3A_306 = tpu.memref_squeeze %gather3A_305 : memref<1x64x128xf32, #tpu.memory_space<vmem>> -> memref<64x128xf32, #tpu.memory_space<vmem>>
      %gather3A_307 = tpu.vector_load_idx %gather3A_306[%add3A_300, %broadcast_in_dim3A_301] : memref<64x128xf32, #tpu.memory_space<vmem>>[vector<16xi32>, vector<16xi32>], vector<16xf32>,
      %broadcast_in_dim3A_308 = vector.broadcast %add3A_286 : i32 to vector<16xi32>
      tpu.vector_store_idx %arg7[%add3A_300, %broadcast_in_dim3A_308], %gather3A_307 : memref<64x512xf32, #tpu.memory_space<vmem>>[vector<16xi32>, vector<16xi32>], vector<16xf32>,
      %add3A_309 = arith.constant 32 : i32
      %add3A_310 = vector.broadcast %add3A_309 : i32 to vector<16xi32>
      %add3A_311 = arith.addi %add3A_310, %iota3A : vector<16xi32>
      %broadcast_in_dim3A_312 = vector.broadcast %squeeze3A_284 : i32 to vector<16xi32>
      %gather3A_313 = arith.constant 1 : i32
      %gather3A_314 = arith.constant 0 : i32
      %gather3A_315 = arith.constant 0 : i32
      %gather3A_316 = tpu.memref_slice %arg6[%gather3A_313, %gather3A_314, %gather3A_315] : memref<8x64x128xf32, #tpu.memory_space<vmem>> -> memref<1x64x128xf32, #tpu.memory_space<vmem>>
      %gather3A_317 = tpu.memref_squeeze %gather3A_316 : memref<1x64x128xf32, #tpu.memory_space<vmem>> -> memref<64x128xf32, #tpu.memory_space<vmem>>
      %gather3A_318 = tpu.vector_load_idx %gather3A_317[%add3A_311, %broadcast_in_dim3A_312] : memref<64x128xf32, #tpu.memory_space<vmem>>[vector<16xi32>, vector<16xi32>], vector<16xf32>,
      %broadcast_in_dim3A_319 = vector.broadcast %add3A_286 : i32 to vector<16xi32>
      tpu.vector_store_idx %arg7[%add3A_311, %broadcast_in_dim3A_319], %gather3A_318 : memref<64x512xf32, #tpu.memory_space<vmem>>[vector<16xi32>, vector<16xi32>], vector<16xf32>,
      %add3A_320 = arith.constant 48 : i32
      %add3A_321 = vector.broadcast %add3A_320 : i32 to vector<16xi32>
      %add3A_322 = arith.addi %add3A_321, %iota3A : vector<16xi32>
      %broadcast_in_dim3A_323 = vector.broadcast %squeeze3A_284 : i32 to vector<16xi32>
      %gather3A_324 = arith.constant 1 : i32
      %gather3A_325 = arith.constant 0 : i32
      %gather3A_326 = arith.constant 0 : i32
      %gather3A_327 = tpu.memref_slice %arg6[%gather3A_324, %gather3A_325, %gather3A_326] : memref<8x64x128xf32, #tpu.memory_space<vmem>> -> memref<1x64x128xf32, #tpu.memory_space<vmem>>
      %gather3A_328 = tpu.memref_squeeze %gather3A_327 : memref<1x64x128xf32, #tpu.memory_space<vmem>> -> memref<64x128xf32, #tpu.memory_space<vmem>>
      %gather3A_329 = tpu.vector_load_idx %gather3A_328[%add3A_322, %broadcast_in_dim3A_323] : memref<64x128xf32, #tpu.memory_space<vmem>>[vector<16xi32>, vector<16xi32>], vector<16xf32>,
      %broadcast_in_dim3A_330 = vector.broadcast %add3A_286 : i32 to vector<16xi32>
      tpu.vector_store_idx %arg7[%add3A_322, %broadcast_in_dim3A_330], %gather3A_329 : memref<64x512xf32, #tpu.memory_space<vmem>>[vector<16xi32>, vector<16xi32>], vector<16xf32>,
      %slice3A_331 = vector.extract_strided_slice %shift_right_logical3A_163 {offsets = [6], sizes = [1], strides = [1]} : vector<16xi32> to vector<1xi32>
      %squeeze3A_332 = vector.extract %slice3A_331[0] : i32 from vector<1xi32>
      %mul3A_333 = arith.constant 128 : i32
      %mul3A_334 = arith.muli %squeeze3A_332, %mul3A_333 : i32
      %multiple_of3A_335 = tpu.assume_multiple %mul3A_334, 128 : i32
      %dma_start3A_336 = arith.constant 6 : i32
      %dma_start3A_337 = arith.constant 0 : i32
      %dma_start3A_338 = arith.constant 0 : i32
      %dma_start3A_339 = tpu.memref_slice %arg6[%dma_start3A_336, %dma_start3A_337, %dma_start3A_338] : memref<8x64x128xf32, #tpu.memory_space<vmem>> -> memref<1x64x128xf32, #tpu.memory_space<vmem>>
      %dma_start3A_340 = tpu.memref_squeeze %dma_start3A_339 : memref<1x64x128xf32, #tpu.memory_space<vmem>> -> memref<64x128xf32, #tpu.memory_space<vmem>>
      %dma_start3A_341 = arith.constant 0 : i32
      %dma_start3A_342 = tpu.memref_slice %arg3[%dma_start3A_341, %multiple_of3A_335] : memref<64x1000000xf32, #tpu.memory_space<hbm>> -> memref<64x128xf32, #tpu.memory_space<hbm>>
      %dma_start3A_343 = arith.constant 0 : i32
      %dma_start3A_344 = arith.constant 0 : i32
      %dma_start3A_345 = tpu.memref_slice %arg6[%dma_start3A_336, %dma_start3A_343, %dma_start3A_344] : memref<8x64x128xf32, #tpu.memory_space<vmem>> -> memref<1x64x128xf32, #tpu.memory_space<vmem>>
      %dma_start3A_346 = tpu.memref_squeeze %dma_start3A_345 : memref<1x64x128xf32, #tpu.memory_space<vmem>> -> memref<64x128xf32, #tpu.memory_space<vmem>>
      %dma_start3A_347 = arith.constant 0 : i32
      %dma_start3A_348 = tpu.memref_slice %arg3[%dma_start3A_347, %multiple_of3A_335] : memref<64x1000000xf32, #tpu.memory_space<hbm>> -> memref<64x128xf32, #tpu.memory_space<hbm>>
      tpu.enqueue_dma source(%dma_start3A_348 : memref<64x128xf32, #tpu.memory_space<hbm>>) target(%dma_start3A_346 : memref<64x128xf32, #tpu.memory_space<vmem>>) target_semaphore(%arg9 : memref<!tpu.dma_semaphore, #tpu.memory_space<semaphore_mem>>)
      %dma_wait3A_349 = arith.constant 2 : i32
      %dma_wait3A_350 = arith.constant 0 : i32
      %dma_wait3A_351 = arith.constant 0 : i32
      %dma_wait3A_352 = tpu.memref_slice %arg6[%dma_wait3A_349, %dma_wait3A_350, %dma_wait3A_351] : memref<8x64x128xf32, #tpu.memory_space<vmem>> -> memref<1x64x128xf32, #tpu.memory_space<vmem>>
      %dma_wait3A_353 = tpu.memref_squeeze %dma_wait3A_352 : memref<1x64x128xf32, #tpu.memory_space<vmem>> -> memref<64x128xf32, #tpu.memory_space<vmem>>
      %dma_wait3A_354 = arith.constant 0 : i32
      %dma_wait3A_355 = arith.constant 0 : i32
      %dma_wait3A_356 = tpu.memref_slice %arg3[%dma_wait3A_354, %dma_wait3A_355] : memref<64x1000000xf32, #tpu.memory_space<hbm>> -> memref<64x128xf32, #tpu.memory_space<hbm>>
      %dma_wait3A_357 = arith.constant 0 : i32
      %dma_wait3A_358 = arith.constant 0 : i32
      %dma_wait3A_359 = tpu.memref_slice %arg6[%dma_wait3A_349, %dma_wait3A_357, %dma_wait3A_358] : memref<8x64x128xf32, #tpu.memory_space<vmem>> -> memref<1x64x128xf32, #tpu.memory_space<vmem>>
      %dma_wait3A_360 = tpu.memref_squeeze %dma_wait3A_359 : memref<1x64x128xf32, #tpu.memory_space<vmem>> -> memref<64x128xf32, #tpu.memory_space<vmem>>
      %dma_wait3A_361 = arith.constant 0 : i32
      %dma_wait3A_362 = arith.constant 0 : i32
      %dma_wait3A_363 = tpu.memref_slice %arg3[%dma_wait3A_361, %dma_wait3A_362] : memref<64x1000000xf32, #tpu.memory_space<hbm>> -> memref<64x128xf32, #tpu.memory_space<hbm>>
      tpu.wait_dma2 semaphore(%arg9 : memref<!tpu.dma_semaphore, #tpu.memory_space<semaphore_mem>>) src(%dma_wait3A_363 : memref<64x128xf32, #tpu.memory_space<hbm>>) dst(%dma_wait3A_360 : memref<64x128xf32, #tpu.memory_space<vmem>>)
      %slice3A_364 = vector.extract_strided_slice %and3A_168 {offsets = [2], sizes = [1], strides = [1]} : vector<16xi32> to vector<1xi32>
      %squeeze3A_365 = vector.extract %slice3A_364[0] : i32 from vector<1xi32>
      %add3A_366 = arith.constant 2 : i32
      %add3A_367 = arith.addi %mul3A_170, %add3A_366 : i32
      %add3A_368 = arith.constant 0 : i32
      %add3A_369 = vector.broadcast %add3A_368 : i32 to vector<16xi32>
      %add3A_370 = arith.addi %add3A_369, %iota3A : vector<16xi32>
      %broadcast_in_dim3A_371 = vector.broadcast %squeeze3A_365 : i32 to vector<16xi32>
      %gather3A_372 = arith.constant 2 : i32
      %gather3A_373 = arith.constant 0 : i32
      %gather3A_374 = arith.constant 0 : i32
      %gather3A_375 = tpu.memref_slice %arg6[%gather3A_372, %gather3A_373, %gather3A_374] : memref<8x64x128xf32, #tpu.memory_space<vmem>> -> memref<1x64x128xf32, #tpu.memory_space<vmem>>
      %gather3A_376 = tpu.memref_squeeze %gather3A_375 : memref<1x64x128xf32, #tpu.memory_space<vmem>> -> memref<64x128xf32, #tpu.memory_space<vmem>>
      %gather3A_377 = tpu.vector_load_idx %gather3A_376[%add3A_370, %broadcast_in_dim3A_371] : memref<64x128xf32, #tpu.memory_space<vmem>>[vector<16xi32>, vector<16xi32>], vector<16xf32>,
      %broadcast_in_dim3A_378 = vector.broadcast %add3A_367 : i32 to vector<16xi32>
      tpu.vector_store_idx %arg7[%add3A_370, %broadcast_in_dim3A_378], %gather3A_377 : memref<64x512xf32, #tpu.memory_space<vmem>>[vector<16xi32>, vector<16xi32>], vector<16xf32>,
      %add3A_379 = arith.constant 16 : i32
      %add3A_380 = vector.broadcast %add3A_379 : i32 to vector<16xi32>
      %add3A_381 = arith.addi %add3A_380, %iota3A : vector<16xi32>
      %broadcast_in_dim3A_382 = vector.broadcast %squeeze3A_365 : i32 to vector<16xi32>
      %gather3A_383 = arith.constant 2 : i32
      %gather3A_384 = arith.constant 0 : i32
      %gather3A_385 = arith.constant 0 : i32
      %gather3A_386 = tpu.memref_slice %arg6[%gather3A_383, %gather3A_384, %gather3A_385] : memref<8x64x128xf32, #tpu.memory_space<vmem>> -> memref<1x64x128xf32, #tpu.memory_space<vmem>>
      %gather3A_387 = tpu.memref_squeeze %gather3A_386 : memref<1x64x128xf32, #tpu.memory_space<vmem>> -> memref<64x128xf32, #tpu.memory_space<vmem>>
      %gather3A_388 = tpu.vector_load_idx %gather3A_387[%add3A_381, %broadcast_in_dim3A_382] : memref<64x128xf32, #tpu.memory_space<vmem>>[vector<16xi32>, vector<16xi32>], vector<16xf32>,
      %broadcast_in_dim3A_389 = vector.broadcast %add3A_367 : i32 to vector<16xi32>
      tpu.vector_store_idx %arg7[%add3A_381, %broadcast_in_dim3A_389], %gather3A_388 : memref<64x512xf32, #tpu.memory_space<vmem>>[vector<16xi32>, vector<16xi32>], vector<16xf32>,
      %add3A_390 = arith.constant 32 : i32
      %add3A_391 = vector.broadcast %add3A_390 : i32 to vector<16xi32>
      %add3A_392 = arith.addi %add3A_391, %iota3A : vector<16xi32>
      %broadcast_in_dim3A_393 = vector.broadcast %squeeze3A_365 : i32 to vector<16xi32>
      %gather3A_394 = arith.constant 2 : i32
      %gather3A_395 = arith.constant 0 : i32
      %gather3A_396 = arith.constant 0 : i32
      %gather3A_397 = tpu.memref_slice %arg6[%gather3A_394, %gather3A_395, %gather3A_396] : memref<8x64x128xf32, #tpu.memory_space<vmem>> -> memref<1x64x128xf32, #tpu.memory_space<vmem>>
      %gather3A_398 = tpu.memref_squeeze %gather3A_397 : memref<1x64x128xf32, #tpu.memory_space<vmem>> -> memref<64x128xf32, #tpu.memory_space<vmem>>
      %gather3A_399 = tpu.vector_load_idx %gather3A_398[%add3A_392, %broadcast_in_dim3A_393] : memref<64x128xf32, #tpu.memory_space<vmem>>[vector<16xi32>, vector<16xi32>], vector<16xf32>,
      %broadcast_in_dim3A_400 = vector.broadcast %add3A_367 : i32 to vector<16xi32>
      tpu.vector_store_idx %arg7[%add3A_392, %broadcast_in_dim3A_400], %gather3A_399 : memref<64x512xf32, #tpu.memory_space<vmem>>[vector<16xi32>, vector<16xi32>], vector<16xf32>,
      %add3A_401 = arith.constant 48 : i32
      %add3A_402 = vector.broadcast %add3A_401 : i32 to vector<16xi32>
      %add3A_403 = arith.addi %add3A_402, %iota3A : vector<16xi32>
      %broadcast_in_dim3A_404 = vector.broadcast %squeeze3A_365 : i32 to vector<16xi32>
      %gather3A_405 = arith.constant 2 : i32
      %gather3A_406 = arith.constant 0 : i32
      %gather3A_407 = arith.constant 0 : i32
      %gather3A_408 = tpu.memref_slice %arg6[%gather3A_405, %gather3A_406, %gather3A_407] : memref<8x64x128xf32, #tpu.memory_space<vmem>> -> memref<1x64x128xf32, #tpu.memory_space<vmem>>
      %gather3A_409 = tpu.memref_squeeze %gather3A_408 : memref<1x64x128xf32, #tpu.memory_space<vmem>> -> memref<64x128xf32, #tpu.memory_space<vmem>>
      %gather3A_410 = tpu.vector_load_idx %gather3A_409[%add3A_403, %broadcast_in_dim3A_404] : memref<64x128xf32, #tpu.memory_space<vmem>>[vector<16xi32>, vector<16xi32>], vector<16xf32>,
      %broadcast_in_dim3A_411 = vector.broadcast %add3A_367 : i32 to vector<16xi32>
      tpu.vector_store_idx %arg7[%add3A_403, %broadcast_in_dim3A_411], %gather3A_410 : memref<64x512xf32, #tpu.memory_space<vmem>>[vector<16xi32>, vector<16xi32>], vector<16xf32>,
      %slice3A_412 = vector.extract_strided_slice %shift_right_logical3A_163 {offsets = [7], sizes = [1], strides = [1]} : vector<16xi32> to vector<1xi32>
      %squeeze3A_413 = vector.extract %slice3A_412[0] : i32 from vector<1xi32>
      %mul3A_414 = arith.constant 128 : i32
      %mul3A_415 = arith.muli %squeeze3A_413, %mul3A_414 : i32
      %multiple_of3A_416 = tpu.assume_multiple %mul3A_415, 128 : i32
      %dma_start3A_417 = arith.constant 7 : i32
      %dma_start3A_418 = arith.constant 0 : i32
      %dma_start3A_419 = arith.constant 0 : i32
      %dma_start3A_420 = tpu.memref_slice %arg6[%dma_start3A_417, %dma_start3A_418, %dma_start3A_419] : memref<8x64x128xf32, #tpu.memory_space<vmem>> -> memref<1x64x128xf32, #tpu.memory_space<vmem>>
      %dma_start3A_421 = tpu.memref_squeeze %dma_start3A_420 : memref<1x64x128xf32, #tpu.memory_space<vmem>> -> memref<64x128xf32, #tpu.memory_space<vmem>>
      %dma_start3A_422 = arith.constant 0 : i32
      %dma_start3A_423 = tpu.memref_slice %arg3[%dma_start3A_422, %multiple_of3A_416] : memref<64x1000000xf32, #tpu.memory_space<hbm>> -> memref<64x128xf32, #tpu.memory_space<hbm>>
      %dma_start3A_424 = arith.constant 0 : i32
      %dma_start3A_425 = arith.constant 0 : i32
      %dma_start3A_426 = tpu.memref_slice %arg6[%dma_start3A_417, %dma_start3A_424, %dma_start3A_425] : memref<8x64x128xf32, #tpu.memory_space<vmem>> -> memref<1x64x128xf32, #tpu.memory_space<vmem>>
      %dma_start3A_427 = tpu.memref_squeeze %dma_start3A_426 : memref<1x64x128xf32, #tpu.memory_space<vmem>> -> memref<64x128xf32, #tpu.memory_space<vmem>>
      %dma_start3A_428 = arith.constant 0 : i32
      %dma_start3A_429 = tpu.memref_slice %arg3[%dma_start3A_428, %multiple_of3A_416] : memref<64x1000000xf32, #tpu.memory_space<hbm>> -> memref<64x128xf32, #tpu.memory_space<hbm>>
      tpu.enqueue_dma source(%dma_start3A_429 : memref<64x128xf32, #tpu.memory_space<hbm>>) target(%dma_start3A_427 : memref<64x128xf32, #tpu.memory_space<vmem>>) target_semaphore(%arg9 : memref<!tpu.dma_semaphore, #tpu.memory_space<semaphore_mem>>)
      %dma_wait3A_430 = arith.constant 3 : i32
      %dma_wait3A_431 = arith.constant 0 : i32
      %dma_wait3A_432 = arith.constant 0 : i32
      %dma_wait3A_433 = tpu.memref_slice %arg6[%dma_wait3A_430, %dma_wait3A_431, %dma_wait3A_432] : memref<8x64x128xf32, #tpu.memory_space<vmem>> -> memref<1x64x128xf32, #tpu.memory_space<vmem>>
      %dma_wait3A_434 = tpu.memref_squeeze %dma_wait3A_433 : memref<1x64x128xf32, #tpu.memory_space<vmem>> -> memref<64x128xf32, #tpu.memory_space<vmem>>
      %dma_wait3A_435 = arith.constant 0 : i32
      %dma_wait3A_436 = arith.constant 0 : i32
      %dma_wait3A_437 = tpu.memref_slice %arg3[%dma_wait3A_435, %dma_wait3A_436] : memref<64x1000000xf32, #tpu.memory_space<hbm>> -> memref<64x128xf32, #tpu.memory_space<hbm>>
      %dma_wait3A_438 = arith.constant 0 : i32
      %dma_wait3A_439 = arith.constant 0 : i32
      %dma_wait3A_440 = tpu.memref_slice %arg6[%dma_wait3A_430, %dma_wait3A_438, %dma_wait3A_439] : memref<8x64x128xf32, #tpu.memory_space<vmem>> -> memref<1x64x128xf32, #tpu.memory_space<vmem>>
      %dma_wait3A_441 = tpu.memref_squeeze %dma_wait3A_440 : memref<1x64x128xf32, #tpu.memory_space<vmem>> -> memref<64x128xf32, #tpu.memory_space<vmem>>
      %dma_wait3A_442 = arith.constant 0 : i32
      %dma_wait3A_443 = arith.constant 0 : i32
      %dma_wait3A_444 = tpu.memref_slice %arg3[%dma_wait3A_442, %dma_wait3A_443] : memref<64x1000000xf32, #tpu.memory_space<hbm>> -> memref<64x128xf32, #tpu.memory_space<hbm>>
      tpu.wait_dma2 semaphore(%arg9 : memref<!tpu.dma_semaphore, #tpu.memory_space<semaphore_mem>>) src(%dma_wait3A_444 : memref<64x128xf32, #tpu.memory_space<hbm>>) dst(%dma_wait3A_441 : memref<64x128xf32, #tpu.memory_space<vmem>>)
      %slice3A_445 = vector.extract_strided_slice %and3A_168 {offsets = [3], sizes = [1], strides = [1]} : vector<16xi32> to vector<1xi32>
      %squeeze3A_446 = vector.extract %slice3A_445[0] : i32 from vector<1xi32>
      %add3A_447 = arith.constant 3 : i32
      %add3A_448 = arith.addi %mul3A_170, %add3A_447 : i32
      %add3A_449 = arith.constant 0 : i32
      %add3A_450 = vector.broadcast %add3A_449 : i32 to vector<16xi32>
      %add3A_451 = arith.addi %add3A_450, %iota3A : vector<16xi32>
      %broadcast_in_dim3A_452 = vector.broadcast %squeeze3A_446 : i32 to vector<16xi32>
      %gather3A_453 = arith.constant 3 : i32
      %gather3A_454 = arith.constant 0 : i32
      %gather3A_455 = arith.constant 0 : i32
      %gather3A_456 = tpu.memref_slice %arg6[%gather3A_453, %gather3A_454, %gather3A_455] : memref<8x64x128xf32, #tpu.memory_space<vmem>> -> memref<1x64x128xf32, #tpu.memory_space<vmem>>
      %gather3A_457 = tpu.memref_squeeze %gather3A_456 : memref<1x64x128xf32, #tpu.memory_space<vmem>> -> memref<64x128xf32, #tpu.memory_space<vmem>>
      %gather3A_458 = tpu.vector_load_idx %gather3A_457[%add3A_451, %broadcast_in_dim3A_452] : memref<64x128xf32, #tpu.memory_space<vmem>>[vector<16xi32>, vector<16xi32>], vector<16xf32>,
      %broadcast_in_dim3A_459 = vector.broadcast %add3A_448 : i32 to vector<16xi32>
      tpu.vector_store_idx %arg7[%add3A_451, %broadcast_in_dim3A_459], %gather3A_458 : memref<64x512xf32, #tpu.memory_space<vmem>>[vector<16xi32>, vector<16xi32>], vector<16xf32>,
      %add3A_460 = arith.constant 16 : i32
      %add3A_461 = vector.broadcast %add3A_460 : i32 to vector<16xi32>
      %add3A_462 = arith.addi %add3A_461, %iota3A : vector<16xi32>
      %broadcast_in_dim3A_463 = vector.broadcast %squeeze3A_446 : i32 to vector<16xi32>
      %gather3A_464 = arith.constant 3 : i32
      %gather3A_465 = arith.constant 0 : i32
      %gather3A_466 = arith.constant 0 : i32
      %gather3A_467 = tpu.memref_slice %arg6[%gather3A_464, %gather3A_465, %gather3A_466] : memref<8x64x128xf32, #tpu.memory_space<vmem>> -> memref<1x64x128xf32, #tpu.memory_space<vmem>>
      %gather3A_468 = tpu.memref_squeeze %gather3A_467 : memref<1x64x128xf32, #tpu.memory_space<vmem>> -> memref<64x128xf32, #tpu.memory_space<vmem>>
      %gather3A_469 = tpu.vector_load_idx %gather3A_468[%add3A_462, %broadcast_in_dim3A_463] : memref<64x128xf32, #tpu.memory_space<vmem>>[vector<16xi32>, vector<16xi32>], vector<16xf32>,
      %broadcast_in_dim3A_470 = vector.broadcast %add3A_448 : i32 to vector<16xi32>
      tpu.vector_store_idx %arg7[%add3A_462, %broadcast_in_dim3A_470], %gather3A_469 : memref<64x512xf32, #tpu.memory_space<vmem>>[vector<16xi32>, vector<16xi32>], vector<16xf32>,
      %add3A_471 = arith.constant 32 : i32
      %add3A_472 = vector.broadcast %add3A_471 : i32 to vector<16xi32>
      %add3A_473 = arith.addi %add3A_472, %iota3A : vector<16xi32>
      %broadcast_in_dim3A_474 = vector.broadcast %squeeze3A_446 : i32 to vector<16xi32>
      %gather3A_475 = arith.constant 3 : i32
      %gather3A_476 = arith.constant 0 : i32
      %gather3A_477 = arith.constant 0 : i32
      %gather3A_478 = tpu.memref_slice %arg6[%gather3A_475, %gather3A_476, %gather3A_477] : memref<8x64x128xf32, #tpu.memory_space<vmem>> -> memref<1x64x128xf32, #tpu.memory_space<vmem>>
      %gather3A_479 = tpu.memref_squeeze %gather3A_478 : memref<1x64x128xf32, #tpu.memory_space<vmem>> -> memref<64x128xf32, #tpu.memory_space<vmem>>
      %gather3A_480 = tpu.vector_load_idx %gather3A_479[%add3A_473, %broadcast_in_dim3A_474] : memref<64x128xf32, #tpu.memory_space<vmem>>[vector<16xi32>, vector<16xi32>], vector<16xf32>,
      %broadcast_in_dim3A_481 = vector.broadcast %add3A_448 : i32 to vector<16xi32>
      tpu.vector_store_idx %arg7[%add3A_473, %broadcast_in_dim3A_481], %gather3A_480 : memref<64x512xf32, #tpu.memory_space<vmem>>[vector<16xi32>, vector<16xi32>], vector<16xf32>,
      %add3A_482 = arith.constant 48 : i32
      %add3A_483 = vector.broadcast %add3A_482 : i32 to vector<16xi32>
      %add3A_484 = arith.addi %add3A_483, %iota3A : vector<16xi32>
      %broadcast_in_dim3A_485 = vector.broadcast %squeeze3A_446 : i32 to vector<16xi32>
      %gather3A_486 = arith.constant 3 : i32
      %gather3A_487 = arith.constant 0 : i32
      %gather3A_488 = arith.constant 0 : i32
      %gather3A_489 = tpu.memref_slice %arg6[%gather3A_486, %gather3A_487, %gather3A_488] : memref<8x64x128xf32, #tpu.memory_space<vmem>> -> memref<1x64x128xf32, #tpu.memory_space<vmem>>
      %gather3A_490 = tpu.memref_squeeze %gather3A_489 : memref<1x64x128xf32, #tpu.memory_space<vmem>> -> memref<64x128xf32, #tpu.memory_space<vmem>>
      %gather3A_491 = tpu.vector_load_idx %gather3A_490[%add3A_484, %broadcast_in_dim3A_485] : memref<64x128xf32, #tpu.memory_space<vmem>>[vector<16xi32>, vector<16xi32>], vector<16xf32>,
      %broadcast_in_dim3A_492 = vector.broadcast %add3A_448 : i32 to vector<16xi32>
      tpu.vector_store_idx %arg7[%add3A_484, %broadcast_in_dim3A_492], %gather3A_491 : memref<64x512xf32, #tpu.memory_space<vmem>>[vector<16xi32>, vector<16xi32>], vector<16xf32>,
      %slice3A_493 = vector.extract_strided_slice %shift_right_logical3A_163 {offsets = [8], sizes = [1], strides = [1]} : vector<16xi32> to vector<1xi32>
      %squeeze3A_494 = vector.extract %slice3A_493[0] : i32 from vector<1xi32>
      %mul3A_495 = arith.constant 128 : i32
      %mul3A_496 = arith.muli %squeeze3A_494, %mul3A_495 : i32
      %multiple_of3A_497 = tpu.assume_multiple %mul3A_496, 128 : i32
      %dma_start3A_498 = arith.constant 0 : i32
      %dma_start3A_499 = arith.constant 0 : i32
      %dma_start3A_500 = arith.constant 0 : i32
      %dma_start3A_501 = tpu.memref_slice %arg6[%dma_start3A_498, %dma_start3A_499, %dma_start3A_500] : memref<8x64x128xf32, #tpu.memory_space<vmem>> -> memref<1x64x128xf32, #tpu.memory_space<vmem>>
      %dma_start3A_502 = tpu.memref_squeeze %dma_start3A_501 : memref<1x64x128xf32, #tpu.memory_space<vmem>> -> memref<64x128xf32, #tpu.memory_space<vmem>>
      %dma_start3A_503 = arith.constant 0 : i32
      %dma_start3A_504 = tpu.memref_slice %arg3[%dma_start3A_503, %multiple_of3A_497] : memref<64x1000000xf32, #tpu.memory_space<hbm>> -> memref<64x128xf32, #tpu.memory_space<hbm>>
      %dma_start3A_505 = arith.constant 0 : i32
      %dma_start3A_506 = arith.constant 0 : i32
      %dma_start3A_507 = tpu.memref_slice %arg6[%dma_start3A_498, %dma_start3A_505, %dma_start3A_506] : memref<8x64x128xf32, #tpu.memory_space<vmem>> -> memref<1x64x128xf32, #tpu.memory_space<vmem>>
      %dma_start3A_508 = tpu.memref_squeeze %dma_start3A_507 : memref<1x64x128xf32, #tpu.memory_space<vmem>> -> memref<64x128xf32, #tpu.memory_space<vmem>>
      %dma_start3A_509 = arith.constant 0 : i32
      %dma_start3A_510 = tpu.memref_slice %arg3[%dma_start3A_509, %multiple_of3A_497] : memref<64x1000000xf32, #tpu.memory_space<hbm>> -> memref<64x128xf32, #tpu.memory_space<hbm>>
      tpu.enqueue_dma source(%dma_start3A_510 : memref<64x128xf32, #tpu.memory_space<hbm>>) target(%dma_start3A_508 : memref<64x128xf32, #tpu.memory_space<vmem>>) target_semaphore(%arg9 : memref<!tpu.dma_semaphore, #tpu.memory_space<semaphore_mem>>)
      %dma_wait3A_511 = arith.constant 4 : i32
      %dma_wait3A_512 = arith.constant 0 : i32
      %dma_wait3A_513 = arith.constant 0 : i32
      %dma_wait3A_514 = tpu.memref_slice %arg6[%dma_wait3A_511, %dma_wait3A_512, %dma_wait3A_513] : memref<8x64x128xf32, #tpu.memory_space<vmem>> -> memref<1x64x128xf32, #tpu.memory_space<vmem>>
      %dma_wait3A_515 = tpu.memref_squeeze %dma_wait3A_514 : memref<1x64x128xf32, #tpu.memory_space<vmem>> -> memref<64x128xf32, #tpu.memory_space<vmem>>
      %dma_wait3A_516 = arith.constant 0 : i32
      %dma_wait3A_517 = arith.constant 0 : i32
      %dma_wait3A_518 = tpu.memref_slice %arg3[%dma_wait3A_516, %dma_wait3A_517] : memref<64x1000000xf32, #tpu.memory_space<hbm>> -> memref<64x128xf32, #tpu.memory_space<hbm>>
      %dma_wait3A_519 = arith.constant 0 : i32
      %dma_wait3A_520 = arith.constant 0 : i32
      %dma_wait3A_521 = tpu.memref_slice %arg6[%dma_wait3A_511, %dma_wait3A_519, %dma_wait3A_520] : memref<8x64x128xf32, #tpu.memory_space<vmem>> -> memref<1x64x128xf32, #tpu.memory_space<vmem>>
      %dma_wait3A_522 = tpu.memref_squeeze %dma_wait3A_521 : memref<1x64x128xf32, #tpu.memory_space<vmem>> -> memref<64x128xf32, #tpu.memory_space<vmem>>
      %dma_wait3A_523 = arith.constant 0 : i32
      %dma_wait3A_524 = arith.constant 0 : i32
      %dma_wait3A_525 = tpu.memref_slice %arg3[%dma_wait3A_523, %dma_wait3A_524] : memref<64x1000000xf32, #tpu.memory_space<hbm>> -> memref<64x128xf32, #tpu.memory_space<hbm>>
      tpu.wait_dma2 semaphore(%arg9 : memref<!tpu.dma_semaphore, #tpu.memory_space<semaphore_mem>>) src(%dma_wait3A_525 : memref<64x128xf32, #tpu.memory_space<hbm>>) dst(%dma_wait3A_522 : memref<64x128xf32, #tpu.memory_space<vmem>>)
      %slice3A_526 = vector.extract_strided_slice %and3A_168 {offsets = [4], sizes = [1], strides = [1]} : vector<16xi32> to vector<1xi32>
      %squeeze3A_527 = vector.extract %slice3A_526[0] : i32 from vector<1xi32>
      %add3A_528 = arith.constant 4 : i32
      %add3A_529 = arith.addi %mul3A_170, %add3A_528 : i32
      %add3A_530 = arith.constant 0 : i32
      %add3A_531 = vector.broadcast %add3A_530 : i32 to vector<16xi32>
      %add3A_532 = arith.addi %add3A_531, %iota3A : vector<16xi32>
      %broadcast_in_dim3A_533 = vector.broadcast %squeeze3A_527 : i32 to vector<16xi32>
      %gather3A_534 = arith.constant 4 : i32
      %gather3A_535 = arith.constant 0 : i32
      %gather3A_536 = arith.constant 0 : i32
      %gather3A_537 = tpu.memref_slice %arg6[%gather3A_534, %gather3A_535, %gather3A_536] : memref<8x64x128xf32, #tpu.memory_space<vmem>> -> memref<1x64x128xf32, #tpu.memory_space<vmem>>
      %gather3A_538 = tpu.memref_squeeze %gather3A_537 : memref<1x64x128xf32, #tpu.memory_space<vmem>> -> memref<64x128xf32, #tpu.memory_space<vmem>>
      %gather3A_539 = tpu.vector_load_idx %gather3A_538[%add3A_532, %broadcast_in_dim3A_533] : memref<64x128xf32, #tpu.memory_space<vmem>>[vector<16xi32>, vector<16xi32>], vector<16xf32>,
      %broadcast_in_dim3A_540 = vector.broadcast %add3A_529 : i32 to vector<16xi32>
      tpu.vector_store_idx %arg7[%add3A_532, %broadcast_in_dim3A_540], %gather3A_539 : memref<64x512xf32, #tpu.memory_space<vmem>>[vector<16xi32>, vector<16xi32>], vector<16xf32>,
      %add3A_541 = arith.constant 16 : i32
      %add3A_542 = vector.broadcast %add3A_541 : i32 to vector<16xi32>
      %add3A_543 = arith.addi %add3A_542, %iota3A : vector<16xi32>
      %broadcast_in_dim3A_544 = vector.broadcast %squeeze3A_527 : i32 to vector<16xi32>
      %gather3A_545 = arith.constant 4 : i32
      %gather3A_546 = arith.constant 0 : i32
      %gather3A_547 = arith.constant 0 : i32
      %gather3A_548 = tpu.memref_slice %arg6[%gather3A_545, %gather3A_546, %gather3A_547] : memref<8x64x128xf32, #tpu.memory_space<vmem>> -> memref<1x64x128xf32, #tpu.memory_space<vmem>>
      %gather3A_549 = tpu.memref_squeeze %gather3A_548 : memref<1x64x128xf32, #tpu.memory_space<vmem>> -> memref<64x128xf32, #tpu.memory_space<vmem>>
      %gather3A_550 = tpu.vector_load_idx %gather3A_549[%add3A_543, %broadcast_in_dim3A_544] : memref<64x128xf32, #tpu.memory_space<vmem>>[vector<16xi32>, vector<16xi32>], vector<16xf32>,
      %broadcast_in_dim3A_551 = vector.broadcast %add3A_529 : i32 to vector<16xi32>
      tpu.vector_store_idx %arg7[%add3A_543, %broadcast_in_dim3A_551], %gather3A_550 : memref<64x512xf32, #tpu.memory_space<vmem>>[vector<16xi32>, vector<16xi32>], vector<16xf32>,
      %add3A_552 = arith.constant 32 : i32
      %add3A_553 = vector.broadcast %add3A_552 : i32 to vector<16xi32>
      %add3A_554 = arith.addi %add3A_553, %iota3A : vector<16xi32>
      %broadcast_in_dim3A_555 = vector.broadcast %squeeze3A_527 : i32 to vector<16xi32>
      %gather3A_556 = arith.constant 4 : i32
      %gather3A_557 = arith.constant 0 : i32
      %gather3A_558 = arith.constant 0 : i32
      %gather3A_559 = tpu.memref_slice %arg6[%gather3A_556, %gather3A_557, %gather3A_558] : memref<8x64x128xf32, #tpu.memory_space<vmem>> -> memref<1x64x128xf32, #tpu.memory_space<vmem>>
      %gather3A_560 = tpu.memref_squeeze %gather3A_559 : memref<1x64x128xf32, #tpu.memory_space<vmem>> -> memref<64x128xf32, #tpu.memory_space<vmem>>
      %gather3A_561 = tpu.vector_load_idx %gather3A_560[%add3A_554, %broadcast_in_dim3A_555] : memref<64x128xf32, #tpu.memory_space<vmem>>[vector<16xi32>, vector<16xi32>], vector<16xf32>,
      %broadcast_in_dim3A_562 = vector.broadcast %add3A_529 : i32 to vector<16xi32>
      tpu.vector_store_idx %arg7[%add3A_554, %broadcast_in_dim3A_562], %gather3A_561 : memref<64x512xf32, #tpu.memory_space<vmem>>[vector<16xi32>, vector<16xi32>], vector<16xf32>,
      %add3A_563 = arith.constant 48 : i32
      %add3A_564 = vector.broadcast %add3A_563 : i32 to vector<16xi32>
      %add3A_565 = arith.addi %add3A_564, %iota3A : vector<16xi32>
      %broadcast_in_dim3A_566 = vector.broadcast %squeeze3A_527 : i32 to vector<16xi32>
      %gather3A_567 = arith.constant 4 : i32
      %gather3A_568 = arith.constant 0 : i32
      %gather3A_569 = arith.constant 0 : i32
      %gather3A_570 = tpu.memref_slice %arg6[%gather3A_567, %gather3A_568, %gather3A_569] : memref<8x64x128xf32, #tpu.memory_space<vmem>> -> memref<1x64x128xf32, #tpu.memory_space<vmem>>
      %gather3A_571 = tpu.memref_squeeze %gather3A_570 : memref<1x64x128xf32, #tpu.memory_space<vmem>> -> memref<64x128xf32, #tpu.memory_space<vmem>>
      %gather3A_572 = tpu.vector_load_idx %gather3A_571[%add3A_565, %broadcast_in_dim3A_566] : memref<64x128xf32, #tpu.memory_space<vmem>>[vector<16xi32>, vector<16xi32>], vector<16xf32>,
      %broadcast_in_dim3A_573 = vector.broadcast %add3A_529 : i32 to vector<16xi32>
      tpu.vector_store_idx %arg7[%add3A_565, %broadcast_in_dim3A_573], %gather3A_572 : memref<64x512xf32, #tpu.memory_space<vmem>>[vector<16xi32>, vector<16xi32>], vector<16xf32>,
      %slice3A_574 = vector.extract_strided_slice %shift_right_logical3A_163 {offsets = [9], sizes = [1], strides = [1]} : vector<16xi32> to vector<1xi32>
      %squeeze3A_575 = vector.extract %slice3A_574[0] : i32 from vector<1xi32>
      %mul3A_576 = arith.constant 128 : i32
      %mul3A_577 = arith.muli %squeeze3A_575, %mul3A_576 : i32
      %multiple_of3A_578 = tpu.assume_multiple %mul3A_577, 128 : i32
      %dma_start3A_579 = arith.constant 1 : i32
      %dma_start3A_580 = arith.constant 0 : i32
      %dma_start3A_581 = arith.constant 0 : i32
      %dma_start3A_582 = tpu.memref_slice %arg6[%dma_start3A_579, %dma_start3A_580, %dma_start3A_581] : memref<8x64x128xf32, #tpu.memory_space<vmem>> -> memref<1x64x128xf32, #tpu.memory_space<vmem>>
      %dma_start3A_583 = tpu.memref_squeeze %dma_start3A_582 : memref<1x64x128xf32, #tpu.memory_space<vmem>> -> memref<64x128xf32, #tpu.memory_space<vmem>>
      %dma_start3A_584 = arith.constant 0 : i32
      %dma_start3A_585 = tpu.memref_slice %arg3[%dma_start3A_584, %multiple_of3A_578] : memref<64x1000000xf32, #tpu.memory_space<hbm>> -> memref<64x128xf32, #tpu.memory_space<hbm>>
      %dma_start3A_586 = arith.constant 0 : i32
      %dma_start3A_587 = arith.constant 0 : i32
      %dma_start3A_588 = tpu.memref_slice %arg6[%dma_start3A_579, %dma_start3A_586, %dma_start3A_587] : memref<8x64x128xf32, #tpu.memory_space<vmem>> -> memref<1x64x128xf32, #tpu.memory_space<vmem>>
      %dma_start3A_589 = tpu.memref_squeeze %dma_start3A_588 : memref<1x64x128xf32, #tpu.memory_space<vmem>> -> memref<64x128xf32, #tpu.memory_space<vmem>>
      %dma_start3A_590 = arith.constant 0 : i32
      %dma_start3A_591 = tpu.memref_slice %arg3[%dma_start3A_590, %multiple_of3A_578] : memref<64x1000000xf32, #tpu.memory_space<hbm>> -> memref<64x128xf32, #tpu.memory_space<hbm>>
      tpu.enqueue_dma source(%dma_start3A_591 : memref<64x128xf32, #tpu.memory_space<hbm>>) target(%dma_start3A_589 : memref<64x128xf32, #tpu.memory_space<vmem>>) target_semaphore(%arg9 : memref<!tpu.dma_semaphore, #tpu.memory_space<semaphore_mem>>)
      %dma_wait3A_592 = arith.constant 5 : i32
      %dma_wait3A_593 = arith.constant 0 : i32
      %dma_wait3A_594 = arith.constant 0 : i32
      %dma_wait3A_595 = tpu.memref_slice %arg6[%dma_wait3A_592, %dma_wait3A_593, %dma_wait3A_594] : memref<8x64x128xf32, #tpu.memory_space<vmem>> -> memref<1x64x128xf32, #tpu.memory_space<vmem>>
      %dma_wait3A_596 = tpu.memref_squeeze %dma_wait3A_595 : memref<1x64x128xf32, #tpu.memory_space<vmem>> -> memref<64x128xf32, #tpu.memory_space<vmem>>
      %dma_wait3A_597 = arith.constant 0 : i32
      %dma_wait3A_598 = arith.constant 0 : i32
      %dma_wait3A_599 = tpu.memref_slice %arg3[%dma_wait3A_597, %dma_wait3A_598] : memref<64x1000000xf32, #tpu.memory_space<hbm>> -> memref<64x128xf32, #tpu.memory_space<hbm>>
      %dma_wait3A_600 = arith.constant 0 : i32
      %dma_wait3A_601 = arith.constant 0 : i32
      %dma_wait3A_602 = tpu.memref_slice %arg6[%dma_wait3A_592, %dma_wait3A_600, %dma_wait3A_601] : memref<8x64x128xf32, #tpu.memory_space<vmem>> -> memref<1x64x128xf32, #tpu.memory_space<vmem>>
      %dma_wait3A_603 = tpu.memref_squeeze %dma_wait3A_602 : memref<1x64x128xf32, #tpu.memory_space<vmem>> -> memref<64x128xf32, #tpu.memory_space<vmem>>
      %dma_wait3A_604 = arith.constant 0 : i32
      %dma_wait3A_605 = arith.constant 0 : i32
      %dma_wait3A_606 = tpu.memref_slice %arg3[%dma_wait3A_604, %dma_wait3A_605] : memref<64x1000000xf32, #tpu.memory_space<hbm>> -> memref<64x128xf32, #tpu.memory_space<hbm>>
      tpu.wait_dma2 semaphore(%arg9 : memref<!tpu.dma_semaphore, #tpu.memory_space<semaphore_mem>>) src(%dma_wait3A_606 : memref<64x128xf32, #tpu.memory_space<hbm>>) dst(%dma_wait3A_603 : memref<64x128xf32, #tpu.memory_space<vmem>>)
      %slice3A_607 = vector.extract_strided_slice %and3A_168 {offsets = [5], sizes = [1], strides = [1]} : vector<16xi32> to vector<1xi32>
      %squeeze3A_608 = vector.extract %slice3A_607[0] : i32 from vector<1xi32>
      %add3A_609 = arith.constant 5 : i32
      %add3A_610 = arith.addi %mul3A_170, %add3A_609 : i32
      %add3A_611 = arith.constant 0 : i32
      %add3A_612 = vector.broadcast %add3A_611 : i32 to vector<16xi32>
      %add3A_613 = arith.addi %add3A_612, %iota3A : vector<16xi32>
      %broadcast_in_dim3A_614 = vector.broadcast %squeeze3A_608 : i32 to vector<16xi32>
      %gather3A_615 = arith.constant 5 : i32
      %gather3A_616 = arith.constant 0 : i32
      %gather3A_617 = arith.constant 0 : i32
      %gather3A_618 = tpu.memref_slice %arg6[%gather3A_615, %gather3A_616, %gather3A_617] : memref<8x64x128xf32, #tpu.memory_space<vmem>> -> memref<1x64x128xf32, #tpu.memory_space<vmem>>
      %gather3A_619 = tpu.memref_squeeze %gather3A_618 : memref<1x64x128xf32, #tpu.memory_space<vmem>> -> memref<64x128xf32, #tpu.memory_space<vmem>>
      %gather3A_620 = tpu.vector_load_idx %gather3A_619[%add3A_613, %broadcast_in_dim3A_614] : memref<64x128xf32, #tpu.memory_space<vmem>>[vector<16xi32>, vector<16xi32>], vector<16xf32>,
      %broadcast_in_dim3A_621 = vector.broadcast %add3A_610 : i32 to vector<16xi32>
      tpu.vector_store_idx %arg7[%add3A_613, %broadcast_in_dim3A_621], %gather3A_620 : memref<64x512xf32, #tpu.memory_space<vmem>>[vector<16xi32>, vector<16xi32>], vector<16xf32>,
      %add3A_622 = arith.constant 16 : i32
      %add3A_623 = vector.broadcast %add3A_622 : i32 to vector<16xi32>
      %add3A_624 = arith.addi %add3A_623, %iota3A : vector<16xi32>
      %broadcast_in_dim3A_625 = vector.broadcast %squeeze3A_608 : i32 to vector<16xi32>
      %gather3A_626 = arith.constant 5 : i32
      %gather3A_627 = arith.constant 0 : i32
      %gather3A_628 = arith.constant 0 : i32
      %gather3A_629 = tpu.memref_slice %arg6[%gather3A_626, %gather3A_627, %gather3A_628] : memref<8x64x128xf32, #tpu.memory_space<vmem>> -> memref<1x64x128xf32, #tpu.memory_space<vmem>>
      %gather3A_630 = tpu.memref_squeeze %gather3A_629 : memref<1x64x128xf32, #tpu.memory_space<vmem>> -> memref<64x128xf32, #tpu.memory_space<vmem>>
      %gather3A_631 = tpu.vector_load_idx %gather3A_630[%add3A_624, %broadcast_in_dim3A_625] : memref<64x128xf32, #tpu.memory_space<vmem>>[vector<16xi32>, vector<16xi32>], vector<16xf32>,
      %broadcast_in_dim3A_632 = vector.broadcast %add3A_610 : i32 to vector<16xi32>
      tpu.vector_store_idx %arg7[%add3A_624, %broadcast_in_dim3A_632], %gather3A_631 : memref<64x512xf32, #tpu.memory_space<vmem>>[vector<16xi32>, vector<16xi32>], vector<16xf32>,
      %add3A_633 = arith.constant 32 : i32
      %add3A_634 = vector.broadcast %add3A_633 : i32 to vector<16xi32>
      %add3A_635 = arith.addi %add3A_634, %iota3A : vector<16xi32>
      %broadcast_in_dim3A_636 = vector.broadcast %squeeze3A_608 : i32 to vector<16xi32>
      %gather3A_637 = arith.constant 5 : i32
      %gather3A_638 = arith.constant 0 : i32
      %gather3A_639 = arith.constant 0 : i32
      %gather3A_640 = tpu.memref_slice %arg6[%gather3A_637, %gather3A_638, %gather3A_639] : memref<8x64x128xf32, #tpu.memory_space<vmem>> -> memref<1x64x128xf32, #tpu.memory_space<vmem>>
      %gather3A_641 = tpu.memref_squeeze %gather3A_640 : memref<1x64x128xf32, #tpu.memory_space<vmem>> -> memref<64x128xf32, #tpu.memory_space<vmem>>
      %gather3A_642 = tpu.vector_load_idx %gather3A_641[%add3A_635, %broadcast_in_dim3A_636] : memref<64x128xf32, #tpu.memory_space<vmem>>[vector<16xi32>, vector<16xi32>], vector<16xf32>,
      %broadcast_in_dim3A_643 = vector.broadcast %add3A_610 : i32 to vector<16xi32>
      tpu.vector_store_idx %arg7[%add3A_635, %broadcast_in_dim3A_643], %gather3A_642 : memref<64x512xf32, #tpu.memory_space<vmem>>[vector<16xi32>, vector<16xi32>], vector<16xf32>,
      %add3A_644 = arith.constant 48 : i32
      %add3A_645 = vector.broadcast %add3A_644 : i32 to vector<16xi32>
      %add3A_646 = arith.addi %add3A_645, %iota3A : vector<16xi32>
      %broadcast_in_dim3A_647 = vector.broadcast %squeeze3A_608 : i32 to vector<16xi32>
      %gather3A_648 = arith.constant 5 : i32
      %gather3A_649 = arith.constant 0 : i32
      %gather3A_650 = arith.constant 0 : i32
      %gather3A_651 = tpu.memref_slice %arg6[%gather3A_648, %gather3A_649, %gather3A_650] : memref<8x64x128xf32, #tpu.memory_space<vmem>> -> memref<1x64x128xf32, #tpu.memory_space<vmem>>
      %gather3A_652 = tpu.memref_squeeze %gather3A_651 : memref<1x64x128xf32, #tpu.memory_space<vmem>> -> memref<64x128xf32, #tpu.memory_space<vmem>>
      %gather3A_653 = tpu.vector_load_idx %gather3A_652[%add3A_646, %broadcast_in_dim3A_647] : memref<64x128xf32, #tpu.memory_space<vmem>>[vector<16xi32>, vector<16xi32>], vector<16xf32>,
      %broadcast_in_dim3A_654 = vector.broadcast %add3A_610 : i32 to vector<16xi32>
      tpu.vector_store_idx %arg7[%add3A_646, %broadcast_in_dim3A_654], %gather3A_653 : memref<64x512xf32, #tpu.memory_space<vmem>>[vector<16xi32>, vector<16xi32>], vector<16xf32>,
      %slice3A_655 = vector.extract_strided_slice %shift_right_logical3A_163 {offsets = [10], sizes = [1], strides = [1]} : vector<16xi32> to vector<1xi32>
      %squeeze3A_656 = vector.extract %slice3A_655[0] : i32 from vector<1xi32>
      %mul3A_657 = arith.constant 128 : i32
      %mul3A_658 = arith.muli %squeeze3A_656, %mul3A_657 : i32
      %multiple_of3A_659 = tpu.assume_multiple %mul3A_658, 128 : i32
      %dma_start3A_660 = arith.constant 2 : i32
      %dma_start3A_661 = arith.constant 0 : i32
      %dma_start3A_662 = arith.constant 0 : i32
      %dma_start3A_663 = tpu.memref_slice %arg6[%dma_start3A_660, %dma_start3A_661, %dma_start3A_662] : memref<8x64x128xf32, #tpu.memory_space<vmem>> -> memref<1x64x128xf32, #tpu.memory_space<vmem>>
      %dma_start3A_664 = tpu.memref_squeeze %dma_start3A_663 : memref<1x64x128xf32, #tpu.memory_space<vmem>> -> memref<64x128xf32, #tpu.memory_space<vmem>>
      %dma_start3A_665 = arith.constant 0 : i32
      %dma_start3A_666 = tpu.memref_slice %arg3[%dma_start3A_665, %multiple_of3A_659] : memref<64x1000000xf32, #tpu.memory_space<hbm>> -> memref<64x128xf32, #tpu.memory_space<hbm>>
      %dma_start3A_667 = arith.constant 0 : i32
      %dma_start3A_668 = arith.constant 0 : i32
      %dma_start3A_669 = tpu.memref_slice %arg6[%dma_start3A_660, %dma_start3A_667, %dma_start3A_668] : memref<8x64x128xf32, #tpu.memory_space<vmem>> -> memref<1x64x128xf32, #tpu.memory_space<vmem>>
      %dma_start3A_670 = tpu.memref_squeeze %dma_start3A_669 : memref<1x64x128xf32, #tpu.memory_space<vmem>> -> memref<64x128xf32, #tpu.memory_space<vmem>>
      %dma_start3A_671 = arith.constant 0 : i32
      %dma_start3A_672 = tpu.memref_slice %arg3[%dma_start3A_671, %multiple_of3A_659] : memref<64x1000000xf32, #tpu.memory_space<hbm>> -> memref<64x128xf32, #tpu.memory_space<hbm>>
      tpu.enqueue_dma source(%dma_start3A_672 : memref<64x128xf32, #tpu.memory_space<hbm>>) target(%dma_start3A_670 : memref<64x128xf32, #tpu.memory_space<vmem>>) target_semaphore(%arg9 : memref<!tpu.dma_semaphore, #tpu.memory_space<semaphore_mem>>)
      %dma_wait3A_673 = arith.constant 6 : i32
      %dma_wait3A_674 = arith.constant 0 : i32
      %dma_wait3A_675 = arith.constant 0 : i32
      %dma_wait3A_676 = tpu.memref_slice %arg6[%dma_wait3A_673, %dma_wait3A_674, %dma_wait3A_675] : memref<8x64x128xf32, #tpu.memory_space<vmem>> -> memref<1x64x128xf32, #tpu.memory_space<vmem>>
      %dma_wait3A_677 = tpu.memref_squeeze %dma_wait3A_676 : memref<1x64x128xf32, #tpu.memory_space<vmem>> -> memref<64x128xf32, #tpu.memory_space<vmem>>
      %dma_wait3A_678 = arith.constant 0 : i32
      %dma_wait3A_679 = arith.constant 0 : i32
      %dma_wait3A_680 = tpu.memref_slice %arg3[%dma_wait3A_678, %dma_wait3A_679] : memref<64x1000000xf32, #tpu.memory_space<hbm>> -> memref<64x128xf32, #tpu.memory_space<hbm>>
      %dma_wait3A_681 = arith.constant 0 : i32
      %dma_wait3A_682 = arith.constant 0 : i32
      %dma_wait3A_683 = tpu.memref_slice %arg6[%dma_wait3A_673, %dma_wait3A_681, %dma_wait3A_682] : memref<8x64x128xf32, #tpu.memory_space<vmem>> -> memref<1x64x128xf32, #tpu.memory_space<vmem>>
      %dma_wait3A_684 = tpu.memref_squeeze %dma_wait3A_683 : memref<1x64x128xf32, #tpu.memory_space<vmem>> -> memref<64x128xf32, #tpu.memory_space<vmem>>
      %dma_wait3A_685 = arith.constant 0 : i32
      %dma_wait3A_686 = arith.constant 0 : i32
      %dma_wait3A_687 = tpu.memref_slice %arg3[%dma_wait3A_685, %dma_wait3A_686] : memref<64x1000000xf32, #tpu.memory_space<hbm>> -> memref<64x128xf32, #tpu.memory_space<hbm>>
      tpu.wait_dma2 semaphore(%arg9 : memref<!tpu.dma_semaphore, #tpu.memory_space<semaphore_mem>>) src(%dma_wait3A_687 : memref<64x128xf32, #tpu.memory_space<hbm>>) dst(%dma_wait3A_684 : memref<64x128xf32, #tpu.memory_space<vmem>>)
      %slice3A_688 = vector.extract_strided_slice %and3A_168 {offsets = [6], sizes = [1], strides = [1]} : vector<16xi32> to vector<1xi32>
      %squeeze3A_689 = vector.extract %slice3A_688[0] : i32 from vector<1xi32>
      %add3A_690 = arith.constant 6 : i32
      %add3A_691 = arith.addi %mul3A_170, %add3A_690 : i32
      %add3A_692 = arith.constant 0 : i32
      %add3A_693 = vector.broadcast %add3A_692 : i32 to vector<16xi32>
      %add3A_694 = arith.addi %add3A_693, %iota3A : vector<16xi32>
      %broadcast_in_dim3A_695 = vector.broadcast %squeeze3A_689 : i32 to vector<16xi32>
      %gather3A_696 = arith.constant 6 : i32
      %gather3A_697 = arith.constant 0 : i32
      %gather3A_698 = arith.constant 0 : i32
      %gather3A_699 = tpu.memref_slice %arg6[%gather3A_696, %gather3A_697, %gather3A_698] : memref<8x64x128xf32, #tpu.memory_space<vmem>> -> memref<1x64x128xf32, #tpu.memory_space<vmem>>
      %gather3A_700 = tpu.memref_squeeze %gather3A_699 : memref<1x64x128xf32, #tpu.memory_space<vmem>> -> memref<64x128xf32, #tpu.memory_space<vmem>>
      %gather3A_701 = tpu.vector_load_idx %gather3A_700[%add3A_694, %broadcast_in_dim3A_695] : memref<64x128xf32, #tpu.memory_space<vmem>>[vector<16xi32>, vector<16xi32>], vector<16xf32>,
      %broadcast_in_dim3A_702 = vector.broadcast %add3A_691 : i32 to vector<16xi32>
      tpu.vector_store_idx %arg7[%add3A_694, %broadcast_in_dim3A_702], %gather3A_701 : memref<64x512xf32, #tpu.memory_space<vmem>>[vector<16xi32>, vector<16xi32>], vector<16xf32>,
      %add3A_703 = arith.constant 16 : i32
      %add3A_704 = vector.broadcast %add3A_703 : i32 to vector<16xi32>
      %add3A_705 = arith.addi %add3A_704, %iota3A : vector<16xi32>
      %broadcast_in_dim3A_706 = vector.broadcast %squeeze3A_689 : i32 to vector<16xi32>
      %gather3A_707 = arith.constant 6 : i32
      %gather3A_708 = arith.constant 0 : i32
      %gather3A_709 = arith.constant 0 : i32
      %gather3A_710 = tpu.memref_slice %arg6[%gather3A_707, %gather3A_708, %gather3A_709] : memref<8x64x128xf32, #tpu.memory_space<vmem>> -> memref<1x64x128xf32, #tpu.memory_space<vmem>>
      %gather3A_711 = tpu.memref_squeeze %gather3A_710 : memref<1x64x128xf32, #tpu.memory_space<vmem>> -> memref<64x128xf32, #tpu.memory_space<vmem>>
      %gather3A_712 = tpu.vector_load_idx %gather3A_711[%add3A_705, %broadcast_in_dim3A_706] : memref<64x128xf32, #tpu.memory_space<vmem>>[vector<16xi32>, vector<16xi32>], vector<16xf32>,
      %broadcast_in_dim3A_713 = vector.broadcast %add3A_691 : i32 to vector<16xi32>
      tpu.vector_store_idx %arg7[%add3A_705, %broadcast_in_dim3A_713], %gather3A_712 : memref<64x512xf32, #tpu.memory_space<vmem>>[vector<16xi32>, vector<16xi32>], vector<16xf32>,
      %add3A_714 = arith.constant 32 : i32
      %add3A_715 = vector.broadcast %add3A_714 : i32 to vector<16xi32>
      %add3A_716 = arith.addi %add3A_715, %iota3A : vector<16xi32>
      %broadcast_in_dim3A_717 = vector.broadcast %squeeze3A_689 : i32 to vector<16xi32>
      %gather3A_718 = arith.constant 6 : i32
      %gather3A_719 = arith.constant 0 : i32
      %gather3A_720 = arith.constant 0 : i32
      %gather3A_721 = tpu.memref_slice %arg6[%gather3A_718, %gather3A_719, %gather3A_720] : memref<8x64x128xf32, #tpu.memory_space<vmem>> -> memref<1x64x128xf32, #tpu.memory_space<vmem>>
      %gather3A_722 = tpu.memref_squeeze %gather3A_721 : memref<1x64x128xf32, #tpu.memory_space<vmem>> -> memref<64x128xf32, #tpu.memory_space<vmem>>
      %gather3A_723 = tpu.vector_load_idx %gather3A_722[%add3A_716, %broadcast_in_dim3A_717] : memref<64x128xf32, #tpu.memory_space<vmem>>[vector<16xi32>, vector<16xi32>], vector<16xf32>,
      %broadcast_in_dim3A_724 = vector.broadcast %add3A_691 : i32 to vector<16xi32>
      tpu.vector_store_idx %arg7[%add3A_716, %broadcast_in_dim3A_724], %gather3A_723 : memref<64x512xf32, #tpu.memory_space<vmem>>[vector<16xi32>, vector<16xi32>], vector<16xf32>,
      %add3A_725 = arith.constant 48 : i32
      %add3A_726 = vector.broadcast %add3A_725 : i32 to vector<16xi32>
      %add3A_727 = arith.addi %add3A_726, %iota3A : vector<16xi32>
      %broadcast_in_dim3A_728 = vector.broadcast %squeeze3A_689 : i32 to vector<16xi32>
      %gather3A_729 = arith.constant 6 : i32
      %gather3A_730 = arith.constant 0 : i32
      %gather3A_731 = arith.constant 0 : i32
      %gather3A_732 = tpu.memref_slice %arg6[%gather3A_729, %gather3A_730, %gather3A_731] : memref<8x64x128xf32, #tpu.memory_space<vmem>> -> memref<1x64x128xf32, #tpu.memory_space<vmem>>
      %gather3A_733 = tpu.memref_squeeze %gather3A_732 : memref<1x64x128xf32, #tpu.memory_space<vmem>> -> memref<64x128xf32, #tpu.memory_space<vmem>>
      %gather3A_734 = tpu.vector_load_idx %gather3A_733[%add3A_727, %broadcast_in_dim3A_728] : memref<64x128xf32, #tpu.memory_space<vmem>>[vector<16xi32>, vector<16xi32>], vector<16xf32>,
      %broadcast_in_dim3A_735 = vector.broadcast %add3A_691 : i32 to vector<16xi32>
      tpu.vector_store_idx %arg7[%add3A_727, %broadcast_in_dim3A_735], %gather3A_734 : memref<64x512xf32, #tpu.memory_space<vmem>>[vector<16xi32>, vector<16xi32>], vector<16xf32>,
      %slice3A_736 = vector.extract_strided_slice %shift_right_logical3A_163 {offsets = [11], sizes = [1], strides = [1]} : vector<16xi32> to vector<1xi32>
      %squeeze3A_737 = vector.extract %slice3A_736[0] : i32 from vector<1xi32>
      %mul3A_738 = arith.constant 128 : i32
      %mul3A_739 = arith.muli %squeeze3A_737, %mul3A_738 : i32
      %multiple_of3A_740 = tpu.assume_multiple %mul3A_739, 128 : i32
      %dma_start3A_741 = arith.constant 3 : i32
      %dma_start3A_742 = arith.constant 0 : i32
      %dma_start3A_743 = arith.constant 0 : i32
      %dma_start3A_744 = tpu.memref_slice %arg6[%dma_start3A_741, %dma_start3A_742, %dma_start3A_743] : memref<8x64x128xf32, #tpu.memory_space<vmem>> -> memref<1x64x128xf32, #tpu.memory_space<vmem>>
      %dma_start3A_745 = tpu.memref_squeeze %dma_start3A_744 : memref<1x64x128xf32, #tpu.memory_space<vmem>> -> memref<64x128xf32, #tpu.memory_space<vmem>>
      %dma_start3A_746 = arith.constant 0 : i32
      %dma_start3A_747 = tpu.memref_slice %arg3[%dma_start3A_746, %multiple_of3A_740] : memref<64x1000000xf32, #tpu.memory_space<hbm>> -> memref<64x128xf32, #tpu.memory_space<hbm>>
      %dma_start3A_748 = arith.constant 0 : i32
      %dma_start3A_749 = arith.constant 0 : i32
      %dma_start3A_750 = tpu.memref_slice %arg6[%dma_start3A_741, %dma_start3A_748, %dma_start3A_749] : memref<8x64x128xf32, #tpu.memory_space<vmem>> -> memref<1x64x128xf32, #tpu.memory_space<vmem>>
      %dma_start3A_751 = tpu.memref_squeeze %dma_start3A_750 : memref<1x64x128xf32, #tpu.memory_space<vmem>> -> memref<64x128xf32, #tpu.memory_space<vmem>>
      %dma_start3A_752 = arith.constant 0 : i32
      %dma_start3A_753 = tpu.memref_slice %arg3[%dma_start3A_752, %multiple_of3A_740] : memref<64x1000000xf32, #tpu.memory_space<hbm>> -> memref<64x128xf32, #tpu.memory_space<hbm>>
      tpu.enqueue_dma source(%dma_start3A_753 : memref<64x128xf32, #tpu.memory_space<hbm>>) target(%dma_start3A_751 : memref<64x128xf32, #tpu.memory_space<vmem>>) target_semaphore(%arg9 : memref<!tpu.dma_semaphore, #tpu.memory_space<semaphore_mem>>)
      %dma_wait3A_754 = arith.constant 7 : i32
      %dma_wait3A_755 = arith.constant 0 : i32
      %dma_wait3A_756 = arith.constant 0 : i32
      %dma_wait3A_757 = tpu.memref_slice %arg6[%dma_wait3A_754, %dma_wait3A_755, %dma_wait3A_756] : memref<8x64x128xf32, #tpu.memory_space<vmem>> -> memref<1x64x128xf32, #tpu.memory_space<vmem>>
      %dma_wait3A_758 = tpu.memref_squeeze %dma_wait3A_757 : memref<1x64x128xf32, #tpu.memory_space<vmem>> -> memref<64x128xf32, #tpu.memory_space<vmem>>
      %dma_wait3A_759 = arith.constant 0 : i32
      %dma_wait3A_760 = arith.constant 0 : i32
      %dma_wait3A_761 = tpu.memref_slice %arg3[%dma_wait3A_759, %dma_wait3A_760] : memref<64x1000000xf32, #tpu.memory_space<hbm>> -> memref<64x128xf32, #tpu.memory_space<hbm>>
      %dma_wait3A_762 = arith.constant 0 : i32
      %dma_wait3A_763 = arith.constant 0 : i32
      %dma_wait3A_764 = tpu.memref_slice %arg6[%dma_wait3A_754, %dma_wait3A_762, %dma_wait3A_763] : memref<8x64x128xf32, #tpu.memory_space<vmem>> -> memref<1x64x128xf32, #tpu.memory_space<vmem>>
      %dma_wait3A_765 = tpu.memref_squeeze %dma_wait3A_764 : memref<1x64x128xf32, #tpu.memory_space<vmem>> -> memref<64x128xf32, #tpu.memory_space<vmem>>
      %dma_wait3A_766 = arith.constant 0 : i32
      %dma_wait3A_767 = arith.constant 0 : i32
      %dma_wait3A_768 = tpu.memref_slice %arg3[%dma_wait3A_766, %dma_wait3A_767] : memref<64x1000000xf32, #tpu.memory_space<hbm>> -> memref<64x128xf32, #tpu.memory_space<hbm>>
      tpu.wait_dma2 semaphore(%arg9 : memref<!tpu.dma_semaphore, #tpu.memory_space<semaphore_mem>>) src(%dma_wait3A_768 : memref<64x128xf32, #tpu.memory_space<hbm>>) dst(%dma_wait3A_765 : memref<64x128xf32, #tpu.memory_space<vmem>>)
      %slice3A_769 = vector.extract_strided_slice %and3A_168 {offsets = [7], sizes = [1], strides = [1]} : vector<16xi32> to vector<1xi32>
      %squeeze3A_770 = vector.extract %slice3A_769[0] : i32 from vector<1xi32>
      %add3A_771 = arith.constant 7 : i32
      %add3A_772 = arith.addi %mul3A_170, %add3A_771 : i32
      %add3A_773 = arith.constant 0 : i32
      %add3A_774 = vector.broadcast %add3A_773 : i32 to vector<16xi32>
      %add3A_775 = arith.addi %add3A_774, %iota3A : vector<16xi32>
      %broadcast_in_dim3A_776 = vector.broadcast %squeeze3A_770 : i32 to vector<16xi32>
      %gather3A_777 = arith.constant 7 : i32
      %gather3A_778 = arith.constant 0 : i32
      %gather3A_779 = arith.constant 0 : i32
      %gather3A_780 = tpu.memref_slice %arg6[%gather3A_777, %gather3A_778, %gather3A_779] : memref<8x64x128xf32, #tpu.memory_space<vmem>> -> memref<1x64x128xf32, #tpu.memory_space<vmem>>
      %gather3A_781 = tpu.memref_squeeze %gather3A_780 : memref<1x64x128xf32, #tpu.memory_space<vmem>> -> memref<64x128xf32, #tpu.memory_space<vmem>>
      %gather3A_782 = tpu.vector_load_idx %gather3A_781[%add3A_775, %broadcast_in_dim3A_776] : memref<64x128xf32, #tpu.memory_space<vmem>>[vector<16xi32>, vector<16xi32>], vector<16xf32>,
      %broadcast_in_dim3A_783 = vector.broadcast %add3A_772 : i32 to vector<16xi32>
      tpu.vector_store_idx %arg7[%add3A_775, %broadcast_in_dim3A_783], %gather3A_782 : memref<64x512xf32, #tpu.memory_space<vmem>>[vector<16xi32>, vector<16xi32>], vector<16xf32>,
      %add3A_784 = arith.constant 16 : i32
      %add3A_785 = vector.broadcast %add3A_784 : i32 to vector<16xi32>
      %add3A_786 = arith.addi %add3A_785, %iota3A : vector<16xi32>
      %broadcast_in_dim3A_787 = vector.broadcast %squeeze3A_770 : i32 to vector<16xi32>
      %gather3A_788 = arith.constant 7 : i32
      %gather3A_789 = arith.constant 0 : i32
      %gather3A_790 = arith.constant 0 : i32
      %gather3A_791 = tpu.memref_slice %arg6[%gather3A_788, %gather3A_789, %gather3A_790] : memref<8x64x128xf32, #tpu.memory_space<vmem>> -> memref<1x64x128xf32, #tpu.memory_space<vmem>>
      %gather3A_792 = tpu.memref_squeeze %gather3A_791 : memref<1x64x128xf32, #tpu.memory_space<vmem>> -> memref<64x128xf32, #tpu.memory_space<vmem>>
      %gather3A_793 = tpu.vector_load_idx %gather3A_792[%add3A_786, %broadcast_in_dim3A_787] : memref<64x128xf32, #tpu.memory_space<vmem>>[vector<16xi32>, vector<16xi32>], vector<16xf32>,
      %broadcast_in_dim3A_794 = vector.broadcast %add3A_772 : i32 to vector<16xi32>
      tpu.vector_store_idx %arg7[%add3A_786, %broadcast_in_dim3A_794], %gather3A_793 : memref<64x512xf32, #tpu.memory_space<vmem>>[vector<16xi32>, vector<16xi32>], vector<16xf32>,
      %add3A_795 = arith.constant 32 : i32
      %add3A_796 = vector.broadcast %add3A_795 : i32 to vector<16xi32>
      %add3A_797 = arith.addi %add3A_796, %iota3A : vector<16xi32>
      %broadcast_in_dim3A_798 = vector.broadcast %squeeze3A_770 : i32 to vector<16xi32>
      %gather3A_799 = arith.constant 7 : i32
      %gather3A_800 = arith.constant 0 : i32
      %gather3A_801 = arith.constant 0 : i32
      %gather3A_802 = tpu.memref_slice %arg6[%gather3A_799, %gather3A_800, %gather3A_801] : memref<8x64x128xf32, #tpu.memory_space<vmem>> -> memref<1x64x128xf32, #tpu.memory_space<vmem>>
      %gather3A_803 = tpu.memref_squeeze %gather3A_802 : memref<1x64x128xf32, #tpu.memory_space<vmem>> -> memref<64x128xf32, #tpu.memory_space<vmem>>
      %gather3A_804 = tpu.vector_load_idx %gather3A_803[%add3A_797, %broadcast_in_dim3A_798] : memref<64x128xf32, #tpu.memory_space<vmem>>[vector<16xi32>, vector<16xi32>], vector<16xf32>,
      %broadcast_in_dim3A_805 = vector.broadcast %add3A_772 : i32 to vector<16xi32>
      tpu.vector_store_idx %arg7[%add3A_797, %broadcast_in_dim3A_805], %gather3A_804 : memref<64x512xf32, #tpu.memory_space<vmem>>[vector<16xi32>, vector<16xi32>], vector<16xf32>,
      %add3A_806 = arith.constant 48 : i32
      %add3A_807 = vector.broadcast %add3A_806 : i32 to vector<16xi32>
      %add3A_808 = arith.addi %add3A_807, %iota3A : vector<16xi32>
      %broadcast_in_dim3A_809 = vector.broadcast %squeeze3A_770 : i32 to vector<16xi32>
      %gather3A_810 = arith.constant 7 : i32
      %gather3A_811 = arith.constant 0 : i32
      %gather3A_812 = arith.constant 0 : i32
      %gather3A_813 = tpu.memref_slice %arg6[%gather3A_810, %gather3A_811, %gather3A_812] : memref<8x64x128xf32, #tpu.memory_space<vmem>> -> memref<1x64x128xf32, #tpu.memory_space<vmem>>
      %gather3A_814 = tpu.memref_squeeze %gather3A_813 : memref<1x64x128xf32, #tpu.memory_space<vmem>> -> memref<64x128xf32, #tpu.memory_space<vmem>>
      %gather3A_815 = tpu.vector_load_idx %gather3A_814[%add3A_808, %broadcast_in_dim3A_809] : memref<64x128xf32, #tpu.memory_space<vmem>>[vector<16xi32>, vector<16xi32>], vector<16xf32>,
      %broadcast_in_dim3A_816 = vector.broadcast %add3A_772 : i32 to vector<16xi32>
      tpu.vector_store_idx %arg7[%add3A_808, %broadcast_in_dim3A_816], %gather3A_815 : memref<64x512xf32, #tpu.memory_space<vmem>>[vector<16xi32>, vector<16xi32>], vector<16xf32>,
      %slice3A_817 = vector.extract_strided_slice %shift_right_logical3A_163 {offsets = [12], sizes = [1], strides = [1]} : vector<16xi32> to vector<1xi32>
      %squeeze3A_818 = vector.extract %slice3A_817[0] : i32 from vector<1xi32>
      %mul3A_819 = arith.constant 128 : i32
      %mul3A_820 = arith.muli %squeeze3A_818, %mul3A_819 : i32
      %multiple_of3A_821 = tpu.assume_multiple %mul3A_820, 128 : i32
      %dma_start3A_822 = arith.constant 4 : i32
      %dma_start3A_823 = arith.constant 0 : i32
      %dma_start3A_824 = arith.constant 0 : i32
      %dma_start3A_825 = tpu.memref_slice %arg6[%dma_start3A_822, %dma_start3A_823, %dma_start3A_824] : memref<8x64x128xf32, #tpu.memory_space<vmem>> -> memref<1x64x128xf32, #tpu.memory_space<vmem>>
      %dma_start3A_826 = tpu.memref_squeeze %dma_start3A_825 : memref<1x64x128xf32, #tpu.memory_space<vmem>> -> memref<64x128xf32, #tpu.memory_space<vmem>>
      %dma_start3A_827 = arith.constant 0 : i32
      %dma_start3A_828 = tpu.memref_slice %arg3[%dma_start3A_827, %multiple_of3A_821] : memref<64x1000000xf32, #tpu.memory_space<hbm>> -> memref<64x128xf32, #tpu.memory_space<hbm>>
      %dma_start3A_829 = arith.constant 0 : i32
      %dma_start3A_830 = arith.constant 0 : i32
      %dma_start3A_831 = tpu.memref_slice %arg6[%dma_start3A_822, %dma_start3A_829, %dma_start3A_830] : memref<8x64x128xf32, #tpu.memory_space<vmem>> -> memref<1x64x128xf32, #tpu.memory_space<vmem>>
      %dma_start3A_832 = tpu.memref_squeeze %dma_start3A_831 : memref<1x64x128xf32, #tpu.memory_space<vmem>> -> memref<64x128xf32, #tpu.memory_space<vmem>>
      %dma_start3A_833 = arith.constant 0 : i32
      %dma_start3A_834 = tpu.memref_slice %arg3[%dma_start3A_833, %multiple_of3A_821] : memref<64x1000000xf32, #tpu.memory_space<hbm>> -> memref<64x128xf32, #tpu.memory_space<hbm>>
      tpu.enqueue_dma source(%dma_start3A_834 : memref<64x128xf32, #tpu.memory_space<hbm>>) target(%dma_start3A_832 : memref<64x128xf32, #tpu.memory_space<vmem>>) target_semaphore(%arg9 : memref<!tpu.dma_semaphore, #tpu.memory_space<semaphore_mem>>)
      %dma_wait3A_835 = arith.constant 0 : i32
      %dma_wait3A_836 = arith.constant 0 : i32
      %dma_wait3A_837 = arith.constant 0 : i32
      %dma_wait3A_838 = tpu.memref_slice %arg6[%dma_wait3A_835, %dma_wait3A_836, %dma_wait3A_837] : memref<8x64x128xf32, #tpu.memory_space<vmem>> -> memref<1x64x128xf32, #tpu.memory_space<vmem>>
      %dma_wait3A_839 = tpu.memref_squeeze %dma_wait3A_838 : memref<1x64x128xf32, #tpu.memory_space<vmem>> -> memref<64x128xf32, #tpu.memory_space<vmem>>
      %dma_wait3A_840 = arith.constant 0 : i32
      %dma_wait3A_841 = arith.constant 0 : i32
      %dma_wait3A_842 = tpu.memref_slice %arg3[%dma_wait3A_840, %dma_wait3A_841] : memref<64x1000000xf32, #tpu.memory_space<hbm>> -> memref<64x128xf32, #tpu.memory_space<hbm>>
      %dma_wait3A_843 = arith.constant 0 : i32
      %dma_wait3A_844 = arith.constant 0 : i32
      %dma_wait3A_845 = tpu.memref_slice %arg6[%dma_wait3A_835, %dma_wait3A_843, %dma_wait3A_844] : memref<8x64x128xf32, #tpu.memory_space<vmem>> -> memref<1x64x128xf32, #tpu.memory_space<vmem>>
      %dma_wait3A_846 = tpu.memref_squeeze %dma_wait3A_845 : memref<1x64x128xf32, #tpu.memory_space<vmem>> -> memref<64x128xf32, #tpu.memory_space<vmem>>
      %dma_wait3A_847 = arith.constant 0 : i32
      %dma_wait3A_848 = arith.constant 0 : i32
      %dma_wait3A_849 = tpu.memref_slice %arg3[%dma_wait3A_847, %dma_wait3A_848] : memref<64x1000000xf32, #tpu.memory_space<hbm>> -> memref<64x128xf32, #tpu.memory_space<hbm>>
      tpu.wait_dma2 semaphore(%arg9 : memref<!tpu.dma_semaphore, #tpu.memory_space<semaphore_mem>>) src(%dma_wait3A_849 : memref<64x128xf32, #tpu.memory_space<hbm>>) dst(%dma_wait3A_846 : memref<64x128xf32, #tpu.memory_space<vmem>>)
      %slice3A_850 = vector.extract_strided_slice %and3A_168 {offsets = [8], sizes = [1], strides = [1]} : vector<16xi32> to vector<1xi32>
      %squeeze3A_851 = vector.extract %slice3A_850[0] : i32 from vector<1xi32>
      %add3A_852 = arith.constant 8 : i32
      %add3A_853 = arith.addi %mul3A_170, %add3A_852 : i32
      %add3A_854 = arith.constant 0 : i32
      %add3A_855 = vector.broadcast %add3A_854 : i32 to vector<16xi32>
      %add3A_856 = arith.addi %add3A_855, %iota3A : vector<16xi32>
      %broadcast_in_dim3A_857 = vector.broadcast %squeeze3A_851 : i32 to vector<16xi32>
      %gather3A_858 = arith.constant 0 : i32
      %gather3A_859 = arith.constant 0 : i32
      %gather3A_860 = arith.constant 0 : i32
      %gather3A_861 = tpu.memref_slice %arg6[%gather3A_858, %gather3A_859, %gather3A_860] : memref<8x64x128xf32, #tpu.memory_space<vmem>> -> memref<1x64x128xf32, #tpu.memory_space<vmem>>
      %gather3A_862 = tpu.memref_squeeze %gather3A_861 : memref<1x64x128xf32, #tpu.memory_space<vmem>> -> memref<64x128xf32, #tpu.memory_space<vmem>>
      %gather3A_863 = tpu.vector_load_idx %gather3A_862[%add3A_856, %broadcast_in_dim3A_857] : memref<64x128xf32, #tpu.memory_space<vmem>>[vector<16xi32>, vector<16xi32>], vector<16xf32>,
      %broadcast_in_dim3A_864 = vector.broadcast %add3A_853 : i32 to vector<16xi32>
      tpu.vector_store_idx %arg7[%add3A_856, %broadcast_in_dim3A_864], %gather3A_863 : memref<64x512xf32, #tpu.memory_space<vmem>>[vector<16xi32>, vector<16xi32>], vector<16xf32>,
      %add3A_865 = arith.constant 16 : i32
      %add3A_866 = vector.broadcast %add3A_865 : i32 to vector<16xi32>
      %add3A_867 = arith.addi %add3A_866, %iota3A : vector<16xi32>
      %broadcast_in_dim3A_868 = vector.broadcast %squeeze3A_851 : i32 to vector<16xi32>
      %gather3A_869 = arith.constant 0 : i32
      %gather3A_870 = arith.constant 0 : i32
      %gather3A_871 = arith.constant 0 : i32
      %gather3A_872 = tpu.memref_slice %arg6[%gather3A_869, %gather3A_870, %gather3A_871] : memref<8x64x128xf32, #tpu.memory_space<vmem>> -> memref<1x64x128xf32, #tpu.memory_space<vmem>>
      %gather3A_873 = tpu.memref_squeeze %gather3A_872 : memref<1x64x128xf32, #tpu.memory_space<vmem>> -> memref<64x128xf32, #tpu.memory_space<vmem>>
      %gather3A_874 = tpu.vector_load_idx %gather3A_873[%add3A_867, %broadcast_in_dim3A_868] : memref<64x128xf32, #tpu.memory_space<vmem>>[vector<16xi32>, vector<16xi32>], vector<16xf32>,
      %broadcast_in_dim3A_875 = vector.broadcast %add3A_853 : i32 to vector<16xi32>
      tpu.vector_store_idx %arg7[%add3A_867, %broadcast_in_dim3A_875], %gather3A_874 : memref<64x512xf32, #tpu.memory_space<vmem>>[vector<16xi32>, vector<16xi32>], vector<16xf32>,
      %add3A_876 = arith.constant 32 : i32
      %add3A_877 = vector.broadcast %add3A_876 : i32 to vector<16xi32>
      %add3A_878 = arith.addi %add3A_877, %iota3A : vector<16xi32>
      %broadcast_in_dim3A_879 = vector.broadcast %squeeze3A_851 : i32 to vector<16xi32>
      %gather3A_880 = arith.constant 0 : i32
      %gather3A_881 = arith.constant 0 : i32
      %gather3A_882 = arith.constant 0 : i32
      %gather3A_883 = tpu.memref_slice %arg6[%gather3A_880, %gather3A_881, %gather3A_882] : memref<8x64x128xf32, #tpu.memory_space<vmem>> -> memref<1x64x128xf32, #tpu.memory_space<vmem>>
      %gather3A_884 = tpu.memref_squeeze %gather3A_883 : memref<1x64x128xf32, #tpu.memory_space<vmem>> -> memref<64x128xf32, #tpu.memory_space<vmem>>
      %gather3A_885 = tpu.vector_load_idx %gather3A_884[%add3A_878, %broadcast_in_dim3A_879] : memref<64x128xf32, #tpu.memory_space<vmem>>[vector<16xi32>, vector<16xi32>], vector<16xf32>,
      %broadcast_in_dim3A_886 = vector.broadcast %add3A_853 : i32 to vector<16xi32>
      tpu.vector_store_idx %arg7[%add3A_878, %broadcast_in_dim3A_886], %gather3A_885 : memref<64x512xf32, #tpu.memory_space<vmem>>[vector<16xi32>, vector<16xi32>], vector<16xf32>,
      %add3A_887 = arith.constant 48 : i32
      %add3A_888 = vector.broadcast %add3A_887 : i32 to vector<16xi32>
      %add3A_889 = arith.addi %add3A_888, %iota3A : vector<16xi32>
      %broadcast_in_dim3A_890 = vector.broadcast %squeeze3A_851 : i32 to vector<16xi32>
      %gather3A_891 = arith.constant 0 : i32
      %gather3A_892 = arith.constant 0 : i32
      %gather3A_893 = arith.constant 0 : i32
      %gather3A_894 = tpu.memref_slice %arg6[%gather3A_891, %gather3A_892, %gather3A_893] : memref<8x64x128xf32, #tpu.memory_space<vmem>> -> memref<1x64x128xf32, #tpu.memory_space<vmem>>
      %gather3A_895 = tpu.memref_squeeze %gather3A_894 : memref<1x64x128xf32, #tpu.memory_space<vmem>> -> memref<64x128xf32, #tpu.memory_space<vmem>>
      %gather3A_896 = tpu.vector_load_idx %gather3A_895[%add3A_889, %broadcast_in_dim3A_890] : memref<64x128xf32, #tpu.memory_space<vmem>>[vector<16xi32>, vector<16xi32>], vector<16xf32>,
      %broadcast_in_dim3A_897 = vector.broadcast %add3A_853 : i32 to vector<16xi32>
      tpu.vector_store_idx %arg7[%add3A_889, %broadcast_in_dim3A_897], %gather3A_896 : memref<64x512xf32, #tpu.memory_space<vmem>>[vector<16xi32>, vector<16xi32>], vector<16xf32>,
      %slice3A_898 = vector.extract_strided_slice %shift_right_logical3A_163 {offsets = [13], sizes = [1], strides = [1]} : vector<16xi32> to vector<1xi32>
      %squeeze3A_899 = vector.extract %slice3A_898[0] : i32 from vector<1xi32>
      %mul3A_900 = arith.constant 128 : i32
      %mul3A_901 = arith.muli %squeeze3A_899, %mul3A_900 : i32
      %multiple_of3A_902 = tpu.assume_multiple %mul3A_901, 128 : i32
      %dma_start3A_903 = arith.constant 5 : i32
      %dma_start3A_904 = arith.constant 0 : i32
      %dma_start3A_905 = arith.constant 0 : i32
      %dma_start3A_906 = tpu.memref_slice %arg6[%dma_start3A_903, %dma_start3A_904, %dma_start3A_905] : memref<8x64x128xf32, #tpu.memory_space<vmem>> -> memref<1x64x128xf32, #tpu.memory_space<vmem>>
      %dma_start3A_907 = tpu.memref_squeeze %dma_start3A_906 : memref<1x64x128xf32, #tpu.memory_space<vmem>> -> memref<64x128xf32, #tpu.memory_space<vmem>>
      %dma_start3A_908 = arith.constant 0 : i32
      %dma_start3A_909 = tpu.memref_slice %arg3[%dma_start3A_908, %multiple_of3A_902] : memref<64x1000000xf32, #tpu.memory_space<hbm>> -> memref<64x128xf32, #tpu.memory_space<hbm>>
      %dma_start3A_910 = arith.constant 0 : i32
      %dma_start3A_911 = arith.constant 0 : i32
      %dma_start3A_912 = tpu.memref_slice %arg6[%dma_start3A_903, %dma_start3A_910, %dma_start3A_911] : memref<8x64x128xf32, #tpu.memory_space<vmem>> -> memref<1x64x128xf32, #tpu.memory_space<vmem>>
      %dma_start3A_913 = tpu.memref_squeeze %dma_start3A_912 : memref<1x64x128xf32, #tpu.memory_space<vmem>> -> memref<64x128xf32, #tpu.memory_space<vmem>>
      %dma_start3A_914 = arith.constant 0 : i32
      %dma_start3A_915 = tpu.memref_slice %arg3[%dma_start3A_914, %multiple_of3A_902] : memref<64x1000000xf32, #tpu.memory_space<hbm>> -> memref<64x128xf32, #tpu.memory_space<hbm>>
      tpu.enqueue_dma source(%dma_start3A_915 : memref<64x128xf32, #tpu.memory_space<hbm>>) target(%dma_start3A_913 : memref<64x128xf32, #tpu.memory_space<vmem>>) target_semaphore(%arg9 : memref<!tpu.dma_semaphore, #tpu.memory_space<semaphore_mem>>)
      %dma_wait3A_916 = arith.constant 1 : i32
      %dma_wait3A_917 = arith.constant 0 : i32
      %dma_wait3A_918 = arith.constant 0 : i32
      %dma_wait3A_919 = tpu.memref_slice %arg6[%dma_wait3A_916, %dma_wait3A_917, %dma_wait3A_918] : memref<8x64x128xf32, #tpu.memory_space<vmem>> -> memref<1x64x128xf32, #tpu.memory_space<vmem>>
      %dma_wait3A_920 = tpu.memref_squeeze %dma_wait3A_919 : memref<1x64x128xf32, #tpu.memory_space<vmem>> -> memref<64x128xf32, #tpu.memory_space<vmem>>
      %dma_wait3A_921 = arith.constant 0 : i32
      %dma_wait3A_922 = arith.constant 0 : i32
      %dma_wait3A_923 = tpu.memref_slice %arg3[%dma_wait3A_921, %dma_wait3A_922] : memref<64x1000000xf32, #tpu.memory_space<hbm>> -> memref<64x128xf32, #tpu.memory_space<hbm>>
      %dma_wait3A_924 = arith.constant 0 : i32
      %dma_wait3A_925 = arith.constant 0 : i32
      %dma_wait3A_926 = tpu.memref_slice %arg6[%dma_wait3A_916, %dma_wait3A_924, %dma_wait3A_925] : memref<8x64x128xf32, #tpu.memory_space<vmem>> -> memref<1x64x128xf32, #tpu.memory_space<vmem>>
      %dma_wait3A_927 = tpu.memref_squeeze %dma_wait3A_926 : memref<1x64x128xf32, #tpu.memory_space<vmem>> -> memref<64x128xf32, #tpu.memory_space<vmem>>
      %dma_wait3A_928 = arith.constant 0 : i32
      %dma_wait3A_929 = arith.constant 0 : i32
      %dma_wait3A_930 = tpu.memref_slice %arg3[%dma_wait3A_928, %dma_wait3A_929] : memref<64x1000000xf32, #tpu.memory_space<hbm>> -> memref<64x128xf32, #tpu.memory_space<hbm>>
      tpu.wait_dma2 semaphore(%arg9 : memref<!tpu.dma_semaphore, #tpu.memory_space<semaphore_mem>>) src(%dma_wait3A_930 : memref<64x128xf32, #tpu.memory_space<hbm>>) dst(%dma_wait3A_927 : memref<64x128xf32, #tpu.memory_space<vmem>>)
      %slice3A_931 = vector.extract_strided_slice %and3A_168 {offsets = [9], sizes = [1], strides = [1]} : vector<16xi32> to vector<1xi32>
      %squeeze3A_932 = vector.extract %slice3A_931[0] : i32 from vector<1xi32>
      %add3A_933 = arith.constant 9 : i32
      %add3A_934 = arith.addi %mul3A_170, %add3A_933 : i32
      %add3A_935 = arith.constant 0 : i32
      %add3A_936 = vector.broadcast %add3A_935 : i32 to vector<16xi32>
      %add3A_937 = arith.addi %add3A_936, %iota3A : vector<16xi32>
      %broadcast_in_dim3A_938 = vector.broadcast %squeeze3A_932 : i32 to vector<16xi32>
      %gather3A_939 = arith.constant 1 : i32
      %gather3A_940 = arith.constant 0 : i32
      %gather3A_941 = arith.constant 0 : i32
      %gather3A_942 = tpu.memref_slice %arg6[%gather3A_939, %gather3A_940, %gather3A_941] : memref<8x64x128xf32, #tpu.memory_space<vmem>> -> memref<1x64x128xf32, #tpu.memory_space<vmem>>
      %gather3A_943 = tpu.memref_squeeze %gather3A_942 : memref<1x64x128xf32, #tpu.memory_space<vmem>> -> memref<64x128xf32, #tpu.memory_space<vmem>>
      %gather3A_944 = tpu.vector_load_idx %gather3A_943[%add3A_937, %broadcast_in_dim3A_938] : memref<64x128xf32, #tpu.memory_space<vmem>>[vector<16xi32>, vector<16xi32>], vector<16xf32>,
      %broadcast_in_dim3A_945 = vector.broadcast %add3A_934 : i32 to vector<16xi32>
      tpu.vector_store_idx %arg7[%add3A_937, %broadcast_in_dim3A_945], %gather3A_944 : memref<64x512xf32, #tpu.memory_space<vmem>>[vector<16xi32>, vector<16xi32>], vector<16xf32>,
      %add3A_946 = arith.constant 16 : i32
      %add3A_947 = vector.broadcast %add3A_946 : i32 to vector<16xi32>
      %add3A_948 = arith.addi %add3A_947, %iota3A : vector<16xi32>
      %broadcast_in_dim3A_949 = vector.broadcast %squeeze3A_932 : i32 to vector<16xi32>
      %gather3A_950 = arith.constant 1 : i32
      %gather3A_951 = arith.constant 0 : i32
      %gather3A_952 = arith.constant 0 : i32
      %gather3A_953 = tpu.memref_slice %arg6[%gather3A_950, %gather3A_951, %gather3A_952] : memref<8x64x128xf32, #tpu.memory_space<vmem>> -> memref<1x64x128xf32, #tpu.memory_space<vmem>>
      %gather3A_954 = tpu.memref_squeeze %gather3A_953 : memref<1x64x128xf32, #tpu.memory_space<vmem>> -> memref<64x128xf32, #tpu.memory_space<vmem>>
      %gather3A_955 = tpu.vector_load_idx %gather3A_954[%add3A_948, %broadcast_in_dim3A_949] : memref<64x128xf32, #tpu.memory_space<vmem>>[vector<16xi32>, vector<16xi32>], vector<16xf32>,
      %broadcast_in_dim3A_956 = vector.broadcast %add3A_934 : i32 to vector<16xi32>
      tpu.vector_store_idx %arg7[%add3A_948, %broadcast_in_dim3A_956], %gather3A_955 : memref<64x512xf32, #tpu.memory_space<vmem>>[vector<16xi32>, vector<16xi32>], vector<16xf32>,
      %add3A_957 = arith.constant 32 : i32
      %add3A_958 = vector.broadcast %add3A_957 : i32 to vector<16xi32>
      %add3A_959 = arith.addi %add3A_958, %iota3A : vector<16xi32>
      %broadcast_in_dim3A_960 = vector.broadcast %squeeze3A_932 : i32 to vector<16xi32>
      %gather3A_961 = arith.constant 1 : i32
      %gather3A_962 = arith.constant 0 : i32
      %gather3A_963 = arith.constant 0 : i32
      %gather3A_964 = tpu.memref_slice %arg6[%gather3A_961, %gather3A_962, %gather3A_963] : memref<8x64x128xf32, #tpu.memory_space<vmem>> -> memref<1x64x128xf32, #tpu.memory_space<vmem>>
      %gather3A_965 = tpu.memref_squeeze %gather3A_964 : memref<1x64x128xf32, #tpu.memory_space<vmem>> -> memref<64x128xf32, #tpu.memory_space<vmem>>
      %gather3A_966 = tpu.vector_load_idx %gather3A_965[%add3A_959, %broadcast_in_dim3A_960] : memref<64x128xf32, #tpu.memory_space<vmem>>[vector<16xi32>, vector<16xi32>], vector<16xf32>,
      %broadcast_in_dim3A_967 = vector.broadcast %add3A_934 : i32 to vector<16xi32>
      tpu.vector_store_idx %arg7[%add3A_959, %broadcast_in_dim3A_967], %gather3A_966 : memref<64x512xf32, #tpu.memory_space<vmem>>[vector<16xi32>, vector<16xi32>], vector<16xf32>,
      %add3A_968 = arith.constant 48 : i32
      %add3A_969 = vector.broadcast %add3A_968 : i32 to vector<16xi32>
      %add3A_970 = arith.addi %add3A_969, %iota3A : vector<16xi32>
      %broadcast_in_dim3A_971 = vector.broadcast %squeeze3A_932 : i32 to vector<16xi32>
      %gather3A_972 = arith.constant 1 : i32
      %gather3A_973 = arith.constant 0 : i32
      %gather3A_974 = arith.constant 0 : i32
      %gather3A_975 = tpu.memref_slice %arg6[%gather3A_972, %gather3A_973, %gather3A_974] : memref<8x64x128xf32, #tpu.memory_space<vmem>> -> memref<1x64x128xf32, #tpu.memory_space<vmem>>
      %gather3A_976 = tpu.memref_squeeze %gather3A_975 : memref<1x64x128xf32, #tpu.memory_space<vmem>> -> memref<64x128xf32, #tpu.memory_space<vmem>>
      %gather3A_977 = tpu.vector_load_idx %gather3A_976[%add3A_970, %broadcast_in_dim3A_971] : memref<64x128xf32, #tpu.memory_space<vmem>>[vector<16xi32>, vector<16xi32>], vector<16xf32>,
      %broadcast_in_dim3A_978 = vector.broadcast %add3A_934 : i32 to vector<16xi32>
      tpu.vector_store_idx %arg7[%add3A_970, %broadcast_in_dim3A_978], %gather3A_977 : memref<64x512xf32, #tpu.memory_space<vmem>>[vector<16xi32>, vector<16xi32>], vector<16xf32>,
      %slice3A_979 = vector.extract_strided_slice %shift_right_logical3A_163 {offsets = [14], sizes = [1], strides = [1]} : vector<16xi32> to vector<1xi32>
      %squeeze3A_980 = vector.extract %slice3A_979[0] : i32 from vector<1xi32>
      %mul3A_981 = arith.constant 128 : i32
      %mul3A_982 = arith.muli %squeeze3A_980, %mul3A_981 : i32
      %multiple_of3A_983 = tpu.assume_multiple %mul3A_982, 128 : i32
      %dma_start3A_984 = arith.constant 6 : i32
      %dma_start3A_985 = arith.constant 0 : i32
      %dma_start3A_986 = arith.constant 0 : i32
      %dma_start3A_987 = tpu.memref_slice %arg6[%dma_start3A_984, %dma_start3A_985, %dma_start3A_986] : memref<8x64x128xf32, #tpu.memory_space<vmem>> -> memref<1x64x128xf32, #tpu.memory_space<vmem>>
      %dma_start3A_988 = tpu.memref_squeeze %dma_start3A_987 : memref<1x64x128xf32, #tpu.memory_space<vmem>> -> memref<64x128xf32, #tpu.memory_space<vmem>>
      %dma_start3A_989 = arith.constant 0 : i32
      %dma_start3A_990 = tpu.memref_slice %arg3[%dma_start3A_989, %multiple_of3A_983] : memref<64x1000000xf32, #tpu.memory_space<hbm>> -> memref<64x128xf32, #tpu.memory_space<hbm>>
      %dma_start3A_991 = arith.constant 0 : i32
      %dma_start3A_992 = arith.constant 0 : i32
      %dma_start3A_993 = tpu.memref_slice %arg6[%dma_start3A_984, %dma_start3A_991, %dma_start3A_992] : memref<8x64x128xf32, #tpu.memory_space<vmem>> -> memref<1x64x128xf32, #tpu.memory_space<vmem>>
      %dma_start3A_994 = tpu.memref_squeeze %dma_start3A_993 : memref<1x64x128xf32, #tpu.memory_space<vmem>> -> memref<64x128xf32, #tpu.memory_space<vmem>>
      %dma_start3A_995 = arith.constant 0 : i32
      %dma_start3A_996 = tpu.memref_slice %arg3[%dma_start3A_995, %multiple_of3A_983] : memref<64x1000000xf32, #tpu.memory_space<hbm>> -> memref<64x128xf32, #tpu.memory_space<hbm>>
      tpu.enqueue_dma source(%dma_start3A_996 : memref<64x128xf32, #tpu.memory_space<hbm>>) target(%dma_start3A_994 : memref<64x128xf32, #tpu.memory_space<vmem>>) target_semaphore(%arg9 : memref<!tpu.dma_semaphore, #tpu.memory_space<semaphore_mem>>)
      %dma_wait3A_997 = arith.constant 2 : i32
      %dma_wait3A_998 = arith.constant 0 : i32
      %dma_wait3A_999 = arith.constant 0 : i32
      %dma_wait3A_1000 = tpu.memref_slice %arg6[%dma_wait3A_997, %dma_wait3A_998, %dma_wait3A_999] : memref<8x64x128xf32, #tpu.memory_space<vmem>> -> memref<1x64x128xf32, #tpu.memory_space<vmem>>
      %dma_wait3A_1001 = tpu.memref_squeeze %dma_wait3A_1000 : memref<1x64x128xf32, #tpu.memory_space<vmem>> -> memref<64x128xf32, #tpu.memory_space<vmem>>
      %dma_wait3A_1002 = arith.constant 0 : i32
      %dma_wait3A_1003 = arith.constant 0 : i32
      %dma_wait3A_1004 = tpu.memref_slice %arg3[%dma_wait3A_1002, %dma_wait3A_1003] : memref<64x1000000xf32, #tpu.memory_space<hbm>> -> memref<64x128xf32, #tpu.memory_space<hbm>>
      %dma_wait3A_1005 = arith.constant 0 : i32
      %dma_wait3A_1006 = arith.constant 0 : i32
      %dma_wait3A_1007 = tpu.memref_slice %arg6[%dma_wait3A_997, %dma_wait3A_1005, %dma_wait3A_1006] : memref<8x64x128xf32, #tpu.memory_space<vmem>> -> memref<1x64x128xf32, #tpu.memory_space<vmem>>
      %dma_wait3A_1008 = tpu.memref_squeeze %dma_wait3A_1007 : memref<1x64x128xf32, #tpu.memory_space<vmem>> -> memref<64x128xf32, #tpu.memory_space<vmem>>
      %dma_wait3A_1009 = arith.constant 0 : i32
      %dma_wait3A_1010 = arith.constant 0 : i32
      %dma_wait3A_1011 = tpu.memref_slice %arg3[%dma_wait3A_1009, %dma_wait3A_1010] : memref<64x1000000xf32, #tpu.memory_space<hbm>> -> memref<64x128xf32, #tpu.memory_space<hbm>>
      tpu.wait_dma2 semaphore(%arg9 : memref<!tpu.dma_semaphore, #tpu.memory_space<semaphore_mem>>) src(%dma_wait3A_1011 : memref<64x128xf32, #tpu.memory_space<hbm>>) dst(%dma_wait3A_1008 : memref<64x128xf32, #tpu.memory_space<vmem>>)
      %slice3A_1012 = vector.extract_strided_slice %and3A_168 {offsets = [10], sizes = [1], strides = [1]} : vector<16xi32> to vector<1xi32>
      %squeeze3A_1013 = vector.extract %slice3A_1012[0] : i32 from vector<1xi32>
      %add3A_1014 = arith.constant 10 : i32
      %add3A_1015 = arith.addi %mul3A_170, %add3A_1014 : i32
      %add3A_1016 = arith.constant 0 : i32
      %add3A_1017 = vector.broadcast %add3A_1016 : i32 to vector<16xi32>
      %add3A_1018 = arith.addi %add3A_1017, %iota3A : vector<16xi32>
      %broadcast_in_dim3A_1019 = vector.broadcast %squeeze3A_1013 : i32 to vector<16xi32>
      %gather3A_1020 = arith.constant 2 : i32
      %gather3A_1021 = arith.constant 0 : i32
      %gather3A_1022 = arith.constant 0 : i32
      %gather3A_1023 = tpu.memref_slice %arg6[%gather3A_1020, %gather3A_1021, %gather3A_1022] : memref<8x64x128xf32, #tpu.memory_space<vmem>> -> memref<1x64x128xf32, #tpu.memory_space<vmem>>
      %gather3A_1024 = tpu.memref_squeeze %gather3A_1023 : memref<1x64x128xf32, #tpu.memory_space<vmem>> -> memref<64x128xf32, #tpu.memory_space<vmem>>
      %gather3A_1025 = tpu.vector_load_idx %gather3A_1024[%add3A_1018, %broadcast_in_dim3A_1019] : memref<64x128xf32, #tpu.memory_space<vmem>>[vector<16xi32>, vector<16xi32>], vector<16xf32>,
      %broadcast_in_dim3A_1026 = vector.broadcast %add3A_1015 : i32 to vector<16xi32>
      tpu.vector_store_idx %arg7[%add3A_1018, %broadcast_in_dim3A_1026], %gather3A_1025 : memref<64x512xf32, #tpu.memory_space<vmem>>[vector<16xi32>, vector<16xi32>], vector<16xf32>,
      %add3A_1027 = arith.constant 16 : i32
      %add3A_1028 = vector.broadcast %add3A_1027 : i32 to vector<16xi32>
      %add3A_1029 = arith.addi %add3A_1028, %iota3A : vector<16xi32>
      %broadcast_in_dim3A_1030 = vector.broadcast %squeeze3A_1013 : i32 to vector<16xi32>
      %gather3A_1031 = arith.constant 2 : i32
      %gather3A_1032 = arith.constant 0 : i32
      %gather3A_1033 = arith.constant 0 : i32
      %gather3A_1034 = tpu.memref_slice %arg6[%gather3A_1031, %gather3A_1032, %gather3A_1033] : memref<8x64x128xf32, #tpu.memory_space<vmem>> -> memref<1x64x128xf32, #tpu.memory_space<vmem>>
      %gather3A_1035 = tpu.memref_squeeze %gather3A_1034 : memref<1x64x128xf32, #tpu.memory_space<vmem>> -> memref<64x128xf32, #tpu.memory_space<vmem>>
      %gather3A_1036 = tpu.vector_load_idx %gather3A_1035[%add3A_1029, %broadcast_in_dim3A_1030] : memref<64x128xf32, #tpu.memory_space<vmem>>[vector<16xi32>, vector<16xi32>], vector<16xf32>,
      %broadcast_in_dim3A_1037 = vector.broadcast %add3A_1015 : i32 to vector<16xi32>
      tpu.vector_store_idx %arg7[%add3A_1029, %broadcast_in_dim3A_1037], %gather3A_1036 : memref<64x512xf32, #tpu.memory_space<vmem>>[vector<16xi32>, vector<16xi32>], vector<16xf32>,
      %add3A_1038 = arith.constant 32 : i32
      %add3A_1039 = vector.broadcast %add3A_1038 : i32 to vector<16xi32>
      %add3A_1040 = arith.addi %add3A_1039, %iota3A : vector<16xi32>
      %broadcast_in_dim3A_1041 = vector.broadcast %squeeze3A_1013 : i32 to vector<16xi32>
      %gather3A_1042 = arith.constant 2 : i32
      %gather3A_1043 = arith.constant 0 : i32
      %gather3A_1044 = arith.constant 0 : i32
      %gather3A_1045 = tpu.memref_slice %arg6[%gather3A_1042, %gather3A_1043, %gather3A_1044] : memref<8x64x128xf32, #tpu.memory_space<vmem>> -> memref<1x64x128xf32, #tpu.memory_space<vmem>>
      %gather3A_1046 = tpu.memref_squeeze %gather3A_1045 : memref<1x64x128xf32, #tpu.memory_space<vmem>> -> memref<64x128xf32, #tpu.memory_space<vmem>>
      %gather3A_1047 = tpu.vector_load_idx %gather3A_1046[%add3A_1040, %broadcast_in_dim3A_1041] : memref<64x128xf32, #tpu.memory_space<vmem>>[vector<16xi32>, vector<16xi32>], vector<16xf32>,
      %broadcast_in_dim3A_1048 = vector.broadcast %add3A_1015 : i32 to vector<16xi32>
      tpu.vector_store_idx %arg7[%add3A_1040, %broadcast_in_dim3A_1048], %gather3A_1047 : memref<64x512xf32, #tpu.memory_space<vmem>>[vector<16xi32>, vector<16xi32>], vector<16xf32>,
      %add3A_1049 = arith.constant 48 : i32
      %add3A_1050 = vector.broadcast %add3A_1049 : i32 to vector<16xi32>
      %add3A_1051 = arith.addi %add3A_1050, %iota3A : vector<16xi32>
      %broadcast_in_dim3A_1052 = vector.broadcast %squeeze3A_1013 : i32 to vector<16xi32>
      %gather3A_1053 = arith.constant 2 : i32
      %gather3A_1054 = arith.constant 0 : i32
      %gather3A_1055 = arith.constant 0 : i32
      %gather3A_1056 = tpu.memref_slice %arg6[%gather3A_1053, %gather3A_1054, %gather3A_1055] : memref<8x64x128xf32, #tpu.memory_space<vmem>> -> memref<1x64x128xf32, #tpu.memory_space<vmem>>
      %gather3A_1057 = tpu.memref_squeeze %gather3A_1056 : memref<1x64x128xf32, #tpu.memory_space<vmem>> -> memref<64x128xf32, #tpu.memory_space<vmem>>
      %gather3A_1058 = tpu.vector_load_idx %gather3A_1057[%add3A_1051, %broadcast_in_dim3A_1052] : memref<64x128xf32, #tpu.memory_space<vmem>>[vector<16xi32>, vector<16xi32>], vector<16xf32>,
      %broadcast_in_dim3A_1059 = vector.broadcast %add3A_1015 : i32 to vector<16xi32>
      tpu.vector_store_idx %arg7[%add3A_1051, %broadcast_in_dim3A_1059], %gather3A_1058 : memref<64x512xf32, #tpu.memory_space<vmem>>[vector<16xi32>, vector<16xi32>], vector<16xf32>,
      %slice3A_1060 = vector.extract_strided_slice %shift_right_logical3A_163 {offsets = [15], sizes = [1], strides = [1]} : vector<16xi32> to vector<1xi32>
      %squeeze3A_1061 = vector.extract %slice3A_1060[0] : i32 from vector<1xi32>
      %mul3A_1062 = arith.constant 128 : i32
      %mul3A_1063 = arith.muli %squeeze3A_1061, %mul3A_1062 : i32
      %multiple_of3A_1064 = tpu.assume_multiple %mul3A_1063, 128 : i32
      %dma_start3A_1065 = arith.constant 7 : i32
      %dma_start3A_1066 = arith.constant 0 : i32
      %dma_start3A_1067 = arith.constant 0 : i32
      %dma_start3A_1068 = tpu.memref_slice %arg6[%dma_start3A_1065, %dma_start3A_1066, %dma_start3A_1067] : memref<8x64x128xf32, #tpu.memory_space<vmem>> -> memref<1x64x128xf32, #tpu.memory_space<vmem>>
      %dma_start3A_1069 = tpu.memref_squeeze %dma_start3A_1068 : memref<1x64x128xf32, #tpu.memory_space<vmem>> -> memref<64x128xf32, #tpu.memory_space<vmem>>
      %dma_start3A_1070 = arith.constant 0 : i32
      %dma_start3A_1071 = tpu.memref_slice %arg3[%dma_start3A_1070, %multiple_of3A_1064] : memref<64x1000000xf32, #tpu.memory_space<hbm>> -> memref<64x128xf32, #tpu.memory_space<hbm>>
      %dma_start3A_1072 = arith.constant 0 : i32
      %dma_start3A_1073 = arith.constant 0 : i32
      %dma_start3A_1074 = tpu.memref_slice %arg6[%dma_start3A_1065, %dma_start3A_1072, %dma_start3A_1073] : memref<8x64x128xf32, #tpu.memory_space<vmem>> -> memref<1x64x128xf32, #tpu.memory_space<vmem>>
      %dma_start3A_1075 = tpu.memref_squeeze %dma_start3A_1074 : memref<1x64x128xf32, #tpu.memory_space<vmem>> -> memref<64x128xf32, #tpu.memory_space<vmem>>
      %dma_start3A_1076 = arith.constant 0 : i32
      %dma_start3A_1077 = tpu.memref_slice %arg3[%dma_start3A_1076, %multiple_of3A_1064] : memref<64x1000000xf32, #tpu.memory_space<hbm>> -> memref<64x128xf32, #tpu.memory_space<hbm>>
      tpu.enqueue_dma source(%dma_start3A_1077 : memref<64x128xf32, #tpu.memory_space<hbm>>) target(%dma_start3A_1075 : memref<64x128xf32, #tpu.memory_space<vmem>>) target_semaphore(%arg9 : memref<!tpu.dma_semaphore, #tpu.memory_space<semaphore_mem>>)
      %dma_wait3A_1078 = arith.constant 3 : i32
      %dma_wait3A_1079 = arith.constant 0 : i32
      %dma_wait3A_1080 = arith.constant 0 : i32
      %dma_wait3A_1081 = tpu.memref_slice %arg6[%dma_wait3A_1078, %dma_wait3A_1079, %dma_wait3A_1080] : memref<8x64x128xf32, #tpu.memory_space<vmem>> -> memref<1x64x128xf32, #tpu.memory_space<vmem>>
      %dma_wait3A_1082 = tpu.memref_squeeze %dma_wait3A_1081 : memref<1x64x128xf32, #tpu.memory_space<vmem>> -> memref<64x128xf32, #tpu.memory_space<vmem>>
      %dma_wait3A_1083 = arith.constant 0 : i32
      %dma_wait3A_1084 = arith.constant 0 : i32
      %dma_wait3A_1085 = tpu.memref_slice %arg3[%dma_wait3A_1083, %dma_wait3A_1084] : memref<64x1000000xf32, #tpu.memory_space<hbm>> -> memref<64x128xf32, #tpu.memory_space<hbm>>
      %dma_wait3A_1086 = arith.constant 0 : i32
      %dma_wait3A_1087 = arith.constant 0 : i32
      %dma_wait3A_1088 = tpu.memref_slice %arg6[%dma_wait3A_1078, %dma_wait3A_1086, %dma_wait3A_1087] : memref<8x64x128xf32, #tpu.memory_space<vmem>> -> memref<1x64x128xf32, #tpu.memory_space<vmem>>
      %dma_wait3A_1089 = tpu.memref_squeeze %dma_wait3A_1088 : memref<1x64x128xf32, #tpu.memory_space<vmem>> -> memref<64x128xf32, #tpu.memory_space<vmem>>
      %dma_wait3A_1090 = arith.constant 0 : i32
      %dma_wait3A_1091 = arith.constant 0 : i32
      %dma_wait3A_1092 = tpu.memref_slice %arg3[%dma_wait3A_1090, %dma_wait3A_1091] : memref<64x1000000xf32, #tpu.memory_space<hbm>> -> memref<64x128xf32, #tpu.memory_space<hbm>>
      tpu.wait_dma2 semaphore(%arg9 : memref<!tpu.dma_semaphore, #tpu.memory_space<semaphore_mem>>) src(%dma_wait3A_1092 : memref<64x128xf32, #tpu.memory_space<hbm>>) dst(%dma_wait3A_1089 : memref<64x128xf32, #tpu.memory_space<vmem>>)
      %slice3A_1093 = vector.extract_strided_slice %and3A_168 {offsets = [11], sizes = [1], strides = [1]} : vector<16xi32> to vector<1xi32>
      %squeeze3A_1094 = vector.extract %slice3A_1093[0] : i32 from vector<1xi32>
      %add3A_1095 = arith.constant 11 : i32
      %add3A_1096 = arith.addi %mul3A_170, %add3A_1095 : i32
      %add3A_1097 = arith.constant 0 : i32
      %add3A_1098 = vector.broadcast %add3A_1097 : i32 to vector<16xi32>
      %add3A_1099 = arith.addi %add3A_1098, %iota3A : vector<16xi32>
      %broadcast_in_dim3A_1100 = vector.broadcast %squeeze3A_1094 : i32 to vector<16xi32>
      %gather3A_1101 = arith.constant 3 : i32
      %gather3A_1102 = arith.constant 0 : i32
      %gather3A_1103 = arith.constant 0 : i32
      %gather3A_1104 = tpu.memref_slice %arg6[%gather3A_1101, %gather3A_1102, %gather3A_1103] : memref<8x64x128xf32, #tpu.memory_space<vmem>> -> memref<1x64x128xf32, #tpu.memory_space<vmem>>
      %gather3A_1105 = tpu.memref_squeeze %gather3A_1104 : memref<1x64x128xf32, #tpu.memory_space<vmem>> -> memref<64x128xf32, #tpu.memory_space<vmem>>
      %gather3A_1106 = tpu.vector_load_idx %gather3A_1105[%add3A_1099, %broadcast_in_dim3A_1100] : memref<64x128xf32, #tpu.memory_space<vmem>>[vector<16xi32>, vector<16xi32>], vector<16xf32>,
      %broadcast_in_dim3A_1107 = vector.broadcast %add3A_1096 : i32 to vector<16xi32>
      tpu.vector_store_idx %arg7[%add3A_1099, %broadcast_in_dim3A_1107], %gather3A_1106 : memref<64x512xf32, #tpu.memory_space<vmem>>[vector<16xi32>, vector<16xi32>], vector<16xf32>,
      %add3A_1108 = arith.constant 16 : i32
      %add3A_1109 = vector.broadcast %add3A_1108 : i32 to vector<16xi32>
      %add3A_1110 = arith.addi %add3A_1109, %iota3A : vector<16xi32>
      %broadcast_in_dim3A_1111 = vector.broadcast %squeeze3A_1094 : i32 to vector<16xi32>
      %gather3A_1112 = arith.constant 3 : i32
      %gather3A_1113 = arith.constant 0 : i32
      %gather3A_1114 = arith.constant 0 : i32
      %gather3A_1115 = tpu.memref_slice %arg6[%gather3A_1112, %gather3A_1113, %gather3A_1114] : memref<8x64x128xf32, #tpu.memory_space<vmem>> -> memref<1x64x128xf32, #tpu.memory_space<vmem>>
      %gather3A_1116 = tpu.memref_squeeze %gather3A_1115 : memref<1x64x128xf32, #tpu.memory_space<vmem>> -> memref<64x128xf32, #tpu.memory_space<vmem>>
      %gather3A_1117 = tpu.vector_load_idx %gather3A_1116[%add3A_1110, %broadcast_in_dim3A_1111] : memref<64x128xf32, #tpu.memory_space<vmem>>[vector<16xi32>, vector<16xi32>], vector<16xf32>,
      %broadcast_in_dim3A_1118 = vector.broadcast %add3A_1096 : i32 to vector<16xi32>
      tpu.vector_store_idx %arg7[%add3A_1110, %broadcast_in_dim3A_1118], %gather3A_1117 : memref<64x512xf32, #tpu.memory_space<vmem>>[vector<16xi32>, vector<16xi32>], vector<16xf32>,
      %add3A_1119 = arith.constant 32 : i32
      %add3A_1120 = vector.broadcast %add3A_1119 : i32 to vector<16xi32>
      %add3A_1121 = arith.addi %add3A_1120, %iota3A : vector<16xi32>
      %broadcast_in_dim3A_1122 = vector.broadcast %squeeze3A_1094 : i32 to vector<16xi32>
      %gather3A_1123 = arith.constant 3 : i32
      %gather3A_1124 = arith.constant 0 : i32
      %gather3A_1125 = arith.constant 0 : i32
      %gather3A_1126 = tpu.memref_slice %arg6[%gather3A_1123, %gather3A_1124, %gather3A_1125] : memref<8x64x128xf32, #tpu.memory_space<vmem>> -> memref<1x64x128xf32, #tpu.memory_space<vmem>>
      %gather3A_1127 = tpu.memref_squeeze %gather3A_1126 : memref<1x64x128xf32, #tpu.memory_space<vmem>> -> memref<64x128xf32, #tpu.memory_space<vmem>>
      %gather3A_1128 = tpu.vector_load_idx %gather3A_1127[%add3A_1121, %broadcast_in_dim3A_1122] : memref<64x128xf32, #tpu.memory_space<vmem>>[vector<16xi32>, vector<16xi32>], vector<16xf32>,
      %broadcast_in_dim3A_1129 = vector.broadcast %add3A_1096 : i32 to vector<16xi32>
      tpu.vector_store_idx %arg7[%add3A_1121, %broadcast_in_dim3A_1129], %gather3A_1128 : memref<64x512xf32, #tpu.memory_space<vmem>>[vector<16xi32>, vector<16xi32>], vector<16xf32>,
      %add3A_1130 = arith.constant 48 : i32
      %add3A_1131 = vector.broadcast %add3A_1130 : i32 to vector<16xi32>
      %add3A_1132 = arith.addi %add3A_1131, %iota3A : vector<16xi32>
      %broadcast_in_dim3A_1133 = vector.broadcast %squeeze3A_1094 : i32 to vector<16xi32>
      %gather3A_1134 = arith.constant 3 : i32
      %gather3A_1135 = arith.constant 0 : i32
      %gather3A_1136 = arith.constant 0 : i32
      %gather3A_1137 = tpu.memref_slice %arg6[%gather3A_1134, %gather3A_1135, %gather3A_1136] : memref<8x64x128xf32, #tpu.memory_space<vmem>> -> memref<1x64x128xf32, #tpu.memory_space<vmem>>
      %gather3A_1138 = tpu.memref_squeeze %gather3A_1137 : memref<1x64x128xf32, #tpu.memory_space<vmem>> -> memref<64x128xf32, #tpu.memory_space<vmem>>
      %gather3A_1139 = tpu.vector_load_idx %gather3A_1138[%add3A_1132, %broadcast_in_dim3A_1133] : memref<64x128xf32, #tpu.memory_space<vmem>>[vector<16xi32>, vector<16xi32>], vector<16xf32>,
      %broadcast_in_dim3A_1140 = vector.broadcast %add3A_1096 : i32 to vector<16xi32>
      tpu.vector_store_idx %arg7[%add3A_1132, %broadcast_in_dim3A_1140], %gather3A_1139 : memref<64x512xf32, #tpu.memory_space<vmem>>[vector<16xi32>, vector<16xi32>], vector<16xf32>,
      %slice3A_1141 = vector.extract_strided_slice %shift_right_logical3A_166 {offsets = [0], sizes = [1], strides = [1]} : vector<16xi32> to vector<1xi32>
      %squeeze3A_1142 = vector.extract %slice3A_1141[0] : i32 from vector<1xi32>
      %mul3A_1143 = arith.constant 128 : i32
      %mul3A_1144 = arith.muli %squeeze3A_1142, %mul3A_1143 : i32
      %multiple_of3A_1145 = tpu.assume_multiple %mul3A_1144, 128 : i32
      %dma_start3A_1146 = arith.constant 0 : i32
      %dma_start3A_1147 = arith.constant 0 : i32
      %dma_start3A_1148 = arith.constant 0 : i32
      %dma_start3A_1149 = tpu.memref_slice %arg6[%dma_start3A_1146, %dma_start3A_1147, %dma_start3A_1148] : memref<8x64x128xf32, #tpu.memory_space<vmem>> -> memref<1x64x128xf32, #tpu.memory_space<vmem>>
      %dma_start3A_1150 = tpu.memref_squeeze %dma_start3A_1149 : memref<1x64x128xf32, #tpu.memory_space<vmem>> -> memref<64x128xf32, #tpu.memory_space<vmem>>
      %dma_start3A_1151 = arith.constant 0 : i32
      %dma_start3A_1152 = tpu.memref_slice %arg3[%dma_start3A_1151, %multiple_of3A_1145] : memref<64x1000000xf32, #tpu.memory_space<hbm>> -> memref<64x128xf32, #tpu.memory_space<hbm>>
      %dma_start3A_1153 = arith.constant 0 : i32
      %dma_start3A_1154 = arith.constant 0 : i32
      %dma_start3A_1155 = tpu.memref_slice %arg6[%dma_start3A_1146, %dma_start3A_1153, %dma_start3A_1154] : memref<8x64x128xf32, #tpu.memory_space<vmem>> -> memref<1x64x128xf32, #tpu.memory_space<vmem>>
      %dma_start3A_1156 = tpu.memref_squeeze %dma_start3A_1155 : memref<1x64x128xf32, #tpu.memory_space<vmem>> -> memref<64x128xf32, #tpu.memory_space<vmem>>
      %dma_start3A_1157 = arith.constant 0 : i32
      %dma_start3A_1158 = tpu.memref_slice %arg3[%dma_start3A_1157, %multiple_of3A_1145] : memref<64x1000000xf32, #tpu.memory_space<hbm>> -> memref<64x128xf32, #tpu.memory_space<hbm>>
      tpu.enqueue_dma source(%dma_start3A_1158 : memref<64x128xf32, #tpu.memory_space<hbm>>) target(%dma_start3A_1156 : memref<64x128xf32, #tpu.memory_space<vmem>>) target_semaphore(%arg9 : memref<!tpu.dma_semaphore, #tpu.memory_space<semaphore_mem>>)
      %dma_wait3A_1159 = arith.constant 4 : i32
      %dma_wait3A_1160 = arith.constant 0 : i32
      %dma_wait3A_1161 = arith.constant 0 : i32
      %dma_wait3A_1162 = tpu.memref_slice %arg6[%dma_wait3A_1159, %dma_wait3A_1160, %dma_wait3A_1161] : memref<8x64x128xf32, #tpu.memory_space<vmem>> -> memref<1x64x128xf32, #tpu.memory_space<vmem>>
      %dma_wait3A_1163 = tpu.memref_squeeze %dma_wait3A_1162 : memref<1x64x128xf32, #tpu.memory_space<vmem>> -> memref<64x128xf32, #tpu.memory_space<vmem>>
      %dma_wait3A_1164 = arith.constant 0 : i32
      %dma_wait3A_1165 = arith.constant 0 : i32
      %dma_wait3A_1166 = tpu.memref_slice %arg3[%dma_wait3A_1164, %dma_wait3A_1165] : memref<64x1000000xf32, #tpu.memory_space<hbm>> -> memref<64x128xf32, #tpu.memory_space<hbm>>
      %dma_wait3A_1167 = arith.constant 0 : i32
      %dma_wait3A_1168 = arith.constant 0 : i32
      %dma_wait3A_1169 = tpu.memref_slice %arg6[%dma_wait3A_1159, %dma_wait3A_1167, %dma_wait3A_1168] : memref<8x64x128xf32, #tpu.memory_space<vmem>> -> memref<1x64x128xf32, #tpu.memory_space<vmem>>
      %dma_wait3A_1170 = tpu.memref_squeeze %dma_wait3A_1169 : memref<1x64x128xf32, #tpu.memory_space<vmem>> -> memref<64x128xf32, #tpu.memory_space<vmem>>
      %dma_wait3A_1171 = arith.constant 0 : i32
      %dma_wait3A_1172 = arith.constant 0 : i32
      %dma_wait3A_1173 = tpu.memref_slice %arg3[%dma_wait3A_1171, %dma_wait3A_1172] : memref<64x1000000xf32, #tpu.memory_space<hbm>> -> memref<64x128xf32, #tpu.memory_space<hbm>>
      tpu.wait_dma2 semaphore(%arg9 : memref<!tpu.dma_semaphore, #tpu.memory_space<semaphore_mem>>) src(%dma_wait3A_1173 : memref<64x128xf32, #tpu.memory_space<hbm>>) dst(%dma_wait3A_1170 : memref<64x128xf32, #tpu.memory_space<vmem>>)
      %slice3A_1174 = vector.extract_strided_slice %and3A_168 {offsets = [12], sizes = [1], strides = [1]} : vector<16xi32> to vector<1xi32>
      %squeeze3A_1175 = vector.extract %slice3A_1174[0] : i32 from vector<1xi32>
      %add3A_1176 = arith.constant 12 : i32
      %add3A_1177 = arith.addi %mul3A_170, %add3A_1176 : i32
      %add3A_1178 = arith.constant 0 : i32
      %add3A_1179 = vector.broadcast %add3A_1178 : i32 to vector<16xi32>
      %add3A_1180 = arith.addi %add3A_1179, %iota3A : vector<16xi32>
      %broadcast_in_dim3A_1181 = vector.broadcast %squeeze3A_1175 : i32 to vector<16xi32>
      %gather3A_1182 = arith.constant 4 : i32
      %gather3A_1183 = arith.constant 0 : i32
      %gather3A_1184 = arith.constant 0 : i32
      %gather3A_1185 = tpu.memref_slice %arg6[%gather3A_1182, %gather3A_1183, %gather3A_1184] : memref<8x64x128xf32, #tpu.memory_space<vmem>> -> memref<1x64x128xf32, #tpu.memory_space<vmem>>
      %gather3A_1186 = tpu.memref_squeeze %gather3A_1185 : memref<1x64x128xf32, #tpu.memory_space<vmem>> -> memref<64x128xf32, #tpu.memory_space<vmem>>
      %gather3A_1187 = tpu.vector_load_idx %gather3A_1186[%add3A_1180, %broadcast_in_dim3A_1181] : memref<64x128xf32, #tpu.memory_space<vmem>>[vector<16xi32>, vector<16xi32>], vector<16xf32>,
      %broadcast_in_dim3A_1188 = vector.broadcast %add3A_1177 : i32 to vector<16xi32>
      tpu.vector_store_idx %arg7[%add3A_1180, %broadcast_in_dim3A_1188], %gather3A_1187 : memref<64x512xf32, #tpu.memory_space<vmem>>[vector<16xi32>, vector<16xi32>], vector<16xf32>,
      %add3A_1189 = arith.constant 16 : i32
      %add3A_1190 = vector.broadcast %add3A_1189 : i32 to vector<16xi32>
      %add3A_1191 = arith.addi %add3A_1190, %iota3A : vector<16xi32>
      %broadcast_in_dim3A_1192 = vector.broadcast %squeeze3A_1175 : i32 to vector<16xi32>
      %gather3A_1193 = arith.constant 4 : i32
      %gather3A_1194 = arith.constant 0 : i32
      %gather3A_1195 = arith.constant 0 : i32
      %gather3A_1196 = tpu.memref_slice %arg6[%gather3A_1193, %gather3A_1194, %gather3A_1195] : memref<8x64x128xf32, #tpu.memory_space<vmem>> -> memref<1x64x128xf32, #tpu.memory_space<vmem>>
      %gather3A_1197 = tpu.memref_squeeze %gather3A_1196 : memref<1x64x128xf32, #tpu.memory_space<vmem>> -> memref<64x128xf32, #tpu.memory_space<vmem>>
      %gather3A_1198 = tpu.vector_load_idx %gather3A_1197[%add3A_1191, %broadcast_in_dim3A_1192] : memref<64x128xf32, #tpu.memory_space<vmem>>[vector<16xi32>, vector<16xi32>], vector<16xf32>,
      %broadcast_in_dim3A_1199 = vector.broadcast %add3A_1177 : i32 to vector<16xi32>
      tpu.vector_store_idx %arg7[%add3A_1191, %broadcast_in_dim3A_1199], %gather3A_1198 : memref<64x512xf32, #tpu.memory_space<vmem>>[vector<16xi32>, vector<16xi32>], vector<16xf32>,
      %add3A_1200 = arith.constant 32 : i32
      %add3A_1201 = vector.broadcast %add3A_1200 : i32 to vector<16xi32>
      %add3A_1202 = arith.addi %add3A_1201, %iota3A : vector<16xi32>
      %broadcast_in_dim3A_1203 = vector.broadcast %squeeze3A_1175 : i32 to vector<16xi32>
      %gather3A_1204 = arith.constant 4 : i32
      %gather3A_1205 = arith.constant 0 : i32
      %gather3A_1206 = arith.constant 0 : i32
      %gather3A_1207 = tpu.memref_slice %arg6[%gather3A_1204, %gather3A_1205, %gather3A_1206] : memref<8x64x128xf32, #tpu.memory_space<vmem>> -> memref<1x64x128xf32, #tpu.memory_space<vmem>>
      %gather3A_1208 = tpu.memref_squeeze %gather3A_1207 : memref<1x64x128xf32, #tpu.memory_space<vmem>> -> memref<64x128xf32, #tpu.memory_space<vmem>>
      %gather3A_1209 = tpu.vector_load_idx %gather3A_1208[%add3A_1202, %broadcast_in_dim3A_1203] : memref<64x128xf32, #tpu.memory_space<vmem>>[vector<16xi32>, vector<16xi32>], vector<16xf32>,
      %broadcast_in_dim3A_1210 = vector.broadcast %add3A_1177 : i32 to vector<16xi32>
      tpu.vector_store_idx %arg7[%add3A_1202, %broadcast_in_dim3A_1210], %gather3A_1209 : memref<64x512xf32, #tpu.memory_space<vmem>>[vector<16xi32>, vector<16xi32>], vector<16xf32>,
      %add3A_1211 = arith.constant 48 : i32
      %add3A_1212 = vector.broadcast %add3A_1211 : i32 to vector<16xi32>
      %add3A_1213 = arith.addi %add3A_1212, %iota3A : vector<16xi32>
      %broadcast_in_dim3A_1214 = vector.broadcast %squeeze3A_1175 : i32 to vector<16xi32>
      %gather3A_1215 = arith.constant 4 : i32
      %gather3A_1216 = arith.constant 0 : i32
      %gather3A_1217 = arith.constant 0 : i32
      %gather3A_1218 = tpu.memref_slice %arg6[%gather3A_1215, %gather3A_1216, %gather3A_1217] : memref<8x64x128xf32, #tpu.memory_space<vmem>> -> memref<1x64x128xf32, #tpu.memory_space<vmem>>
      %gather3A_1219 = tpu.memref_squeeze %gather3A_1218 : memref<1x64x128xf32, #tpu.memory_space<vmem>> -> memref<64x128xf32, #tpu.memory_space<vmem>>
      %gather3A_1220 = tpu.vector_load_idx %gather3A_1219[%add3A_1213, %broadcast_in_dim3A_1214] : memref<64x128xf32, #tpu.memory_space<vmem>>[vector<16xi32>, vector<16xi32>], vector<16xf32>,
      %broadcast_in_dim3A_1221 = vector.broadcast %add3A_1177 : i32 to vector<16xi32>
      tpu.vector_store_idx %arg7[%add3A_1213, %broadcast_in_dim3A_1221], %gather3A_1220 : memref<64x512xf32, #tpu.memory_space<vmem>>[vector<16xi32>, vector<16xi32>], vector<16xf32>,
      %slice3A_1222 = vector.extract_strided_slice %shift_right_logical3A_166 {offsets = [1], sizes = [1], strides = [1]} : vector<16xi32> to vector<1xi32>
      %squeeze3A_1223 = vector.extract %slice3A_1222[0] : i32 from vector<1xi32>
      %mul3A_1224 = arith.constant 128 : i32
      %mul3A_1225 = arith.muli %squeeze3A_1223, %mul3A_1224 : i32
      %multiple_of3A_1226 = tpu.assume_multiple %mul3A_1225, 128 : i32
      %dma_start3A_1227 = arith.constant 1 : i32
      %dma_start3A_1228 = arith.constant 0 : i32
      %dma_start3A_1229 = arith.constant 0 : i32
      %dma_start3A_1230 = tpu.memref_slice %arg6[%dma_start3A_1227, %dma_start3A_1228, %dma_start3A_1229] : memref<8x64x128xf32, #tpu.memory_space<vmem>> -> memref<1x64x128xf32, #tpu.memory_space<vmem>>
      %dma_start3A_1231 = tpu.memref_squeeze %dma_start3A_1230 : memref<1x64x128xf32, #tpu.memory_space<vmem>> -> memref<64x128xf32, #tpu.memory_space<vmem>>
      %dma_start3A_1232 = arith.constant 0 : i32
      %dma_start3A_1233 = tpu.memref_slice %arg3[%dma_start3A_1232, %multiple_of3A_1226] : memref<64x1000000xf32, #tpu.memory_space<hbm>> -> memref<64x128xf32, #tpu.memory_space<hbm>>
      %dma_start3A_1234 = arith.constant 0 : i32
      %dma_start3A_1235 = arith.constant 0 : i32
      %dma_start3A_1236 = tpu.memref_slice %arg6[%dma_start3A_1227, %dma_start3A_1234, %dma_start3A_1235] : memref<8x64x128xf32, #tpu.memory_space<vmem>> -> memref<1x64x128xf32, #tpu.memory_space<vmem>>
      %dma_start3A_1237 = tpu.memref_squeeze %dma_start3A_1236 : memref<1x64x128xf32, #tpu.memory_space<vmem>> -> memref<64x128xf32, #tpu.memory_space<vmem>>
      %dma_start3A_1238 = arith.constant 0 : i32
      %dma_start3A_1239 = tpu.memref_slice %arg3[%dma_start3A_1238, %multiple_of3A_1226] : memref<64x1000000xf32, #tpu.memory_space<hbm>> -> memref<64x128xf32, #tpu.memory_space<hbm>>
      tpu.enqueue_dma source(%dma_start3A_1239 : memref<64x128xf32, #tpu.memory_space<hbm>>) target(%dma_start3A_1237 : memref<64x128xf32, #tpu.memory_space<vmem>>) target_semaphore(%arg9 : memref<!tpu.dma_semaphore, #tpu.memory_space<semaphore_mem>>)
      %dma_wait3A_1240 = arith.constant 5 : i32
      %dma_wait3A_1241 = arith.constant 0 : i32
      %dma_wait3A_1242 = arith.constant 0 : i32
      %dma_wait3A_1243 = tpu.memref_slice %arg6[%dma_wait3A_1240, %dma_wait3A_1241, %dma_wait3A_1242] : memref<8x64x128xf32, #tpu.memory_space<vmem>> -> memref<1x64x128xf32, #tpu.memory_space<vmem>>
      %dma_wait3A_1244 = tpu.memref_squeeze %dma_wait3A_1243 : memref<1x64x128xf32, #tpu.memory_space<vmem>> -> memref<64x128xf32, #tpu.memory_space<vmem>>
      %dma_wait3A_1245 = arith.constant 0 : i32
      %dma_wait3A_1246 = arith.constant 0 : i32
      %dma_wait3A_1247 = tpu.memref_slice %arg3[%dma_wait3A_1245, %dma_wait3A_1246] : memref<64x1000000xf32, #tpu.memory_space<hbm>> -> memref<64x128xf32, #tpu.memory_space<hbm>>
      %dma_wait3A_1248 = arith.constant 0 : i32
      %dma_wait3A_1249 = arith.constant 0 : i32
      %dma_wait3A_1250 = tpu.memref_slice %arg6[%dma_wait3A_1240, %dma_wait3A_1248, %dma_wait3A_1249] : memref<8x64x128xf32, #tpu.memory_space<vmem>> -> memref<1x64x128xf32, #tpu.memory_space<vmem>>
      %dma_wait3A_1251 = tpu.memref_squeeze %dma_wait3A_1250 : memref<1x64x128xf32, #tpu.memory_space<vmem>> -> memref<64x128xf32, #tpu.memory_space<vmem>>
      %dma_wait3A_1252 = arith.constant 0 : i32
      %dma_wait3A_1253 = arith.constant 0 : i32
      %dma_wait3A_1254 = tpu.memref_slice %arg3[%dma_wait3A_1252, %dma_wait3A_1253] : memref<64x1000000xf32, #tpu.memory_space<hbm>> -> memref<64x128xf32, #tpu.memory_space<hbm>>
      tpu.wait_dma2 semaphore(%arg9 : memref<!tpu.dma_semaphore, #tpu.memory_space<semaphore_mem>>) src(%dma_wait3A_1254 : memref<64x128xf32, #tpu.memory_space<hbm>>) dst(%dma_wait3A_1251 : memref<64x128xf32, #tpu.memory_space<vmem>>)
      %slice3A_1255 = vector.extract_strided_slice %and3A_168 {offsets = [13], sizes = [1], strides = [1]} : vector<16xi32> to vector<1xi32>
      %squeeze3A_1256 = vector.extract %slice3A_1255[0] : i32 from vector<1xi32>
      %add3A_1257 = arith.constant 13 : i32
      %add3A_1258 = arith.addi %mul3A_170, %add3A_1257 : i32
      %add3A_1259 = arith.constant 0 : i32
      %add3A_1260 = vector.broadcast %add3A_1259 : i32 to vector<16xi32>
      %add3A_1261 = arith.addi %add3A_1260, %iota3A : vector<16xi32>
      %broadcast_in_dim3A_1262 = vector.broadcast %squeeze3A_1256 : i32 to vector<16xi32>
      %gather3A_1263 = arith.constant 5 : i32
      %gather3A_1264 = arith.constant 0 : i32
      %gather3A_1265 = arith.constant 0 : i32
      %gather3A_1266 = tpu.memref_slice %arg6[%gather3A_1263, %gather3A_1264, %gather3A_1265] : memref<8x64x128xf32, #tpu.memory_space<vmem>> -> memref<1x64x128xf32, #tpu.memory_space<vmem>>
      %gather3A_1267 = tpu.memref_squeeze %gather3A_1266 : memref<1x64x128xf32, #tpu.memory_space<vmem>> -> memref<64x128xf32, #tpu.memory_space<vmem>>
      %gather3A_1268 = tpu.vector_load_idx %gather3A_1267[%add3A_1261, %broadcast_in_dim3A_1262] : memref<64x128xf32, #tpu.memory_space<vmem>>[vector<16xi32>, vector<16xi32>], vector<16xf32>,
      %broadcast_in_dim3A_1269 = vector.broadcast %add3A_1258 : i32 to vector<16xi32>
      tpu.vector_store_idx %arg7[%add3A_1261, %broadcast_in_dim3A_1269], %gather3A_1268 : memref<64x512xf32, #tpu.memory_space<vmem>>[vector<16xi32>, vector<16xi32>], vector<16xf32>,
      %add3A_1270 = arith.constant 16 : i32
      %add3A_1271 = vector.broadcast %add3A_1270 : i32 to vector<16xi32>
      %add3A_1272 = arith.addi %add3A_1271, %iota3A : vector<16xi32>
      %broadcast_in_dim3A_1273 = vector.broadcast %squeeze3A_1256 : i32 to vector<16xi32>
      %gather3A_1274 = arith.constant 5 : i32
      %gather3A_1275 = arith.constant 0 : i32
      %gather3A_1276 = arith.constant 0 : i32
      %gather3A_1277 = tpu.memref_slice %arg6[%gather3A_1274, %gather3A_1275, %gather3A_1276] : memref<8x64x128xf32, #tpu.memory_space<vmem>> -> memref<1x64x128xf32, #tpu.memory_space<vmem>>
      %gather3A_1278 = tpu.memref_squeeze %gather3A_1277 : memref<1x64x128xf32, #tpu.memory_space<vmem>> -> memref<64x128xf32, #tpu.memory_space<vmem>>
      %gather3A_1279 = tpu.vector_load_idx %gather3A_1278[%add3A_1272, %broadcast_in_dim3A_1273] : memref<64x128xf32, #tpu.memory_space<vmem>>[vector<16xi32>, vector<16xi32>], vector<16xf32>,
      %broadcast_in_dim3A_1280 = vector.broadcast %add3A_1258 : i32 to vector<16xi32>
      tpu.vector_store_idx %arg7[%add3A_1272, %broadcast_in_dim3A_1280], %gather3A_1279 : memref<64x512xf32, #tpu.memory_space<vmem>>[vector<16xi32>, vector<16xi32>], vector<16xf32>,
      %add3A_1281 = arith.constant 32 : i32
      %add3A_1282 = vector.broadcast %add3A_1281 : i32 to vector<16xi32>
      %add3A_1283 = arith.addi %add3A_1282, %iota3A : vector<16xi32>
      %broadcast_in_dim3A_1284 = vector.broadcast %squeeze3A_1256 : i32 to vector<16xi32>
      %gather3A_1285 = arith.constant 5 : i32
      %gather3A_1286 = arith.constant 0 : i32
      %gather3A_1287 = arith.constant 0 : i32
      %gather3A_1288 = tpu.memref_slice %arg6[%gather3A_1285, %gather3A_1286, %gather3A_1287] : memref<8x64x128xf32, #tpu.memory_space<vmem>> -> memref<1x64x128xf32, #tpu.memory_space<vmem>>
      %gather3A_1289 = tpu.memref_squeeze %gather3A_1288 : memref<1x64x128xf32, #tpu.memory_space<vmem>> -> memref<64x128xf32, #tpu.memory_space<vmem>>
      %gather3A_1290 = tpu.vector_load_idx %gather3A_1289[%add3A_1283, %broadcast_in_dim3A_1284] : memref<64x128xf32, #tpu.memory_space<vmem>>[vector<16xi32>, vector<16xi32>], vector<16xf32>,
      %broadcast_in_dim3A_1291 = vector.broadcast %add3A_1258 : i32 to vector<16xi32>
      tpu.vector_store_idx %arg7[%add3A_1283, %broadcast_in_dim3A_1291], %gather3A_1290 : memref<64x512xf32, #tpu.memory_space<vmem>>[vector<16xi32>, vector<16xi32>], vector<16xf32>,
      %add3A_1292 = arith.constant 48 : i32
      %add3A_1293 = vector.broadcast %add3A_1292 : i32 to vector<16xi32>
      %add3A_1294 = arith.addi %add3A_1293, %iota3A : vector<16xi32>
      %broadcast_in_dim3A_1295 = vector.broadcast %squeeze3A_1256 : i32 to vector<16xi32>
      %gather3A_1296 = arith.constant 5 : i32
      %gather3A_1297 = arith.constant 0 : i32
      %gather3A_1298 = arith.constant 0 : i32
      %gather3A_1299 = tpu.memref_slice %arg6[%gather3A_1296, %gather3A_1297, %gather3A_1298] : memref<8x64x128xf32, #tpu.memory_space<vmem>> -> memref<1x64x128xf32, #tpu.memory_space<vmem>>
      %gather3A_1300 = tpu.memref_squeeze %gather3A_1299 : memref<1x64x128xf32, #tpu.memory_space<vmem>> -> memref<64x128xf32, #tpu.memory_space<vmem>>
      %gather3A_1301 = tpu.vector_load_idx %gather3A_1300[%add3A_1294, %broadcast_in_dim3A_1295] : memref<64x128xf32, #tpu.memory_space<vmem>>[vector<16xi32>, vector<16xi32>], vector<16xf32>,
      %broadcast_in_dim3A_1302 = vector.broadcast %add3A_1258 : i32 to vector<16xi32>
      tpu.vector_store_idx %arg7[%add3A_1294, %broadcast_in_dim3A_1302], %gather3A_1301 : memref<64x512xf32, #tpu.memory_space<vmem>>[vector<16xi32>, vector<16xi32>], vector<16xf32>,
      %slice3A_1303 = vector.extract_strided_slice %shift_right_logical3A_166 {offsets = [2], sizes = [1], strides = [1]} : vector<16xi32> to vector<1xi32>
      %squeeze3A_1304 = vector.extract %slice3A_1303[0] : i32 from vector<1xi32>
      %mul3A_1305 = arith.constant 128 : i32
      %mul3A_1306 = arith.muli %squeeze3A_1304, %mul3A_1305 : i32
      %multiple_of3A_1307 = tpu.assume_multiple %mul3A_1306, 128 : i32
      %dma_start3A_1308 = arith.constant 2 : i32
      %dma_start3A_1309 = arith.constant 0 : i32
      %dma_start3A_1310 = arith.constant 0 : i32
      %dma_start3A_1311 = tpu.memref_slice %arg6[%dma_start3A_1308, %dma_start3A_1309, %dma_start3A_1310] : memref<8x64x128xf32, #tpu.memory_space<vmem>> -> memref<1x64x128xf32, #tpu.memory_space<vmem>>
      %dma_start3A_1312 = tpu.memref_squeeze %dma_start3A_1311 : memref<1x64x128xf32, #tpu.memory_space<vmem>> -> memref<64x128xf32, #tpu.memory_space<vmem>>
      %dma_start3A_1313 = arith.constant 0 : i32
      %dma_start3A_1314 = tpu.memref_slice %arg3[%dma_start3A_1313, %multiple_of3A_1307] : memref<64x1000000xf32, #tpu.memory_space<hbm>> -> memref<64x128xf32, #tpu.memory_space<hbm>>
      %dma_start3A_1315 = arith.constant 0 : i32
      %dma_start3A_1316 = arith.constant 0 : i32
      %dma_start3A_1317 = tpu.memref_slice %arg6[%dma_start3A_1308, %dma_start3A_1315, %dma_start3A_1316] : memref<8x64x128xf32, #tpu.memory_space<vmem>> -> memref<1x64x128xf32, #tpu.memory_space<vmem>>
      %dma_start3A_1318 = tpu.memref_squeeze %dma_start3A_1317 : memref<1x64x128xf32, #tpu.memory_space<vmem>> -> memref<64x128xf32, #tpu.memory_space<vmem>>
      %dma_start3A_1319 = arith.constant 0 : i32
      %dma_start3A_1320 = tpu.memref_slice %arg3[%dma_start3A_1319, %multiple_of3A_1307] : memref<64x1000000xf32, #tpu.memory_space<hbm>> -> memref<64x128xf32, #tpu.memory_space<hbm>>
      tpu.enqueue_dma source(%dma_start3A_1320 : memref<64x128xf32, #tpu.memory_space<hbm>>) target(%dma_start3A_1318 : memref<64x128xf32, #tpu.memory_space<vmem>>) target_semaphore(%arg9 : memref<!tpu.dma_semaphore, #tpu.memory_space<semaphore_mem>>)
      %dma_wait3A_1321 = arith.constant 6 : i32
      %dma_wait3A_1322 = arith.constant 0 : i32
      %dma_wait3A_1323 = arith.constant 0 : i32
      %dma_wait3A_1324 = tpu.memref_slice %arg6[%dma_wait3A_1321, %dma_wait3A_1322, %dma_wait3A_1323] : memref<8x64x128xf32, #tpu.memory_space<vmem>> -> memref<1x64x128xf32, #tpu.memory_space<vmem>>
      %dma_wait3A_1325 = tpu.memref_squeeze %dma_wait3A_1324 : memref<1x64x128xf32, #tpu.memory_space<vmem>> -> memref<64x128xf32, #tpu.memory_space<vmem>>
      %dma_wait3A_1326 = arith.constant 0 : i32
      %dma_wait3A_1327 = arith.constant 0 : i32
      %dma_wait3A_1328 = tpu.memref_slice %arg3[%dma_wait3A_1326, %dma_wait3A_1327] : memref<64x1000000xf32, #tpu.memory_space<hbm>> -> memref<64x128xf32, #tpu.memory_space<hbm>>
      %dma_wait3A_1329 = arith.constant 0 : i32
      %dma_wait3A_1330 = arith.constant 0 : i32
      %dma_wait3A_1331 = tpu.memref_slice %arg6[%dma_wait3A_1321, %dma_wait3A_1329, %dma_wait3A_1330] : memref<8x64x128xf32, #tpu.memory_space<vmem>> -> memref<1x64x128xf32, #tpu.memory_space<vmem>>
      %dma_wait3A_1332 = tpu.memref_squeeze %dma_wait3A_1331 : memref<1x64x128xf32, #tpu.memory_space<vmem>> -> memref<64x128xf32, #tpu.memory_space<vmem>>
      %dma_wait3A_1333 = arith.constant 0 : i32
      %dma_wait3A_1334 = arith.constant 0 : i32
      %dma_wait3A_1335 = tpu.memref_slice %arg3[%dma_wait3A_1333, %dma_wait3A_1334] : memref<64x1000000xf32, #tpu.memory_space<hbm>> -> memref<64x128xf32, #tpu.memory_space<hbm>>
      tpu.wait_dma2 semaphore(%arg9 : memref<!tpu.dma_semaphore, #tpu.memory_space<semaphore_mem>>) src(%dma_wait3A_1335 : memref<64x128xf32, #tpu.memory_space<hbm>>) dst(%dma_wait3A_1332 : memref<64x128xf32, #tpu.memory_space<vmem>>)
      %slice3A_1336 = vector.extract_strided_slice %and3A_168 {offsets = [14], sizes = [1], strides = [1]} : vector<16xi32> to vector<1xi32>
      %squeeze3A_1337 = vector.extract %slice3A_1336[0] : i32 from vector<1xi32>
      %add3A_1338 = arith.constant 14 : i32
      %add3A_1339 = arith.addi %mul3A_170, %add3A_1338 : i32
      %add3A_1340 = arith.constant 0 : i32
      %add3A_1341 = vector.broadcast %add3A_1340 : i32 to vector<16xi32>
      %add3A_1342 = arith.addi %add3A_1341, %iota3A : vector<16xi32>
      %broadcast_in_dim3A_1343 = vector.broadcast %squeeze3A_1337 : i32 to vector<16xi32>
      %gather3A_1344 = arith.constant 6 : i32
      %gather3A_1345 = arith.constant 0 : i32
      %gather3A_1346 = arith.constant 0 : i32
      %gather3A_1347 = tpu.memref_slice %arg6[%gather3A_1344, %gather3A_1345, %gather3A_1346] : memref<8x64x128xf32, #tpu.memory_space<vmem>> -> memref<1x64x128xf32, #tpu.memory_space<vmem>>
      %gather3A_1348 = tpu.memref_squeeze %gather3A_1347 : memref<1x64x128xf32, #tpu.memory_space<vmem>> -> memref<64x128xf32, #tpu.memory_space<vmem>>
      %gather3A_1349 = tpu.vector_load_idx %gather3A_1348[%add3A_1342, %broadcast_in_dim3A_1343] : memref<64x128xf32, #tpu.memory_space<vmem>>[vector<16xi32>, vector<16xi32>], vector<16xf32>,
      %broadcast_in_dim3A_1350 = vector.broadcast %add3A_1339 : i32 to vector<16xi32>
      tpu.vector_store_idx %arg7[%add3A_1342, %broadcast_in_dim3A_1350], %gather3A_1349 : memref<64x512xf32, #tpu.memory_space<vmem>>[vector<16xi32>, vector<16xi32>], vector<16xf32>,
      %add3A_1351 = arith.constant 16 : i32
      %add3A_1352 = vector.broadcast %add3A_1351 : i32 to vector<16xi32>
      %add3A_1353 = arith.addi %add3A_1352, %iota3A : vector<16xi32>
      %broadcast_in_dim3A_1354 = vector.broadcast %squeeze3A_1337 : i32 to vector<16xi32>
      %gather3A_1355 = arith.constant 6 : i32
      %gather3A_1356 = arith.constant 0 : i32
      %gather3A_1357 = arith.constant 0 : i32
      %gather3A_1358 = tpu.memref_slice %arg6[%gather3A_1355, %gather3A_1356, %gather3A_1357] : memref<8x64x128xf32, #tpu.memory_space<vmem>> -> memref<1x64x128xf32, #tpu.memory_space<vmem>>
      %gather3A_1359 = tpu.memref_squeeze %gather3A_1358 : memref<1x64x128xf32, #tpu.memory_space<vmem>> -> memref<64x128xf32, #tpu.memory_space<vmem>>
      %gather3A_1360 = tpu.vector_load_idx %gather3A_1359[%add3A_1353, %broadcast_in_dim3A_1354] : memref<64x128xf32, #tpu.memory_space<vmem>>[vector<16xi32>, vector<16xi32>], vector<16xf32>,
      %broadcast_in_dim3A_1361 = vector.broadcast %add3A_1339 : i32 to vector<16xi32>
      tpu.vector_store_idx %arg7[%add3A_1353, %broadcast_in_dim3A_1361], %gather3A_1360 : memref<64x512xf32, #tpu.memory_space<vmem>>[vector<16xi32>, vector<16xi32>], vector<16xf32>,
      %add3A_1362 = arith.constant 32 : i32
      %add3A_1363 = vector.broadcast %add3A_1362 : i32 to vector<16xi32>
      %add3A_1364 = arith.addi %add3A_1363, %iota3A : vector<16xi32>
      %broadcast_in_dim3A_1365 = vector.broadcast %squeeze3A_1337 : i32 to vector<16xi32>
      %gather3A_1366 = arith.constant 6 : i32
      %gather3A_1367 = arith.constant 0 : i32
      %gather3A_1368 = arith.constant 0 : i32
      %gather3A_1369 = tpu.memref_slice %arg6[%gather3A_1366, %gather3A_1367, %gather3A_1368] : memref<8x64x128xf32, #tpu.memory_space<vmem>> -> memref<1x64x128xf32, #tpu.memory_space<vmem>>
      %gather3A_1370 = tpu.memref_squeeze %gather3A_1369 : memref<1x64x128xf32, #tpu.memory_space<vmem>> -> memref<64x128xf32, #tpu.memory_space<vmem>>
      %gather3A_1371 = tpu.vector_load_idx %gather3A_1370[%add3A_1364, %broadcast_in_dim3A_1365] : memref<64x128xf32, #tpu.memory_space<vmem>>[vector<16xi32>, vector<16xi32>], vector<16xf32>,
      %broadcast_in_dim3A_1372 = vector.broadcast %add3A_1339 : i32 to vector<16xi32>
      tpu.vector_store_idx %arg7[%add3A_1364, %broadcast_in_dim3A_1372], %gather3A_1371 : memref<64x512xf32, #tpu.memory_space<vmem>>[vector<16xi32>, vector<16xi32>], vector<16xf32>,
      %add3A_1373 = arith.constant 48 : i32
      %add3A_1374 = vector.broadcast %add3A_1373 : i32 to vector<16xi32>
      %add3A_1375 = arith.addi %add3A_1374, %iota3A : vector<16xi32>
      %broadcast_in_dim3A_1376 = vector.broadcast %squeeze3A_1337 : i32 to vector<16xi32>
      %gather3A_1377 = arith.constant 6 : i32
      %gather3A_1378 = arith.constant 0 : i32
      %gather3A_1379 = arith.constant 0 : i32
      %gather3A_1380 = tpu.memref_slice %arg6[%gather3A_1377, %gather3A_1378, %gather3A_1379] : memref<8x64x128xf32, #tpu.memory_space<vmem>> -> memref<1x64x128xf32, #tpu.memory_space<vmem>>
      %gather3A_1381 = tpu.memref_squeeze %gather3A_1380 : memref<1x64x128xf32, #tpu.memory_space<vmem>> -> memref<64x128xf32, #tpu.memory_space<vmem>>
      %gather3A_1382 = tpu.vector_load_idx %gather3A_1381[%add3A_1375, %broadcast_in_dim3A_1376] : memref<64x128xf32, #tpu.memory_space<vmem>>[vector<16xi32>, vector<16xi32>], vector<16xf32>,
      %broadcast_in_dim3A_1383 = vector.broadcast %add3A_1339 : i32 to vector<16xi32>
      tpu.vector_store_idx %arg7[%add3A_1375, %broadcast_in_dim3A_1383], %gather3A_1382 : memref<64x512xf32, #tpu.memory_space<vmem>>[vector<16xi32>, vector<16xi32>], vector<16xf32>,
      %slice3A_1384 = vector.extract_strided_slice %shift_right_logical3A_166 {offsets = [3], sizes = [1], strides = [1]} : vector<16xi32> to vector<1xi32>
      %squeeze3A_1385 = vector.extract %slice3A_1384[0] : i32 from vector<1xi32>
      %mul3A_1386 = arith.constant 128 : i32
      %mul3A_1387 = arith.muli %squeeze3A_1385, %mul3A_1386 : i32
      %multiple_of3A_1388 = tpu.assume_multiple %mul3A_1387, 128 : i32
      %dma_start3A_1389 = arith.constant 3 : i32
      %dma_start3A_1390 = arith.constant 0 : i32
      %dma_start3A_1391 = arith.constant 0 : i32
      %dma_start3A_1392 = tpu.memref_slice %arg6[%dma_start3A_1389, %dma_start3A_1390, %dma_start3A_1391] : memref<8x64x128xf32, #tpu.memory_space<vmem>> -> memref<1x64x128xf32, #tpu.memory_space<vmem>>
      %dma_start3A_1393 = tpu.memref_squeeze %dma_start3A_1392 : memref<1x64x128xf32, #tpu.memory_space<vmem>> -> memref<64x128xf32, #tpu.memory_space<vmem>>
      %dma_start3A_1394 = arith.constant 0 : i32
      %dma_start3A_1395 = tpu.memref_slice %arg3[%dma_start3A_1394, %multiple_of3A_1388] : memref<64x1000000xf32, #tpu.memory_space<hbm>> -> memref<64x128xf32, #tpu.memory_space<hbm>>
      %dma_start3A_1396 = arith.constant 0 : i32
      %dma_start3A_1397 = arith.constant 0 : i32
      %dma_start3A_1398 = tpu.memref_slice %arg6[%dma_start3A_1389, %dma_start3A_1396, %dma_start3A_1397] : memref<8x64x128xf32, #tpu.memory_space<vmem>> -> memref<1x64x128xf32, #tpu.memory_space<vmem>>
      %dma_start3A_1399 = tpu.memref_squeeze %dma_start3A_1398 : memref<1x64x128xf32, #tpu.memory_space<vmem>> -> memref<64x128xf32, #tpu.memory_space<vmem>>
      %dma_start3A_1400 = arith.constant 0 : i32
      %dma_start3A_1401 = tpu.memref_slice %arg3[%dma_start3A_1400, %multiple_of3A_1388] : memref<64x1000000xf32, #tpu.memory_space<hbm>> -> memref<64x128xf32, #tpu.memory_space<hbm>>
      tpu.enqueue_dma source(%dma_start3A_1401 : memref<64x128xf32, #tpu.memory_space<hbm>>) target(%dma_start3A_1399 : memref<64x128xf32, #tpu.memory_space<vmem>>) target_semaphore(%arg9 : memref<!tpu.dma_semaphore, #tpu.memory_space<semaphore_mem>>)
      %dma_wait3A_1402 = arith.constant 7 : i32
      %dma_wait3A_1403 = arith.constant 0 : i32
      %dma_wait3A_1404 = arith.constant 0 : i32
      %dma_wait3A_1405 = tpu.memref_slice %arg6[%dma_wait3A_1402, %dma_wait3A_1403, %dma_wait3A_1404] : memref<8x64x128xf32, #tpu.memory_space<vmem>> -> memref<1x64x128xf32, #tpu.memory_space<vmem>>
      %dma_wait3A_1406 = tpu.memref_squeeze %dma_wait3A_1405 : memref<1x64x128xf32, #tpu.memory_space<vmem>> -> memref<64x128xf32, #tpu.memory_space<vmem>>
      %dma_wait3A_1407 = arith.constant 0 : i32
      %dma_wait3A_1408 = arith.constant 0 : i32
      %dma_wait3A_1409 = tpu.memref_slice %arg3[%dma_wait3A_1407, %dma_wait3A_1408] : memref<64x1000000xf32, #tpu.memory_space<hbm>> -> memref<64x128xf32, #tpu.memory_space<hbm>>
      %dma_wait3A_1410 = arith.constant 0 : i32
      %dma_wait3A_1411 = arith.constant 0 : i32
      %dma_wait3A_1412 = tpu.memref_slice %arg6[%dma_wait3A_1402, %dma_wait3A_1410, %dma_wait3A_1411] : memref<8x64x128xf32, #tpu.memory_space<vmem>> -> memref<1x64x128xf32, #tpu.memory_space<vmem>>
      %dma_wait3A_1413 = tpu.memref_squeeze %dma_wait3A_1412 : memref<1x64x128xf32, #tpu.memory_space<vmem>> -> memref<64x128xf32, #tpu.memory_space<vmem>>
      %dma_wait3A_1414 = arith.constant 0 : i32
      %dma_wait3A_1415 = arith.constant 0 : i32
      %dma_wait3A_1416 = tpu.memref_slice %arg3[%dma_wait3A_1414, %dma_wait3A_1415] : memref<64x1000000xf32, #tpu.memory_space<hbm>> -> memref<64x128xf32, #tpu.memory_space<hbm>>
      tpu.wait_dma2 semaphore(%arg9 : memref<!tpu.dma_semaphore, #tpu.memory_space<semaphore_mem>>) src(%dma_wait3A_1416 : memref<64x128xf32, #tpu.memory_space<hbm>>) dst(%dma_wait3A_1413 : memref<64x128xf32, #tpu.memory_space<vmem>>)
      %slice3A_1417 = vector.extract_strided_slice %and3A_168 {offsets = [15], sizes = [1], strides = [1]} : vector<16xi32> to vector<1xi32>
      %squeeze3A_1418 = vector.extract %slice3A_1417[0] : i32 from vector<1xi32>
      %add3A_1419 = arith.constant 15 : i32
      %add3A_1420 = arith.addi %mul3A_170, %add3A_1419 : i32
      %add3A_1421 = arith.constant 0 : i32
      %add3A_1422 = vector.broadcast %add3A_1421 : i32 to vector<16xi32>
      %add3A_1423 = arith.addi %add3A_1422, %iota3A : vector<16xi32>
      %broadcast_in_dim3A_1424 = vector.broadcast %squeeze3A_1418 : i32 to vector<16xi32>
      %gather3A_1425 = arith.constant 7 : i32
      %gather3A_1426 = arith.constant 0 : i32
      %gather3A_1427 = arith.constant 0 : i32
      %gather3A_1428 = tpu.memref_slice %arg6[%gather3A_1425, %gather3A_1426, %gather3A_1427] : memref<8x64x128xf32, #tpu.memory_space<vmem>> -> memref<1x64x128xf32, #tpu.memory_space<vmem>>
      %gather3A_1429 = tpu.memref_squeeze %gather3A_1428 : memref<1x64x128xf32, #tpu.memory_space<vmem>> -> memref<64x128xf32, #tpu.memory_space<vmem>>
      %gather3A_1430 = tpu.vector_load_idx %gather3A_1429[%add3A_1423, %broadcast_in_dim3A_1424] : memref<64x128xf32, #tpu.memory_space<vmem>>[vector<16xi32>, vector<16xi32>], vector<16xf32>,
      %broadcast_in_dim3A_1431 = vector.broadcast %add3A_1420 : i32 to vector<16xi32>
      tpu.vector_store_idx %arg7[%add3A_1423, %broadcast_in_dim3A_1431], %gather3A_1430 : memref<64x512xf32, #tpu.memory_space<vmem>>[vector<16xi32>, vector<16xi32>], vector<16xf32>,
      %add3A_1432 = arith.constant 16 : i32
      %add3A_1433 = vector.broadcast %add3A_1432 : i32 to vector<16xi32>
      %add3A_1434 = arith.addi %add3A_1433, %iota3A : vector<16xi32>
      %broadcast_in_dim3A_1435 = vector.broadcast %squeeze3A_1418 : i32 to vector<16xi32>
      %gather3A_1436 = arith.constant 7 : i32
      %gather3A_1437 = arith.constant 0 : i32
      %gather3A_1438 = arith.constant 0 : i32
      %gather3A_1439 = tpu.memref_slice %arg6[%gather3A_1436, %gather3A_1437, %gather3A_1438] : memref<8x64x128xf32, #tpu.memory_space<vmem>> -> memref<1x64x128xf32, #tpu.memory_space<vmem>>
      %gather3A_1440 = tpu.memref_squeeze %gather3A_1439 : memref<1x64x128xf32, #tpu.memory_space<vmem>> -> memref<64x128xf32, #tpu.memory_space<vmem>>
      %gather3A_1441 = tpu.vector_load_idx %gather3A_1440[%add3A_1434, %broadcast_in_dim3A_1435] : memref<64x128xf32, #tpu.memory_space<vmem>>[vector<16xi32>, vector<16xi32>], vector<16xf32>,
      %broadcast_in_dim3A_1442 = vector.broadcast %add3A_1420 : i32 to vector<16xi32>
      tpu.vector_store_idx %arg7[%add3A_1434, %broadcast_in_dim3A_1442], %gather3A_1441 : memref<64x512xf32, #tpu.memory_space<vmem>>[vector<16xi32>, vector<16xi32>], vector<16xf32>,
      %add3A_1443 = arith.constant 32 : i32
      %add3A_1444 = vector.broadcast %add3A_1443 : i32 to vector<16xi32>
      %add3A_1445 = arith.addi %add3A_1444, %iota3A : vector<16xi32>
      %broadcast_in_dim3A_1446 = vector.broadcast %squeeze3A_1418 : i32 to vector<16xi32>
      %gather3A_1447 = arith.constant 7 : i32
      %gather3A_1448 = arith.constant 0 : i32
      %gather3A_1449 = arith.constant 0 : i32
      %gather3A_1450 = tpu.memref_slice %arg6[%gather3A_1447, %gather3A_1448, %gather3A_1449] : memref<8x64x128xf32, #tpu.memory_space<vmem>> -> memref<1x64x128xf32, #tpu.memory_space<vmem>>
      %gather3A_1451 = tpu.memref_squeeze %gather3A_1450 : memref<1x64x128xf32, #tpu.memory_space<vmem>> -> memref<64x128xf32, #tpu.memory_space<vmem>>
      %gather3A_1452 = tpu.vector_load_idx %gather3A_1451[%add3A_1445, %broadcast_in_dim3A_1446] : memref<64x128xf32, #tpu.memory_space<vmem>>[vector<16xi32>, vector<16xi32>], vector<16xf32>,
      %broadcast_in_dim3A_1453 = vector.broadcast %add3A_1420 : i32 to vector<16xi32>
      tpu.vector_store_idx %arg7[%add3A_1445, %broadcast_in_dim3A_1453], %gather3A_1452 : memref<64x512xf32, #tpu.memory_space<vmem>>[vector<16xi32>, vector<16xi32>], vector<16xf32>,
      %add3A_1454 = arith.constant 48 : i32
      %add3A_1455 = vector.broadcast %add3A_1454 : i32 to vector<16xi32>
      %add3A_1456 = arith.addi %add3A_1455, %iota3A : vector<16xi32>
      %broadcast_in_dim3A_1457 = vector.broadcast %squeeze3A_1418 : i32 to vector<16xi32>
      %gather3A_1458 = arith.constant 7 : i32
      %gather3A_1459 = arith.constant 0 : i32
      %gather3A_1460 = arith.constant 0 : i32
      %gather3A_1461 = tpu.memref_slice %arg6[%gather3A_1458, %gather3A_1459, %gather3A_1460] : memref<8x64x128xf32, #tpu.memory_space<vmem>> -> memref<1x64x128xf32, #tpu.memory_space<vmem>>
      %gather3A_1462 = tpu.memref_squeeze %gather3A_1461 : memref<1x64x128xf32, #tpu.memory_space<vmem>> -> memref<64x128xf32, #tpu.memory_space<vmem>>
      %gather3A_1463 = tpu.vector_load_idx %gather3A_1462[%add3A_1456, %broadcast_in_dim3A_1457] : memref<64x128xf32, #tpu.memory_space<vmem>>[vector<16xi32>, vector<16xi32>], vector<16xf32>,
      %broadcast_in_dim3A_1464 = vector.broadcast %add3A_1420 : i32 to vector<16xi32>
      tpu.vector_store_idx %arg7[%add3A_1456, %broadcast_in_dim3A_1464], %gather3A_1463 : memref<64x512xf32, #tpu.memory_space<vmem>>[vector<16xi32>, vector<16xi32>], vector<16xf32>,
    }
    %scan3A_88 = arith.constant 32 : i32
    %dma_wait3A_89 = arith.constant 0 : i32
    %dma_wait3A_90 = arith.constant 0 : i32
    %dma_wait3A_91 = arith.constant 0 : i32
    %dma_wait3A_92 = tpu.memref_slice %arg6[%dma_wait3A_89, %dma_wait3A_90, %dma_wait3A_91] : memref<8x64x128xf32, #tpu.memory_space<vmem>> -> memref<1x64x128xf32, #tpu.memory_space<vmem>>
    %dma_wait3A_93 = tpu.memref_squeeze %dma_wait3A_92 : memref<1x64x128xf32, #tpu.memory_space<vmem>> -> memref<64x128xf32, #tpu.memory_space<vmem>>
    %dma_wait3A_94 = arith.constant 0 : i32
    %dma_wait3A_95 = arith.constant 0 : i32
    %dma_wait3A_96 = tpu.memref_slice %arg3[%dma_wait3A_94, %dma_wait3A_95] : memref<64x1000000xf32, #tpu.memory_space<hbm>> -> memref<64x128xf32, #tpu.memory_space<hbm>>
    %dma_wait3A_97 = arith.constant 0 : i32
    %dma_wait3A_98 = arith.constant 0 : i32
    %dma_wait3A_99 = tpu.memref_slice %arg6[%dma_wait3A_89, %dma_wait3A_97, %dma_wait3A_98] : memref<8x64x128xf32, #tpu.memory_space<vmem>> -> memref<1x64x128xf32, #tpu.memory_space<vmem>>
    %dma_wait3A_100 = tpu.memref_squeeze %dma_wait3A_99 : memref<1x64x128xf32, #tpu.memory_space<vmem>> -> memref<64x128xf32, #tpu.memory_space<vmem>>
    %dma_wait3A_101 = arith.constant 0 : i32
    %dma_wait3A_102 = arith.constant 0 : i32
    %dma_wait3A_103 = tpu.memref_slice %arg3[%dma_wait3A_101, %dma_wait3A_102] : memref<64x1000000xf32, #tpu.memory_space<hbm>> -> memref<64x128xf32, #tpu.memory_space<hbm>>
    tpu.wait_dma2 semaphore(%arg9 : memref<!tpu.dma_semaphore, #tpu.memory_space<semaphore_mem>>) src(%dma_wait3A_103 : memref<64x128xf32, #tpu.memory_space<hbm>>) dst(%dma_wait3A_100 : memref<64x128xf32, #tpu.memory_space<vmem>>)
    %dma_wait3A_104 = arith.constant 1 : i32
    %dma_wait3A_105 = arith.constant 0 : i32
    %dma_wait3A_106 = arith.constant 0 : i32
    %dma_wait3A_107 = tpu.memref_slice %arg6[%dma_wait3A_104, %dma_wait3A_105, %dma_wait3A_106] : memref<8x64x128xf32, #tpu.memory_space<vmem>> -> memref<1x64x128xf32, #tpu.memory_space<vmem>>
    %dma_wait3A_108 = tpu.memref_squeeze %dma_wait3A_107 : memref<1x64x128xf32, #tpu.memory_space<vmem>> -> memref<64x128xf32, #tpu.memory_space<vmem>>
    %dma_wait3A_109 = arith.constant 0 : i32
    %dma_wait3A_110 = arith.constant 0 : i32
    %dma_wait3A_111 = tpu.memref_slice %arg3[%dma_wait3A_109, %dma_wait3A_110] : memref<64x1000000xf32, #tpu.memory_space<hbm>> -> memref<64x128xf32, #tpu.memory_space<hbm>>
    %dma_wait3A_112 = arith.constant 0 : i32
    %dma_wait3A_113 = arith.constant 0 : i32
    %dma_wait3A_114 = tpu.memref_slice %arg6[%dma_wait3A_104, %dma_wait3A_112, %dma_wait3A_113] : memref<8x64x128xf32, #tpu.memory_space<vmem>> -> memref<1x64x128xf32, #tpu.memory_space<vmem>>
    %dma_wait3A_115 = tpu.memref_squeeze %dma_wait3A_114 : memref<1x64x128xf32, #tpu.memory_space<vmem>> -> memref<64x128xf32, #tpu.memory_space<vmem>>
    %dma_wait3A_116 = arith.constant 0 : i32
    %dma_wait3A_117 = arith.constant 0 : i32
    %dma_wait3A_118 = tpu.memref_slice %arg3[%dma_wait3A_116, %dma_wait3A_117] : memref<64x1000000xf32, #tpu.memory_space<hbm>> -> memref<64x128xf32, #tpu.memory_space<hbm>>
    tpu.wait_dma2 semaphore(%arg9 : memref<!tpu.dma_semaphore, #tpu.memory_space<semaphore_mem>>) src(%dma_wait3A_118 : memref<64x128xf32, #tpu.memory_space<hbm>>) dst(%dma_wait3A_115 : memref<64x128xf32, #tpu.memory_space<vmem>>)
    %dma_wait3A_119 = arith.constant 2 : i32
    %dma_wait3A_120 = arith.constant 0 : i32
    %dma_wait3A_121 = arith.constant 0 : i32
    %dma_wait3A_122 = tpu.memref_slice %arg6[%dma_wait3A_119, %dma_wait3A_120, %dma_wait3A_121] : memref<8x64x128xf32, #tpu.memory_space<vmem>> -> memref<1x64x128xf32, #tpu.memory_space<vmem>>
    %dma_wait3A_123 = tpu.memref_squeeze %dma_wait3A_122 : memref<1x64x128xf32, #tpu.memory_space<vmem>> -> memref<64x128xf32, #tpu.memory_space<vmem>>
    %dma_wait3A_124 = arith.constant 0 : i32
    %dma_wait3A_125 = arith.constant 0 : i32
    %dma_wait3A_126 = tpu.memref_slice %arg3[%dma_wait3A_124, %dma_wait3A_125] : memref<64x1000000xf32, #tpu.memory_space<hbm>> -> memref<64x128xf32, #tpu.memory_space<hbm>>
    %dma_wait3A_127 = arith.constant 0 : i32
    %dma_wait3A_128 = arith.constant 0 : i32
    %dma_wait3A_129 = tpu.memref_slice %arg6[%dma_wait3A_119, %dma_wait3A_127, %dma_wait3A_128] : memref<8x64x128xf32, #tpu.memory_space<vmem>> -> memref<1x64x128xf32, #tpu.memory_space<vmem>>
    %dma_wait3A_130 = tpu.memref_squeeze %dma_wait3A_129 : memref<1x64x128xf32, #tpu.memory_space<vmem>> -> memref<64x128xf32, #tpu.memory_space<vmem>>
    %dma_wait3A_131 = arith.constant 0 : i32
    %dma_wait3A_132 = arith.constant 0 : i32
    %dma_wait3A_133 = tpu.memref_slice %arg3[%dma_wait3A_131, %dma_wait3A_132] : memref<64x1000000xf32, #tpu.memory_space<hbm>> -> memref<64x128xf32, #tpu.memory_space<hbm>>
    tpu.wait_dma2 semaphore(%arg9 : memref<!tpu.dma_semaphore, #tpu.memory_space<semaphore_mem>>) src(%dma_wait3A_133 : memref<64x128xf32, #tpu.memory_space<hbm>>) dst(%dma_wait3A_130 : memref<64x128xf32, #tpu.memory_space<vmem>>)
    %dma_wait3A_134 = arith.constant 3 : i32
    %dma_wait3A_135 = arith.constant 0 : i32
    %dma_wait3A_136 = arith.constant 0 : i32
    %dma_wait3A_137 = tpu.memref_slice %arg6[%dma_wait3A_134, %dma_wait3A_135, %dma_wait3A_136] : memref<8x64x128xf32, #tpu.memory_space<vmem>> -> memref<1x64x128xf32, #tpu.memory_space<vmem>>
    %dma_wait3A_138 = tpu.memref_squeeze %dma_wait3A_137 : memref<1x64x128xf32, #tpu.memory_space<vmem>> -> memref<64x128xf32, #tpu.memory_space<vmem>>
    %dma_wait3A_139 = arith.constant 0 : i32
    %dma_wait3A_140 = arith.constant 0 : i32
    %dma_wait3A_141 = tpu.memref_slice %arg3[%dma_wait3A_139, %dma_wait3A_140] : memref<64x1000000xf32, #tpu.memory_space<hbm>> -> memref<64x128xf32, #tpu.memory_space<hbm>>
    %dma_wait3A_142 = arith.constant 0 : i32
    %dma_wait3A_143 = arith.constant 0 : i32
    %dma_wait3A_144 = tpu.memref_slice %arg6[%dma_wait3A_134, %dma_wait3A_142, %dma_wait3A_143] : memref<8x64x128xf32, #tpu.memory_space<vmem>> -> memref<1x64x128xf32, #tpu.memory_space<vmem>>
    %dma_wait3A_145 = tpu.memref_squeeze %dma_wait3A_144 : memref<1x64x128xf32, #tpu.memory_space<vmem>> -> memref<64x128xf32, #tpu.memory_space<vmem>>
    %dma_wait3A_146 = arith.constant 0 : i32
    %dma_wait3A_147 = arith.constant 0 : i32
    %dma_wait3A_148 = tpu.memref_slice %arg3[%dma_wait3A_146, %dma_wait3A_147] : memref<64x1000000xf32, #tpu.memory_space<hbm>> -> memref<64x128xf32, #tpu.memory_space<hbm>>
    tpu.wait_dma2 semaphore(%arg9 : memref<!tpu.dma_semaphore, #tpu.memory_space<semaphore_mem>>) src(%dma_wait3A_148 : memref<64x128xf32, #tpu.memory_space<hbm>>) dst(%dma_wait3A_145 : memref<64x128xf32, #tpu.memory_space<vmem>>)
    "tpu.region"() ({
      %run_scoped3A = tpu.sem_alloc : memref<!tpu.dma_semaphore, #tpu.memory_space<semaphore_mem>>
      %dma_start3A_149 = arith.constant 0 : i32
      %dma_start3A_150 = tpu.memref_slice %arg4[%dma_start3A_149, %mul3A_2] : memref<64x16384xf32, #tpu.memory_space<hbm>> -> memref<64x512xf32, #tpu.memory_space<hbm>>
      %dma_start3A_151 = arith.constant 0 : i32
      %dma_start3A_152 = tpu.memref_slice %arg4[%dma_start3A_151, %mul3A_2] : memref<64x16384xf32, #tpu.memory_space<hbm>> -> memref<64x512xf32, #tpu.memory_space<hbm>>
      tpu.enqueue_dma source(%arg7 : memref<64x512xf32, #tpu.memory_space<vmem>>) target(%dma_start3A_152 : memref<64x512xf32, #tpu.memory_space<hbm>>) target_semaphore(%run_scoped3A : memref<!tpu.dma_semaphore, #tpu.memory_space<semaphore_mem>>)
      %dma_wait3A_153 = arith.constant 0 : i32
      %dma_wait3A_154 = tpu.memref_slice %arg4[%dma_wait3A_153, %mul3A_2] : memref<64x16384xf32, #tpu.memory_space<hbm>> -> memref<64x512xf32, #tpu.memory_space<hbm>>
      %dma_wait3A_155 = arith.constant 0 : i32
      %dma_wait3A_156 = tpu.memref_slice %arg4[%dma_wait3A_155, %mul3A_2] : memref<64x16384xf32, #tpu.memory_space<hbm>> -> memref<64x512xf32, #tpu.memory_space<hbm>>
      tpu.wait_dma2 semaphore(%run_scoped3A : memref<!tpu.dma_semaphore, #tpu.memory_space<semaphore_mem>>) src(%arg7 : memref<64x512xf32, #tpu.memory_space<vmem>>) dst(%dma_wait3A_156 : memref<64x512xf32, #tpu.memory_space<hbm>>)
      tpu.yield
    }) : () -> ()
    return
  }
}

</mosaic_0001>

<sc_bundles>
// kernel: kernel.3.cloned.1.call-start
scs
__scs_entry_jumppad:
0x0: {  	(pc) =	sbr.rel $0x88, $3  }
0x1: {  	(tag) =	ssettag $0x0;
	lr =	simm.s32 $0x1  }
0x2: {  	[smem:$0x3F9F] =	sst lr;
	_ =	strace $0xD0000000  }
0x3: {  	_ = 	snop  }
0x4: {  	_ = 	snop  }
0x5: {  	_ = 	snop  }
0x6: {  	_ = 	snop  }
0x7: {  	_ = 	snop  }
__scs_overlays_trampoline_lowered:
0x8: {  	[smem:$0x3FAE] =	sst s0  }
0x9: {  	[smem:$0x3FAF] =	sst s1  }
0xa: {  	[smem:$0x3FB0] =	sst s2  }
0xb: {  	[smem:$0x3FB1] =	sst s3  }
0xc: {  	[smem:$0x3FB2] =	sst s4  }
0xd: {  	[smem:$0x3FB3] =	sst s5  }
0xe: {  	[smem:$0x3FB4] =	sst s6  }
0xf: {  	[smem:$0x3FB5] =	sst s7  }
0x10: {  	[smem:$0x3FB6] =	sst s8  }
0x11: {  	[smem:$0x3FB7] =	sst s9;
	s0 =	simm.s32 @!p0 $0x0  }
0x12: {  	s1 =	sld [smem:$0x3F9D];
	s0 =	simm.s32 @p0 $0x1  }
0x13: {  	[smem:$0x3FB8] =	sst s0;
	s0 =	simm.s32 @!p1 $0x0  }
0x14: {  	s2 =	sld [smem:$0x3F9C];
	s0 =	simm.s32 @p1 $0x1  }
0x15: {  	[smem:$0x3FB9] =	sst s0;
	s0 =	simm.s32 @!p2 $0x0  }
0x16: {  	s3 =	sld [smem:$0x3FDB];
	s0 =	simm.s32 @p2 $0x1  }
0x17: {  	s4 =	simm.s32 $0x1BF5;
	[smem:$0x3FBB] =	sst s0  }
0x18: {  	s0 =	sld [smem:$0x3F9E];
	_ =	swait.ge [sflag:s4], $0x0  }
0x19: {  	s7 =	sld [smem:$0x3F9F]  }
0x1a: {  	s8 =	sadd.s32 $0xFFFFE003, lr  }
0x1b: {  	s9 =	sadd.s32 $0xFFFFFEF7, lr;
	s5 =	simm.s32 $0xFFFFFFFF;
	p2 =	slt.u32 s8, $0xFFFFF086  }
0x1c: {  	p1 =	slt.u32 s9, $0xF7A;
	s5 =	simm.s32 @!p2 $0x0  }
0x1d: {  	s5 =	simm.s32 @p1 $0x1;
	p0 =	seq.s32 s7, s2  }
0x1e: {  	s7 =	smul.u32 @!p0 $0xF7A, s2;
	p2 =	seq.s32 @!p0 s5, $0x0  }
0x1f: {  	s9 =	smul.u32 $0xF7A, s1;
	s8 =	simm.s32 @!p0 $0x1BF5;
	p2 =	por !p2, p0  }
0x20: {  	[sflag:s8] =	ssyncset.s32 @!p0 $0xFFFFF086;
	s6 =	sadd.s32 @!p0 s3, s7;
	s7 =	simm.s32 @!p0 $0x108  }
0x21: {  	s3 =	sadd.s32 s3, s9;
	s6 =	sadd.s32 @!p0 $0x88, s6;
	s7 =	simm.s32 @p2 $0x1082  }
0x22: {  	[simem:s7], [sflag:s8] =	dma.local @!p0 [hbm:s6], $0xF7A  }
0x23: {  	s9 =	sor.u32 $0xD0000000, s2;
	s6 =	simm.s32 $0x108;
	_ =	swait.ge @!p0 [sflag:s8], $0x0  }
0x24: {  	s3 =	sadd.s32 $0x88, s3;
	s6 =	simm.s32 @!p1 $0x1082;
	[sflag:s4] =	ssyncset.s32 $0xFFFFF086  }
0x25: {  	[simem:s6], [sflag:s4] =	dma.local [hbm:s3], $0xF7A  }
0x26: {  	[smem:$0x3F9F] =	sst s1;
	(tag) =	ssettag s2;
	_ =	strace s9  }
0x27: {  	s1 =	sld [smem:$0x3FAF]  }
0x28: {  	s2 =	sld [smem:$0x3FB0]  }
0x29: {  	s4 =	sld [smem:$0x3FB2]  }
0x2a: {  	p0 =	seq.s32 s5, $0x0;
	s5 =	sld [smem:$0x3FB3]  }
0x2b: {  	s6 =	sld [smem:$0x3FB4]  }
0x2c: {  	s7 =	sld [smem:$0x3FB5]  }
0x2d: {  	s3 =	simm.s32 $0x108;
	s8 =	sld [smem:$0x3FB6]  }
0x2e: {  	s3 =	simm.s32 @!p0 $0x1082;
	s9 =	sld [smem:$0x3FB7]  }
0x2f: {  	lr =	sadd.s32 s0, s3;
	s0 =	sld [smem:$0x3FAE]  }
0x30: {  	s3 =	sld [smem:$0x3FB1]  }
0x31: {  	[smem:$0x3FBA] =	sst s10  }
0x32: {  	s10 =	sld [smem:$0x3FB8];
	_ =	sdelay $0x3  }
0x33: {  	p0 =	seq.s32 s10, $0x1;
	s10 =	sld [smem:$0x3FBA];
	_ =	sdelay $0x3  }
0x34: {  	[smem:$0x3FBA] =	sst s10  }
0x35: {  	s10 =	sld [smem:$0x3FB9];
	_ =	sdelay $0x3  }
0x36: {  	p1 =	seq.s32 s10, $0x1;
	s10 =	sld [smem:$0x3FBA];
	_ =	sdelay $0x3  }
0x37: {  	[smem:$0x3FBA] =	sst s10  }
0x38: {  	s10 =	sld [smem:$0x3FBB]  }
0x39: {  	_ = 	snop;
	(pc) =	sbr.ind lr, $3  }
0x3a: {  	_ = 	snop  }
0x3b: {  	_ = 	snop  }
0x3c: {  	p2 =	seq.s32 s10, $0x1;
	s10 =	sld [smem:$0x3FBA]  }
0x3d: {  	_ =	shalt  }
0x3e: {  	_ =	shalt  }
0x3f: {  	_ =	shalt  }
0x40: {  	_ =	shalt  }
0x41: {  	_ =	shalt  }
0x42: {  	_ =	shalt  }
0x43: {  	_ =	shalt  }
0x44: {  	_ =	shalt  }
0x45: {  	_ =	shalt  }
0x46: {  	_ =	shalt  }
0x47: {  	_ =	shalt  }
0x48: {  	_ =	shalt  }
0x49: {  	_ =	shalt  }
0x4a: {  	_ =	shalt  }
0x4b: {  	_ =	shalt  }
0x4c: {  	_ =	shalt  }
0x4d: {  	_ =	shalt  }
0x4e: {  	_ =	shalt  }
0x4f: {  	_ =	shalt  }
0x50: {  	_ =	shalt  }
0x51: {  	_ =	shalt  }
0x52: {  	_ =	shalt  }
0x53: {  	_ =	shalt  }
0x54: {  	_ =	shalt  }
0x55: {  	_ =	shalt  }
0x56: {  	_ =	shalt  }
0x57: {  	_ =	shalt  }
0x58: {  	_ =	shalt  }
0x59: {  	_ =	shalt  }
0x5a: {  	_ =	shalt  }
0x5b: {  	_ =	shalt  }
0x5c: {  	_ =	shalt  }
0x5d: {  	_ =	shalt  }
0x5e: {  	_ =	shalt  }
0x5f: {  	_ =	shalt  }
0x60: {  	_ =	shalt  }
0x61: {  	_ =	shalt  }
0x62: {  	_ =	shalt  }
0x63: {  	_ =	shalt  }
0x64: {  	_ =	shalt  }
0x65: {  	_ =	shalt  }
0x66: {  	_ =	shalt  }
0x67: {  	_ =	shalt  }
0x68: {  	_ =	shalt  }
0x69: {  	_ =	shalt  }
0x6a: {  	_ =	shalt  }
0x6b: {  	_ =	shalt  }
0x6c: {  	_ =	shalt  }
0x6d: {  	_ =	shalt  }
0x6e: {  	_ =	shalt  }
0x6f: {  	_ =	shalt  }
0x70: {  	_ =	shalt  }
0x71: {  	_ =	shalt  }
0x72: {  	_ =	shalt  }
0x73: {  	_ =	shalt  }
0x74: {  	_ =	shalt  }
0x75: {  	_ =	shalt  }
0x76: {  	_ =	shalt  }
0x77: {  	_ =	shalt  }
0x78: {  	_ =	shalt  }
0x79: {  	_ =	shalt  }
0x7a: {  	_ =	shalt  }
0x7b: {  	_ =	shalt  }
0x7c: {  	_ =	shalt  }
0x7d: {  	_ =	shalt  }
0x7e: {  	_ =	shalt  }
0x7f: {  	_ =	shalt  }
0x80: {  	_ =	shalt  }
0x81: {  	_ =	shalt  }
0x82: {  	_ =	shalt  }
0x83: {  	_ =	shalt  }
0x84: {  	_ =	shalt  }
0x85: {  	_ =	shalt  }
0x86: {  	_ =	shalt  }
0x87: {  	_ =	shalt  }
.Lfunc_end0:
.L_simem_size_0:
called_computation_lowered:
.L_overlay_start_0:
0x88: {  	s2 =	sld [smem:$0x3FD9]  }
0x89: {  	s3 =	sld [smem:$0x3FFE];
	_ =	sdelay $0x1  }
0x8a: {  	s1 =	srdreg.scid  }
0x8b: {  	s0 =	sand.u32 $0x1, s1  }
0x8c: {  	s17 =	sshll.u32 s0, $0xA;
	s2 =	sadd.s32 s3, s2  }
0x8d: {  	s2 =	sadd.s32 s2, s17  }
0x8e: {  	[smem:$0x3FC6] =	sst s2  }
0x8f: {  	_ = 	snop  }
0x90: {  	s2 =	sld [smem:$0x3FC8]  }
0x91: {  	s18 =	sld [smem:$0x3FD0];
	(tm) =	ssettm $0x1  }
0x92: {  	s4 =	sld [smem:$0x3FFB];
	_ =	sdelay $0x3  }
0x93: {  	_ =	strace s4  }
0x94: {  	s4 =	sld [smem:$0x3FFC];
	_ =	sdelay $0x3  }
0x95: {  	_ =	strace s4  }
0x96: {  	s4 =	sld [smem:$0x3FFD];
	_ =	sdelay $0x3  }
0x97: {  	_ =	strace s4  }
0x98: {  	_ =	strace $0x8FFFFFFF  }
0x99: {  	s19 =	sld [smem:$0x3FDB];
	_ =	sdelay $0x1  }
0x9a: {  	s5 =	simm.s32 $_scs_section_size  }
0x9b: {  	s6 =	simm.s32 $_size__tile_overlayer_lowered;
	s7 =	simm.s32 $_tile_overlayer_lowered  }
0x9c: {  	s22 =	simm.s32 $0x1BFF;
	s21 =	sshll.u32 s7, $0x1;
	s4 =	sadd.s32 s5, s19  }
0x9d: {  	s8 =	simm.s32 $0x0;
	s20 =	sshll.u32 s6, $0x1;
	s6 =	sadd.s32 s21, s4  }
0x9e: {  	[timem:s8], [sflag:s22] =	dma.local [hbm:s6], s20  }
0x9f: {  	_ =	swait.ge [sflag:s22], s20  }
0xa0: {  	s5 =	ssub.s32 $0x0, s20;
	[sflag:s22] =	ssyncset.done $0x0  }
0xa1: {  	[sflag:s22] =	ssyncadd.s32 s5;
	_ =	sdelay $0x1  }
0xa2: {  	s23 =	simm.s32 $0x1B8B  }
0xa3: {  	_ =	swait.ge [sflag:s23], $0x1  }
0xa4: {  	[sflag:s23] =	ssyncset.done $0x0  }
0xa5: {  	s25 =	simm.s32 $0x1B8E;
	s24 =	sld [smem:$0x3FFE];
	[sflag:s23] =	ssyncadd.s32 $0xFFFFFFFF  }
0xa6: {  	s26 =	simm.s32 $execute0_lowered;
	[smem:$0x3FD2] =	sst s25  }
0xa7: {  	s6 =	sshll.u32 s26, $0x1;
	_ =	strace $0x80000046;
	[dreg:$0x1] =	wrdreg $0xFFFFFFFF  }
0xa8: {  	s28 =	simm.s32 $_size_execute0_lowered;
	s4 =	sadd.s32 s4, s6;
	[dreg:$0x0] =	wrdreg $0x0  }
0xa9: {  	s6 =	sshll.u32 s28, $0x1;
	[dreg:$0x2] =	wrdreg s4  }
0xaa: {  	[dreg:$0x3] =	wrdreg s6  }
0xab: {  	[dreg:$0x4] =	wrdreg $0xC0  }
0xac: {  	_ =	task [dreg:s8], $0x5FFFF  }
0xad: {  	[dreg:$0x1] =	wrdreg $0xFFFFFFFF  }
0xae: {  	[dreg:$0x0] =	wrdreg $0x60  }
0xaf: {  	[dreg:$0x2] =	wrdreg s24  }
0xb0: {  	[dreg:$0x3] =	wrdreg s2  }
0xb1: {  	[dreg:$0x4] =	wrdreg s18  }
0xb2: {  	[dreg:$0x5] =	wrdreg $0x9  }
0xb3: {  	_ =	task.clear_ibuf [dreg:s8], $0x6FFFF;
	_ =	strace $0x90000046  }
0xb4: {  	s29 =	simm.s32 $0x9;
	_ =	strace $0x80000048  }
0xb5: {  	_ =	swait.ge [sflag:s29], $0x1  }
0xb6: {  	[sflag:s29] =	ssyncadd.s32 $0xFFFFFFFF  }
0xb7: {  	_ =	strace $0x90000048  }
0xb8: {  	_ =	sfence  }
0xb9: {  	s30 =	sld [smem:$0x0];
	_ =	sdelay $0x2  }
0xba: {  	s31 =	sshll.u32 s1, $0xD;
	s1 =	sshrl.u32 s1, $0x2  }
0xbb: {  	s3 =	sand.u32 $0x4000, s31;
	s1 =	sadd.s32 s1, s30  }
0xbc: {  	s0 =	sor.u32 s3, s0;
	s1 =	sshll.u32 s1, $0x11  }
0xbd: {  	s0 =	sor.u32 s1, s0  }
0xbe: {  	s0 =	sadd.s32 $0x8F2B, s0  }
0xbf: {  	[sflag:s0] =	ssyncadd.remote.s32 $0x1  }
0xc0: {  	_ =	sfence.sel $0xFFFF  }
0xc1: {  	[dreg:$0x0] =	wrdreg $0xFFFFFFFF;
	(pc) =	sbr.abs _section_cstart, $3  }
0xc2: {  	[dreg:$0x1] =	wrdreg $0xFFFFFFFF  }
0xc3: {  	_ =	task.clear_ibuf [dreg:s8], $0x2FFFF;
	_ =	strace $0x9FFFFFFF  }
0xc4: {  	(tm) =	ssettm $0x7FFFFFFF  }
0xc5: {  	_ =	shalt  }
tec
execute0_lowered:
.L_overlay_start_1:
0x0: {  	(tag) =	ssettag $0x1  }
0x1: {  	v0 =	vimm.s32 $0x1380;
	vm14 =	vcmask $0x300;
	vm13 =	vcmask $0x704  }
0x2: {  	vm12 =	vcmask $0xB08;
	vm11 =	vcmask $0xF0C;
	vm10 =	vcmask $0x1310  }
0x3: {  	vm9 =	vcmask $0x1714;
	vm8 =	vcmask $0x1B18;
	vm7 =	vcmask $0x1F1C  }
0x4: {  	vm6 =	vcmask $0x2320;
	vm5 =	vcmask $0x2724;
	vm4 =	vcmask $0x2B28  }
0x5: {  	vm3 =	vcmask $0x2F2C;
	v1 =	vlaneseq.u32;
	vm2 =	vcmask $0x3330  }
0x6: {  	vm1 =	vcmask $0x3734;
	vm0 =	vcmask $0x3B38;
	v3 =	vimm.s32 $0x3380  }
0x7: {  	v4 =	vimm.s32 $0x5380;
	v5 =	vimm.s32 $0x7380;
	v0 =	vsel vm14, $0x0, v0  }
0x8: {  	v3 =	vsel vm14, $0x2000, v3;
	v4 =	vsel vm14, $0x4000, v4;
	v5 =	vsel vm14, $0x6000, v5  }
0x9: {  	v0 =	vsel vm13, $0x80, v0;
	v3 =	vsel vm13, $0x2080, v3;
	v4 =	vsel vm13, $0x4080, v4  }
0xa: {  	v5 =	vsel vm13, $0x6080, v5;
	v0 =	vsel vm12, $0x100, v0;
	v3 =	vsel vm12, $0x2100, v3  }
0xb: {  	v4 =	vsel vm12, $0x4100, v4;
	v5 =	vsel vm12, $0x6100, v5;
	v0 =	vsel vm11, $0x180, v0  }
0xc: {  	v3 =	vsel vm11, $0x2180, v3;
	v4 =	vsel vm11, $0x4180, v4;
	v5 =	vsel vm11, $0x6180, v5  }
0xd: {  	v0 =	vsel vm10, $0x200, v0;
	v3 =	vsel vm10, $0x2200, v3;
	v4 =	vsel vm10, $0x4200, v4  }
0xe: {  	s1 =	srdreg.scid;
	s4 =	rddreg [dreg:$0x0];
	v5 =	vsel vm10, $0x6200, v5;
	v0 =	vsel vm9, $0x280, v0;
	v3 =	vsel vm9, $0x2280, v3  }
0xf: {  	s0 =	stileid.u32;
	s6 =	rddreg [dreg:$0x2];
	v4 =	vsel vm9, $0x4280, v4;
	v5 =	vsel vm9, $0x6280, v5;
	v0 =	vsel vm8, $0x300, v0  }
0x10: {  	s10 =	simm.s32 $0x1;
	s11 =	simm.s32 $0x200;
	s12 =	simm.s32 $0x2200;
	v3 =	vsel vm8, $0x2300, v3;
	v4 =	vsel vm8, $0x4300, v4;
	v5 =	vsel vm8, $0x6300, v5  }
0x11: {  	s13 =	simm.s32 $0x4200;
	s14 =	simm.s32 $0x6200;
	s15 =	simm.s32 $0x8200;
	v0 =	vsel vm7, $0x380, v0;
	v3 =	vsel vm7, $0x2380, v3;
	v4 =	vsel vm7, $0x4380, v4  }
0x12: {  	s16 =	simm.s32 $0x2;
	s17 =	simm.s32 $0x10200;
	s18 =	simm.s32 $0xA200;
	v5 =	vsel vm7, $0x6380, v5;
	v0 =	vsel vm6, $0x1000, v0;
	v3 =	vsel vm6, $0x3000, v3  }
0x13: {  	s19 =	simm.s32 $0xC200;
	s20 =	simm.s32 $0xE200;
	s21 =	simm.s32 $0x1000;
	v4 =	vsel vm6, $0x5000, v4;
	v5 =	vsel vm6, $0x7000, v5;
	v0 =	vsel vm5, $0x1080, v0  }
0x14: {  	s22 =	simm.s32 $0x20000;
	s5 =	sand.u32 $0x1, s1;
	s2 =	sshll.u32 s0, $0x1;
	v3 =	vsel vm5, $0x3080, v3;
	v4 =	vsel vm5, $0x5080, v4;
	v5 =	vsel vm5, $0x7080, v5  }
0x15: {  	s23 =	simm.s32 $0x3;
	s24 =	simm.s32 $0x0;
	s2 =	sor.u32 s5, s2;
	v0 =	vsel vm4, $0x1100, v0;
	v3 =	vsel vm4, $0x3100, v3;
	v4 =	vsel vm4, $0x5100, v4  }
0x16: {  	s1 =	rddreg [dreg:$0x1];
	s5 =	ssub.s32 $0x2, s5;
	s7 =	sshll.u32 s2, $0x9;
	v5 =	vsel vm4, $0x7100, v5;
	v2 =	vsel vm3, $0x1180, v0;
	v0 =	vmul.u32 $0x80, v1  }
0x17: {  	s3 =	sshll.u32 s2, $0x7;
	s2 =	rddreg [dreg:$0x3];
	s30 =	sshrl.u32 s5, $0x1;
	v3 =	vsel vm3, $0x3180, v3;
	v4 =	vsel vm3, $0x5180, v4;
	v5 =	vsel vm3, $0x7180, v5  }
0x18: {  	s8 =	sand.u32 $0x3000, s7;
	s9 =	sand.u32 $0x380, s3;
	s3 =	simm.s32 $0x0;
	v1 =	vsel vm2, $0x1200, v2;
	v3 =	vsel vm2, $0x3200, v3;
	v6 =	vsel vm2, $0x5200, v4  }
0x19: {  	s31 =	ssub.s32 s5, s30;
	s5 =	sadd.s32 s6, s7;
	s8 =	sor.u32 s9, s8;
	v5 =	vsel vm2, $0x7200, v5;
	v1 =	vsel vm1, $0x1280, v1;
	v2 =	vor.u32 $0x800, v0  }
0x1a: {  	s7 =	simm.s32 $0x80;
	[smem:$0x7FF] =	sst s3;
	s8 =	sshrl.u32 s8, $0x3;
	v3 =	vsel vm1, $0x3280, v3;
	v4 =	vor.u32 $0x1000, v0;
	v6 =	vsel vm1, $0x5280, v6  }
0x1b: {  	s6 =	smax.u32 s31, $0x1;
	s9 =	simm.s32 $0x7A1400;
	s4 =	sadd.s32 s8, s4;
	v7 =	vsel vm1, $0x7280, v5;
	v1 =	vsel vm0, $0x1300, v1;
	v3 =	vsel vm0, $0x3300, v3  }
0x1c: {  	_ =	strace $0x80000047;
	s8 =	simm.s32 $0x400;
	s4 =	sadd.s32 $0x400, s4;
	v5 =	vsel vm0, $0x5300, v6;
	v6 =	vor.u32 $0x1800, v0;
	v7 =	vsel vm0, $0x7300, v7  }
.LBB2_1:
0x1d: {  	[tilespmem:s3], [sflag:$0x1] =	stream.strided.gather [hbm4b:s4+s7], $0x200, s8, s7, $0x38;
	[tilespmem:$0x18200] =	vst v63  }
0x1e: {  	_ =	swait.ge [sflag:s10], $0x200  }
0x1f: {  	[sflag:s10] =	ssyncset.done $0x0  }
0x20: {  	[sflag:s10] =	ssyncadd.s32 $0xFFFFFE00  }
0x21: {  	v8 =	vld [tilespmem:$0x0];
	_ =	sdelay $0x4  }
0x22: {  	v8 =	vshrl.u32 v8, $0x7  }
0x23: {  	v8 =	vshll.u32 v8, $0x7  }
0x24: {  	(v2sf) =	vpush v8, $0x0  }
0x25: {  	(v2sf) =	vpush v8, $0x1  }
0x26: {  	(v2sf) =	vpush v8, $0x2;
	_ =	sdelay $0x3  }
0x27: {  	(v2sf) =	vpush v8, $0x3;
	_ =	sdelay $0x8  }
0x28: {  	s25 =	spop (v2sf)  }
0x29: {  	s25 =	sand.u32 $0x1FFFFF80, s25;
	s26 =	spop (v2sf)  }
0x2a: {  	s25 =	sadd.s32 s1, s25;
	s28 =	sand.u32 $0x1FFFFF80, s26;
	s29 =	spop (v2sf)  }
0x2b: {  	[tilespmem:s11], [sflag:$0x2] =	stream.strided.gather [hbm4b:s25+s8], $0x2000, s9, s8, $0x38;
	[tilespmem:$0x18200] =	vst v63  }
0x2c: {  	s25 =	sadd.s32 s1, s28;
	s30 =	sand.u32 $0x1FFFFF80, s29  }
0x2d: {  	[tilespmem:s12], [sflag:$0x2] =	stream.strided.gather [hbm4b:s25+s8], $0x2000, s9, s8, $0x38;
	[tilespmem:$0x18200] =	vst v63  }
0x2e: {  	s31 =	spop (v2sf);
	s25 =	sadd.s32 s1, s30  }
0x2f: {  	[tilespmem:s13], [sflag:$0x2] =	stream.strided.gather [hbm4b:s25+s8], $0x2000, s9, s8, $0x38;
	[tilespmem:$0x18200] =	vst v63  }
0x30: {  	s25 =	sand.u32 $0x1FFFFF80, s31  }
0x31: {  	s25 =	sadd.s32 s1, s25  }
0x32: {  	[tilespmem:s14], [sflag:$0x2] =	stream.strided.gather [hbm4b:s25+s8], $0x2000, s9, s8, $0x38;
	[tilespmem:$0x18200] =	vst v63  }
0x33: {  	s26 =	simm.s32 $0x0;
	s25 =	simm.s32 $0xF  }
.LBB2_2:
0x34: {  	s28 =	sshra.s32 s26, $0x2  }
0x35: {  	v8 =	vld [tilespmem:s28+$0x0];
	_ =	sdelay $0x4  }
0x36: {  	v9 =	vshrl.u32 v8, $0x7  }
0x37: {  	v10 =	vshll.u32 v9, $0x7  }
0x38: {  	(v2sf) =	vpush v10, $0x4;
	_ =	sdelay $0xd  }
0x39: {  	v8 =	vand.u32 $0x7F, v8  }
0x3a: {  	s26 =	sadd.s32 $0x40, s26;
	v11 =	vbroadcast v8, $0x0;
	s29 =	spop (v2sf)  }
0x3b: {  	s30 =	sand.u32 $0x7C0, s26;
	s29 =	sand.u32 $0x1FFFFF80, s29  }
0x3c: {  	s31 =	sadd.s32 $0xFFFFFFF1, s25;
	s28 =	sshrl.u32 s30, $0x2;
	v12 =	vor.u32 v0, v11;
	s29 =	sadd.s32 s1, s29  }
0x3d: {  	v13 =	vmov s31;
	v9 =	vld [tilespmem:s28+$0x0];
	[tilespmem:s15], [sflag:$0x2] =	stream.strided.gather [hbm4b:s29+s8], $0x2000, s9, s8, $0x38  }
0x3e: {  	v14 =	vshll.u32 v13, $0x3;
	_ =	swait.ge [sflag:s16], $0x2000  }
0x3f: {  	v13 =	vand.u32 $0x70, v13;
	v14 =	vand.u32 $0xC00, v14;
	[sflag:s16] =	ssyncset.done $0x0  }
0x40: {  	v13 =	vor.u32 v13, v14;
	[sflag:s16] =	ssyncadd.s32 $0xFFFFE000  }
0x41: {  	v14 =	vor.u32 v1, v13;
	v12 =	vld.idx.msk [tilespmem:v12+s11+$0x0], $0xffff  }
0x42: {  	v15 =	vor.u32 v2, v11;
	_ =	sdelay $0x3  }
0x43: {  	[tilespmem:v14+s17+$0x0] =	vst.idx.msk $0xffff, v12  }
0x44: {  	v34 =	vor.u32 v3, v13;
	(v2sf) =	vpush v10, $0x5;
	v12 =	vld.idx.msk [tilespmem:v15+s11+$0x0], $0xffff  }
0x45: {  	v35 =	vor.u32 v4, v11;
	_ =	sdelay $0x3  }
0x46: {  	[tilespmem:v34+s17+$0x0] =	vst.idx.msk $0xffff, v12  }
0x47: {  	v36 =	vor.u32 v5, v13;
	v12 =	vld.idx.msk [tilespmem:v35+s11+$0x0], $0xffff  }
0x48: {  	v11 =	vor.u32 v6, v11;
	_ =	sdelay $0x3  }
0x49: {  	[tilespmem:v36+s17+$0x0] =	vst.idx.msk $0xffff, v12  }
0x4a: {  	v37 =	vor.u32 v7, v13;
	v11 =	vld.idx.msk [tilespmem:v11+s11+$0x0], $0xffff;
	_ =	sdelay $0x2  }
0x4b: {  	v38 =	vbroadcast v8, $0x1;
	s30 =	spop (v2sf)  }
0x4c: {  	s28 =	sand.u32 $0x1FFFFF80, s30  }
0x4d: {  	s31 =	sadd.s32 $0xFFFFFFF2, s25;
	v39 =	vor.u32 v0, v38;
	s28 =	sadd.s32 s1, s28;
	[tilespmem:v37+s17+$0x0] =	vst.idx.msk $0xffff, v11  }
0x4e: {  	v40 =	vmov s31;
	[tilespmem:s18], [sflag:$0x2] =	stream.strided.gather [hbm4b:s28+s8], $0x2000, s9, s8, $0x38;
	[tilespmem:$0x18200] =	vst v63  }
0x4f: {  	v41 =	vshll.u32 v40, $0x3;
	_ =	swait.ge [sflag:s16], $0x2000  }
0x50: {  	v14 =	vand.u32 $0xC00, v41;
	v12 =	vand.u32 $0x71, v40;
	[sflag:s16] =	ssyncset.done $0x0  }
0x51: {  	v12 =	vor.u32 v12, v14;
	[sflag:s16] =	ssyncadd.s32 $0xFFFFE000  }
0x52: {  	v14 =	vor.u32 v1, v12;
	v11 =	vld.idx.msk [tilespmem:v39+s12+$0x0], $0xffff  }
0x53: {  	v42 =	vor.u32 v2, v38;
	_ =	sdelay $0x3  }
0x54: {  	[tilespmem:v14+s17+$0x0] =	vst.idx.msk $0xffff, v11  }
0x55: {  	v43 =	vor.u32 v3, v12;
	(v2sf) =	vpush v10, $0x6;
	v11 =	vld.idx.msk [tilespmem:v42+s12+$0x0], $0xffff  }
0x56: {  	v44 =	vor.u32 v4, v38;
	_ =	sdelay $0x3  }
0x57: {  	[tilespmem:v43+s17+$0x0] =	vst.idx.msk $0xffff, v11  }
0x58: {  	v45 =	vor.u32 v5, v12;
	v11 =	vld.idx.msk [tilespmem:v44+s12+$0x0], $0xffff  }
0x59: {  	v13 =	vor.u32 v6, v38;
	_ =	sdelay $0x3  }
0x5a: {  	[tilespmem:v45+s17+$0x0] =	vst.idx.msk $0xffff, v11  }
0x5b: {  	v12 =	vor.u32 v7, v12;
	v11 =	vld.idx.msk [tilespmem:v13+s12+$0x0], $0xffff;
	_ =	sdelay $0x2  }
0x5c: {  	v46 =	vbroadcast v8, $0x2;
	s30 =	spop (v2sf)  }
0x5d: {  	s28 =	sand.u32 $0x1FFFFF80, s30  }
0x5e: {  	s31 =	sadd.s32 $0xFFFFFFF3, s25;
	v47 =	vor.u32 v0, v46;
	s28 =	sadd.s32 s1, s28;
	[tilespmem:v12+s17+$0x0] =	vst.idx.msk $0xffff, v11  }
0x5f: {  	v48 =	vmov s31;
	[tilespmem:s19], [sflag:$0x2] =	stream.strided.gather [hbm4b:s28+s8], $0x2000, s9, s8, $0x38;
	[tilespmem:$0x18200] =	vst v63  }
0x60: {  	v49 =	vshll.u32 v48, $0x3;
	_ =	swait.ge [sflag:s16], $0x2000  }
0x61: {  	v14 =	vand.u32 $0xC00, v49;
	v12 =	vand.u32 $0x72, v48;
	[sflag:s16] =	ssyncset.done $0x0  }
0x62: {  	v12 =	vor.u32 v12, v14;
	[sflag:s16] =	ssyncadd.s32 $0xFFFFE000  }
0x63: {  	v14 =	vor.u32 v1, v12;
	v11 =	vld.idx.msk [tilespmem:v47+s13+$0x0], $0xffff  }
0x64: {  	v50 =	vor.u32 v2, v46;
	_ =	sdelay $0x3  }
0x65: {  	[tilespmem:v14+s17+$0x0] =	vst.idx.msk $0xffff, v11  }
0x66: {  	v51 =	vor.u32 v3, v12;
	(v2sf) =	vpush v10, $0x7;
	v11 =	vld.idx.msk [tilespmem:v50+s13+$0x0], $0xffff  }
0x67: {  	v52 =	vor.u32 v4, v46;
	_ =	sdelay $0x3  }
0x68: {  	[tilespmem:v51+s17+$0x0] =	vst.idx.msk $0xffff, v11  }
0x69: {  	v53 =	vor.u32 v5, v12;
	v11 =	vld.idx.msk [tilespmem:v52+s13+$0x0], $0xffff  }
0x6a: {  	v13 =	vor.u32 v6, v46;
	_ =	sdelay $0x3  }
0x6b: {  	[tilespmem:v53+s17+$0x0] =	vst.idx.msk $0xffff, v11  }
0x6c: {  	v12 =	vor.u32 v7, v12;
	v11 =	vld.idx.msk [tilespmem:v13+s13+$0x0], $0xffff;
	_ =	sdelay $0x2  }
0x6d: {  	v54 =	vbroadcast v8, $0x3;
	s30 =	spop (v2sf)  }
0x6e: {  	s28 =	sand.u32 $0x1FFFFF80, s30  }
0x6f: {  	s31 =	sadd.s32 $0xFFFFFFF4, s25;
	v55 =	vor.u32 v0, v54;
	s28 =	sadd.s32 s1, s28;
	[tilespmem:v12+s17+$0x0] =	vst.idx.msk $0xffff, v11  }
0x70: {  	v56 =	vmov s31;
	[tilespmem:s20], [sflag:$0x2] =	stream.strided.gather [hbm4b:s28+s8], $0x2000, s9, s8, $0x38;
	[tilespmem:$0x18200] =	vst v63  }
0x71: {  	v57 =	vshll.u32 v56, $0x3;
	_ =	swait.ge [sflag:s16], $0x2000  }
0x72: {  	v14 =	vand.u32 $0xC00, v57;
	v12 =	vand.u32 $0x73, v56;
	[sflag:s16] =	ssyncset.done $0x0  }
0x73: {  	v12 =	vor.u32 v12, v14;
	[sflag:s16] =	ssyncadd.s32 $0xFFFFE000  }
0x74: {  	v14 =	vor.u32 v1, v12;
	v11 =	vld.idx.msk [tilespmem:v55+s14+$0x0], $0xffff  }
0x75: {  	v58 =	vor.u32 v2, v54;
	_ =	sdelay $0x3  }
0x76: {  	[tilespmem:v14+s17+$0x0] =	vst.idx.msk $0xffff, v11  }
0x77: {  	v59 =	vor.u32 v3, v12;
	(v2sf) =	vpush v10, $0x8;
	v11 =	vld.idx.msk [tilespmem:v58+s14+$0x0], $0xffff  }
0x78: {  	v60 =	vor.u32 v4, v54;
	_ =	sdelay $0x3  }
0x79: {  	[tilespmem:v59+s17+$0x0] =	vst.idx.msk $0xffff, v11  }
0x7a: {  	v61 =	vor.u32 v5, v12;
	v11 =	vld.idx.msk [tilespmem:v60+s14+$0x0], $0xffff  }
0x7b: {  	v13 =	vor.u32 v6, v54;
	_ =	sdelay $0x3  }
0x7c: {  	[tilespmem:v61+s17+$0x0] =	vst.idx.msk $0xffff, v11  }
0x7d: {  	v12 =	vor.u32 v7, v12;
	v11 =	vld.idx.msk [tilespmem:v13+s14+$0x0], $0xffff;
	_ =	sdelay $0x2  }
0x7e: {  	v62 =	vbroadcast v8, $0x4;
	s30 =	spop (v2sf)  }
0x7f: {  	s28 =	sand.u32 $0x1FFFFF80, s30  }
0x80: {  	s31 =	sadd.s32 $0xFFFFFFF5, s25;
	v63 =	vor.u32 v0, v62;
	s28 =	sadd.s32 s1, s28;
	[tilespmem:v12+s17+$0x0] =	vst.idx.msk $0xffff, v11  }
0x81: {  	v16 =	vmov s31;
	[tilespmem:s11], [sflag:$0x2] =	stream.strided.gather [hbm4b:s28+s8], $0x2000, s9, s8, $0x38;
	[tilespmem:$0x18200] =	vst v63  }
0x82: {  	v17 =	vshll.u32 v16, $0x3;
	_ =	swait.ge [sflag:s16], $0x2000  }
0x83: {  	v14 =	vand.u32 $0xC00, v17;
	v12 =	vand.u32 $0x74, v16;
	[sflag:s16] =	ssyncset.done $0x0  }
0x84: {  	v12 =	vor.u32 v12, v14;
	[sflag:s16] =	ssyncadd.s32 $0xFFFFE000  }
0x85: {  	v14 =	vor.u32 v1, v12;
	v11 =	vld.idx.msk [tilespmem:v63+s15+$0x0], $0xffff  }
0x86: {  	v18 =	vor.u32 v2, v62;
	_ =	sdelay $0x3  }
0x87: {  	[tilespmem:v14+s17+$0x0] =	vst.idx.msk $0xffff, v11  }
0x88: {  	v19 =	vor.u32 v3, v12;
	(v2sf) =	vpush v10, $0x9;
	v11 =	vld.idx.msk [tilespmem:v18+s15+$0x0], $0xffff  }
0x89: {  	v20 =	vor.u32 v4, v62;
	_ =	sdelay $0x3  }
0x8a: {  	[tilespmem:v19+s17+$0x0] =	vst.idx.msk $0xffff, v11  }
0x8b: {  	v21 =	vor.u32 v5, v12;
	v11 =	vld.idx.msk [tilespmem:v20+s15+$0x0], $0xffff  }
0x8c: {  	v13 =	vor.u32 v6, v62;
	_ =	sdelay $0x3  }
0x8d: {  	[tilespmem:v21+s17+$0x0] =	vst.idx.msk $0xffff, v11  }
0x8e: {  	v12 =	vor.u32 v7, v12;
	v11 =	vld.idx.msk [tilespmem:v13+s15+$0x0], $0xffff;
	_ =	sdelay $0x2  }
0x8f: {  	v22 =	vbroadcast v8, $0x5;
	s30 =	spop (v2sf)  }
0x90: {  	s28 =	sand.u32 $0x1FFFFF80, s30  }
0x91: {  	s31 =	sadd.s32 $0xFFFFFFF6, s25;
	v23 =	vor.u32 v0, v22;
	s28 =	sadd.s32 s1, s28;
	[tilespmem:v12+s17+$0x0] =	vst.idx.msk $0xffff, v11  }
0x92: {  	v24 =	vmov s31;
	[tilespmem:s12], [sflag:$0x2] =	stream.strided.gather [hbm4b:s28+s8], $0x2000, s9, s8, $0x38;
	[tilespmem:$0x18200] =	vst v63  }
0x93: {  	v25 =	vshll.u32 v24, $0x3;
	_ =	swait.ge [sflag:s16], $0x2000  }
0x94: {  	v14 =	vand.u32 $0xC00, v25;
	v12 =	vand.u32 $0x75, v24;
	[sflag:s16] =	ssyncset.done $0x0  }
0x95: {  	v12 =	vor.u32 v12, v14;
	[sflag:s16] =	ssyncadd.s32 $0xFFFFE000  }
0x96: {  	v14 =	vor.u32 v1, v12;
	v11 =	vld.idx.msk [tilespmem:v23+s18+$0x0], $0xffff  }
0x97: {  	v26 =	vor.u32 v2, v22;
	_ =	sdelay $0x3  }
0x98: {  	[tilespmem:v14+s17+$0x0] =	vst.idx.msk $0xffff, v11  }
0x99: {  	v27 =	vor.u32 v3, v12;
	(v2sf) =	vpush v10, $0xA;
	v11 =	vld.idx.msk [tilespmem:v26+s18+$0x0], $0xffff  }
0x9a: {  	v28 =	vor.u32 v4, v22;
	_ =	sdelay $0x3  }
0x9b: {  	[tilespmem:v27+s17+$0x0] =	vst.idx.msk $0xffff, v11  }
0x9c: {  	v29 =	vor.u32 v5, v12;
	v11 =	vld.idx.msk [tilespmem:v28+s18+$0x0], $0xffff  }
0x9d: {  	v13 =	vor.u32 v6, v22;
	_ =	sdelay $0x3  }
0x9e: {  	[tilespmem:v29+s17+$0x0] =	vst.idx.msk $0xffff, v11  }
0x9f: {  	v12 =	vor.u32 v7, v12;
	v11 =	vld.idx.msk [tilespmem:v13+s18+$0x0], $0xffff;
	_ =	sdelay $0x2  }
0xa0: {  	v30 =	vbroadcast v8, $0x6;
	s30 =	spop (v2sf)  }
0xa1: {  	s28 =	sand.u32 $0x1FFFFF80, s30  }
0xa2: {  	s31 =	sadd.s32 $0xFFFFFFF7, s25;
	v31 =	vor.u32 v0, v30;
	s28 =	sadd.s32 s1, s28;
	[tilespmem:v12+s17+$0x0] =	vst.idx.msk $0xffff, v11  }
0xa3: {  	v32 =	vmov s31;
	[tilespmem:s13], [sflag:$0x2] =	stream.strided.gather [hbm4b:s28+s8], $0x2000, s9, s8, $0x38;
	[tilespmem:$0x18200] =	vst v63  }
0xa4: {  	v33 =	vshll.u32 v32, $0x3;
	_ =	swait.ge [sflag:s16], $0x2000  }
0xa5: {  	v14 =	vand.u32 $0xC00, v33;
	v12 =	vand.u32 $0x76, v32;
	[sflag:s16] =	ssyncset.done $0x0  }
0xa6: {  	v12 =	vor.u32 v12, v14;
	[sflag:s16] =	ssyncadd.s32 $0xFFFFE000  }
0xa7: {  	v14 =	vor.u32 v1, v12;
	v11 =	vld.idx.msk [tilespmem:v31+s19+$0x0], $0xffff  }
0xa8: {  	v34 =	vor.u32 v2, v30;
	_ =	sdelay $0x3  }
0xa9: {  	[tilespmem:v14+s17+$0x0] =	vst.idx.msk $0xffff, v11  }
0xaa: {  	v35 =	vor.u32 v3, v12;
	(v2sf) =	vpush v10, $0xB;
	v11 =	vld.idx.msk [tilespmem:v34+s19+$0x0], $0xffff  }
0xab: {  	v36 =	vor.u32 v4, v30;
	_ =	sdelay $0x3  }
0xac: {  	[tilespmem:v35+s17+$0x0] =	vst.idx.msk $0xffff, v11  }
0xad: {  	v37 =	vor.u32 v5, v12;
	v11 =	vld.idx.msk [tilespmem:v36+s19+$0x0], $0xffff  }
0xae: {  	v13 =	vor.u32 v6, v30;
	_ =	sdelay $0x3  }
0xaf: {  	[tilespmem:v37+s17+$0x0] =	vst.idx.msk $0xffff, v11  }
0xb0: {  	v12 =	vor.u32 v7, v12;
	v11 =	vld.idx.msk [tilespmem:v13+s19+$0x0], $0xffff;
	_ =	sdelay $0x2  }
0xb1: {  	v38 =	vbroadcast v8, $0x7;
	s30 =	spop (v2sf)  }
0xb2: {  	s28 =	sand.u32 $0x1FFFFF80, s30  }
0xb3: {  	s31 =	sadd.s32 $0xFFFFFFF8, s25;
	v39 =	vor.u32 v0, v38;
	s28 =	sadd.s32 s1, s28;
	[tilespmem:v12+s17+$0x0] =	vst.idx.msk $0xffff, v11  }
0xb4: {  	v40 =	vmov s31;
	[tilespmem:s14], [sflag:$0x2] =	stream.strided.gather [hbm4b:s28+s8], $0x2000, s9, s8, $0x38;
	[tilespmem:$0x18200] =	vst v63  }
0xb5: {  	v41 =	vshll.u32 v40, $0x3;
	_ =	swait.ge [sflag:s16], $0x2000  }
0xb6: {  	v14 =	vand.u32 $0xC00, v41;
	v12 =	vand.u32 $0x77, v40;
	[sflag:s16] =	ssyncset.done $0x0  }
0xb7: {  	v12 =	vor.u32 v12, v14;
	[sflag:s16] =	ssyncadd.s32 $0xFFFFE000  }
0xb8: {  	v14 =	vor.u32 v1, v12;
	v11 =	vld.idx.msk [tilespmem:v39+s20+$0x0], $0xffff  }
0xb9: {  	v42 =	vor.u32 v2, v38;
	_ =	sdelay $0x3  }
0xba: {  	[tilespmem:v14+s17+$0x0] =	vst.idx.msk $0xffff, v11  }
0xbb: {  	v43 =	vor.u32 v3, v12;
	(v2sf) =	vpush v10, $0xC;
	v11 =	vld.idx.msk [tilespmem:v42+s20+$0x0], $0xffff  }
0xbc: {  	v44 =	vor.u32 v4, v38;
	_ =	sdelay $0x3  }
0xbd: {  	[tilespmem:v43+s17+$0x0] =	vst.idx.msk $0xffff, v11  }
0xbe: {  	v45 =	vor.u32 v5, v12;
	v11 =	vld.idx.msk [tilespmem:v44+s20+$0x0], $0xffff  }
0xbf: {  	v13 =	vor.u32 v6, v38;
	_ =	sdelay $0x3  }
0xc0: {  	[tilespmem:v45+s17+$0x0] =	vst.idx.msk $0xffff, v11  }
0xc1: {  	v12 =	vor.u32 v7, v12;
	v11 =	vld.idx.msk [tilespmem:v13+s20+$0x0], $0xffff;
	_ =	sdelay $0x2  }
0xc2: {  	v46 =	vbroadcast v8, $0x8;
	s30 =	spop (v2sf)  }
0xc3: {  	s28 =	sand.u32 $0x1FFFFF80, s30  }
0xc4: {  	s31 =	sadd.s32 $0xFFFFFFF9, s25;
	v47 =	vor.u32 v0, v46;
	s28 =	sadd.s32 s1, s28;
	[tilespmem:v12+s17+$0x0] =	vst.idx.msk $0xffff, v11  }
0xc5: {  	v48 =	vmov s31;
	[tilespmem:s15], [sflag:$0x2] =	stream.strided.gather [hbm4b:s28+s8], $0x2000, s9, s8, $0x38;
	[tilespmem:$0x18200] =	vst v63  }
0xc6: {  	v49 =	vshll.u32 v48, $0x3;
	_ =	swait.ge [sflag:s16], $0x2000  }
0xc7: {  	v14 =	vand.u32 $0xC00, v49;
	v12 =	vand.u32 $0x78, v48;
	[sflag:s16] =	ssyncset.done $0x0  }
0xc8: {  	v12 =	vor.u32 v12, v14;
	[sflag:s16] =	ssyncadd.s32 $0xFFFFE000  }
0xc9: {  	v14 =	vor.u32 v1, v12;
	v11 =	vld.idx.msk [tilespmem:v47+s11+$0x0], $0xffff  }
0xca: {  	v50 =	vor.u32 v2, v46;
	_ =	sdelay $0x3  }
0xcb: {  	[tilespmem:v14+s17+$0x0] =	vst.idx.msk $0xffff, v11  }
0xcc: {  	v51 =	vor.u32 v3, v12;
	(v2sf) =	vpush v10, $0xD;
	v11 =	vld.idx.msk [tilespmem:v50+s11+$0x0], $0xffff  }
0xcd: {  	v52 =	vor.u32 v4, v46;
	_ =	sdelay $0x3  }
0xce: {  	[tilespmem:v51+s17+$0x0] =	vst.idx.msk $0xffff, v11  }
0xcf: {  	v53 =	vor.u32 v5, v12;
	v11 =	vld.idx.msk [tilespmem:v52+s11+$0x0], $0xffff  }
0xd0: {  	v13 =	vor.u32 v6, v46;
	_ =	sdelay $0x3  }
0xd1: {  	[tilespmem:v53+s17+$0x0] =	vst.idx.msk $0xffff, v11  }
0xd2: {  	v12 =	vor.u32 v7, v12;
	v11 =	vld.idx.msk [tilespmem:v13+s11+$0x0], $0xffff;
	_ =	sdelay $0x2  }
0xd3: {  	v54 =	vbroadcast v8, $0x9;
	s30 =	spop (v2sf)  }
0xd4: {  	s28 =	sand.u32 $0x1FFFFF80, s30  }
0xd5: {  	s31 =	sadd.s32 $0xFFFFFFFA, s25;
	v55 =	vor.u32 v0, v54;
	s28 =	sadd.s32 s1, s28;
	[tilespmem:v12+s17+$0x0] =	vst.idx.msk $0xffff, v11  }
0xd6: {  	v56 =	vmov s31;
	[tilespmem:s18], [sflag:$0x2] =	stream.strided.gather [hbm4b:s28+s8], $0x2000, s9, s8, $0x38;
	[tilespmem:$0x18200] =	vst v63  }
0xd7: {  	v57 =	vshll.u32 v56, $0x3;
	_ =	swait.ge [sflag:s16], $0x2000  }
0xd8: {  	v14 =	vand.u32 $0xC00, v57;
	v12 =	vand.u32 $0x79, v56;
	[sflag:s16] =	ssyncset.done $0x0  }
0xd9: {  	v12 =	vor.u32 v12, v14;
	[sflag:s16] =	ssyncadd.s32 $0xFFFFE000  }
0xda: {  	v14 =	vor.u32 v1, v12;
	v11 =	vld.idx.msk [tilespmem:v55+s12+$0x0], $0xffff  }
0xdb: {  	v58 =	vor.u32 v2, v54;
	_ =	sdelay $0x3  }
0xdc: {  	[tilespmem:v14+s17+$0x0] =	vst.idx.msk $0xffff, v11  }
0xdd: {  	v59 =	vor.u32 v3, v12;
	(v2sf) =	vpush v10, $0xE;
	v11 =	vld.idx.msk [tilespmem:v58+s12+$0x0], $0xffff  }
0xde: {  	v60 =	vor.u32 v4, v54;
	_ =	sdelay $0x3  }
0xdf: {  	[tilespmem:v59+s17+$0x0] =	vst.idx.msk $0xffff, v11  }
0xe0: {  	v61 =	vor.u32 v5, v12;
	v11 =	vld.idx.msk [tilespmem:v60+s12+$0x0], $0xffff  }
0xe1: {  	v13 =	vor.u32 v6, v54;
	_ =	sdelay $0x3  }
0xe2: {  	[tilespmem:v61+s17+$0x0] =	vst.idx.msk $0xffff, v11  }
0xe3: {  	v12 =	vor.u32 v7, v12;
	v11 =	vld.idx.msk [tilespmem:v13+s12+$0x0], $0xffff;
	_ =	sdelay $0x2  }
0xe4: {  	v62 =	vbroadcast v8, $0xA;
	s30 =	spop (v2sf)  }
0xe5: {  	s28 =	sand.u32 $0x1FFFFF80, s30  }
0xe6: {  	s31 =	sadd.s32 $0xFFFFFFFB, s25;
	v63 =	vor.u32 v0, v62;
	s28 =	sadd.s32 s1, s28;
	[tilespmem:v12+s17+$0x0] =	vst.idx.msk $0xffff, v11  }
0xe7: {  	v16 =	vmov s31;
	[tilespmem:s19], [sflag:$0x2] =	stream.strided.gather [hbm4b:s28+s8], $0x2000, s9, s8, $0x38;
	[tilespmem:$0x18200] =	vst v63  }
0xe8: {  	v17 =	vshll.u32 v16, $0x3;
	_ =	swait.ge [sflag:s16], $0x2000  }
0xe9: {  	v14 =	vand.u32 $0xC00, v17;
	v12 =	vand.u32 $0x7A, v16;
	[sflag:s16] =	ssyncset.done $0x0  }
0xea: {  	v12 =	vor.u32 v12, v14;
	[sflag:s16] =	ssyncadd.s32 $0xFFFFE000  }
0xeb: {  	v14 =	vor.u32 v1, v12;
	v11 =	vld.idx.msk [tilespmem:v63+s13+$0x0], $0xffff  }
0xec: {  	v18 =	vor.u32 v2, v62;
	_ =	sdelay $0x3  }
0xed: {  	[tilespmem:v14+s17+$0x0] =	vst.idx.msk $0xffff, v11  }
0xee: {  	v19 =	vor.u32 v3, v12;
	(v2sf) =	vpush v10, $0xF;
	v11 =	vld.idx.msk [tilespmem:v18+s13+$0x0], $0xffff  }
0xef: {  	v20 =	vor.u32 v4, v62;
	_ =	sdelay $0x3  }
0xf0: {  	[tilespmem:v19+s17+$0x0] =	vst.idx.msk $0xffff, v11  }
0xf1: {  	v21 =	vor.u32 v5, v12;
	v10 =	vld.idx.msk [tilespmem:v20+s13+$0x0], $0xffff  }
0xf2: {  	v13 =	vor.u32 v6, v62;
	_ =	sdelay $0x3  }
0xf3: {  	[tilespmem:v21+s17+$0x0] =	vst.idx.msk $0xffff, v10  }
0xf4: {  	v22 =	vor.u32 v7, v12;
	v10 =	vld.idx.msk [tilespmem:v13+s13+$0x0], $0xffff;
	_ =	sdelay $0x2  }
0xf5: {  	v23 =	vbroadcast v8, $0xB;
	s30 =	spop (v2sf)  }
0xf6: {  	s28 =	sand.u32 $0x1FFFFF80, s30  }
0xf7: {  	s31 =	sadd.s32 $0xFFFFFFFC, s25;
	v24 =	vor.u32 v0, v23;
	s28 =	sadd.s32 s1, s28;
	[tilespmem:v22+s17+$0x0] =	vst.idx.msk $0xffff, v10  }
0xf8: {  	v25 =	vmov s31;
	[tilespmem:s20], [sflag:$0x2] =	stream.strided.gather [hbm4b:s28+s8], $0x2000, s9, s8, $0x38;
	[tilespmem:$0x18200] =	vst v63  }
0xf9: {  	v26 =	vshll.u32 v25, $0x3;
	_ =	swait.ge [sflag:s16], $0x2000  }
0xfa: {  	v11 =	vand.u32 $0x7B, v25;
	v13 =	vand.u32 $0xC00, v26;
	[sflag:s16] =	ssyncset.done $0x0  }
0xfb: {  	v11 =	vor.u32 v11, v13;
	[sflag:s16] =	ssyncadd.s32 $0xFFFFE000  }
0xfc: {  	v13 =	vor.u32 v1, v11;
	v10 =	vld.idx.msk [tilespmem:v24+s14+$0x0], $0xffff  }
0xfd: {  	v27 =	vor.u32 v2, v23;
	_ =	sdelay $0x2  }
0xfe: {  	v9 =	vshrl.u32 v9, $0x7  }
0xff: {  	v9 =	vshll.u32 v9, $0x7;
	[tilespmem:v13+s17+$0x0] =	vst.idx.msk $0xffff, v10  }
0x100: {  	v28 =	vor.u32 v3, v11;
	(v2sf) =	vpush v9, $0x0;
	v10 =	vld.idx.msk [tilespmem:v27+s14+$0x0], $0xffff  }
0x101: {  	v29 =	vor.u32 v4, v23;
	_ =	sdelay $0x3  }
0x102: {  	[tilespmem:v28+s17+$0x0] =	vst.idx.msk $0xffff, v10  }
0x103: {  	v30 =	vor.u32 v5, v11;
	v10 =	vld.idx.msk [tilespmem:v29+s14+$0x0], $0xffff  }
0x104: {  	v12 =	vor.u32 v6, v23;
	_ =	sdelay $0x3  }
0x105: {  	[tilespmem:v30+s17+$0x0] =	vst.idx.msk $0xffff, v10  }
0x106: {  	v11 =	vor.u32 v7, v11;
	v10 =	vld.idx.msk [tilespmem:v12+s14+$0x0], $0xffff;
	_ =	sdelay $0x2  }
0x107: {  	v31 =	vbroadcast v8, $0xC;
	s30 =	spop (v2sf)  }
0x108: {  	s28 =	sand.u32 $0x1FFFFF80, s30  }
0x109: {  	s31 =	sadd.s32 $0xFFFFFFFD, s25;
	v32 =	vor.u32 v0, v31;
	s28 =	sadd.s32 s1, s28;
	[tilespmem:v11+s17+$0x0] =	vst.idx.msk $0xffff, v10  }
0x10a: {  	v33 =	vmov s31;
	[tilespmem:s11], [sflag:$0x2] =	stream.strided.gather [hbm4b:s28+s8], $0x2000, s9, s8, $0x38;
	[tilespmem:$0x18200] =	vst v63  }
0x10b: {  	v34 =	vshll.u32 v33, $0x3;
	_ =	swait.ge [sflag:s16], $0x2000  }
0x10c: {  	v13 =	vand.u32 $0xC00, v34;
	v11 =	vand.u32 $0x7C, v33;
	[sflag:s16] =	ssyncset.done $0x0  }
0x10d: {  	v11 =	vor.u32 v11, v13;
	[sflag:s16] =	ssyncadd.s32 $0xFFFFE000  }
0x10e: {  	v13 =	vor.u32 v1, v11;
	v10 =	vld.idx.msk [tilespmem:v32+s15+$0x0], $0xffff  }
0x10f: {  	v35 =	vor.u32 v2, v31;
	_ =	sdelay $0x3  }
0x110: {  	[tilespmem:v13+s17+$0x0] =	vst.idx.msk $0xffff, v10  }
0x111: {  	v36 =	vor.u32 v3, v11;
	(v2sf) =	vpush v9, $0x1;
	v10 =	vld.idx.msk [tilespmem:v35+s15+$0x0], $0xffff  }
0x112: {  	v37 =	vor.u32 v4, v31;
	_ =	sdelay $0x3  }
0x113: {  	[tilespmem:v36+s17+$0x0] =	vst.idx.msk $0xffff, v10  }
0x114: {  	v38 =	vor.u32 v5, v11;
	v10 =	vld.idx.msk [tilespmem:v37+s15+$0x0], $0xffff  }
0x115: {  	v12 =	vor.u32 v6, v31;
	_ =	sdelay $0x3  }
0x116: {  	[tilespmem:v38+s17+$0x0] =	vst.idx.msk $0xffff, v10  }
0x117: {  	v11 =	vor.u32 v7, v11;
	v10 =	vld.idx.msk [tilespmem:v12+s15+$0x0], $0xffff;
	_ =	sdelay $0x2  }
0x118: {  	v39 =	vbroadcast v8, $0xD;
	s30 =	spop (v2sf)  }
0x119: {  	s28 =	sand.u32 $0x1FFFFF80, s30  }
0x11a: {  	s31 =	sadd.s32 $0xFFFFFFFE, s25;
	v40 =	vor.u32 v0, v39;
	s28 =	sadd.s32 s1, s28;
	[tilespmem:v11+s17+$0x0] =	vst.idx.msk $0xffff, v10  }
0x11b: {  	v41 =	vmov s31;
	[tilespmem:s12], [sflag:$0x2] =	stream.strided.gather [hbm4b:s28+s8], $0x2000, s9, s8, $0x38;
	[tilespmem:$0x18200] =	vst v63  }
0x11c: {  	v42 =	vshll.u32 v41, $0x3;
	_ =	swait.ge [sflag:s16], $0x2000  }
0x11d: {  	v13 =	vand.u32 $0xC00, v42;
	v11 =	vand.u32 $0x7D, v41;
	[sflag:s16] =	ssyncset.done $0x0  }
0x11e: {  	v11 =	vor.u32 v11, v13;
	[sflag:s16] =	ssyncadd.s32 $0xFFFFE000  }
0x11f: {  	v13 =	vor.u32 v1, v11;
	v10 =	vld.idx.msk [tilespmem:v40+s18+$0x0], $0xffff  }
0x120: {  	v43 =	vor.u32 v2, v39;
	_ =	sdelay $0x3  }
0x121: {  	[tilespmem:v13+s17+$0x0] =	vst.idx.msk $0xffff, v10  }
0x122: {  	v44 =	vor.u32 v3, v11;
	(v2sf) =	vpush v9, $0x2;
	v10 =	vld.idx.msk [tilespmem:v43+s18+$0x0], $0xffff  }
0x123: {  	v45 =	vor.u32 v4, v39;
	_ =	sdelay $0x3  }
0x124: {  	[tilespmem:v44+s17+$0x0] =	vst.idx.msk $0xffff, v10  }
0x125: {  	v46 =	vor.u32 v5, v11;
	v10 =	vld.idx.msk [tilespmem:v45+s18+$0x0], $0xffff  }
0x126: {  	v12 =	vor.u32 v6, v39;
	_ =	sdelay $0x3  }
0x127: {  	[tilespmem:v46+s17+$0x0] =	vst.idx.msk $0xffff, v10  }
0x128: {  	v11 =	vor.u32 v7, v11;
	v10 =	vld.idx.msk [tilespmem:v12+s18+$0x0], $0xffff;
	_ =	sdelay $0x2  }
0x129: {  	v47 =	vbroadcast v8, $0xE;
	s29 =	spop (v2sf)  }
0x12a: {  	s28 =	sand.u32 $0x1FFFFF80, s29  }
0x12b: {  	v48 =	vor.u32 v0, v47;
	s30 =	sadd.s32 $0xFFFFFFFF, s25;
	s28 =	sadd.s32 s1, s28;
	[tilespmem:v11+s17+$0x0] =	vst.idx.msk $0xffff, v10  }
0x12c: {  	v49 =	vmov s30;
	[tilespmem:s13], [sflag:$0x2] =	stream.strided.gather [hbm4b:s28+s8], $0x2000, s9, s8, $0x38;
	[tilespmem:$0x18200] =	vst v63  }
0x12d: {  	v50 =	vshll.u32 v49, $0x3;
	_ =	swait.ge [sflag:s16], $0x2000  }
0x12e: {  	v13 =	vand.u32 $0xC00, v50;
	v11 =	vand.u32 $0x7E, v49;
	[sflag:s16] =	ssyncset.done $0x0  }
0x12f: {  	v11 =	vor.u32 v11, v13;
	[sflag:s16] =	ssyncadd.s32 $0xFFFFE000  }
0x130: {  	v13 =	vor.u32 v1, v11;
	v10 =	vld.idx.msk [tilespmem:v48+s19+$0x0], $0xffff  }
0x131: {  	v51 =	vor.u32 v2, v47;
	_ =	sdelay $0x3  }
0x132: {  	[tilespmem:v13+s17+$0x0] =	vst.idx.msk $0xffff, v10  }
0x133: {  	v52 =	vor.u32 v3, v11;
	(v2sf) =	vpush v9, $0x3;
	v10 =	vld.idx.msk [tilespmem:v51+s19+$0x0], $0xffff  }
0x134: {  	v53 =	vor.u32 v4, v47;
	_ =	sdelay $0x3  }
0x135: {  	[tilespmem:v52+s17+$0x0] =	vst.idx.msk $0xffff, v10  }
0x136: {  	v54 =	vor.u32 v5, v11;
	v9 =	vld.idx.msk [tilespmem:v53+s19+$0x0], $0xffff  }
0x137: {  	v12 =	vor.u32 v6, v47;
	_ =	sdelay $0x3  }
0x138: {  	[tilespmem:v54+s17+$0x0] =	vst.idx.msk $0xffff, v9  }
0x139: {  	v55 =	vor.u32 v7, v11;
	v9 =	vld.idx.msk [tilespmem:v12+s19+$0x0], $0xffff;
	_ =	sdelay $0x2  }
0x13a: {  	v8 =	vbroadcast v8, $0xF;
	s31 =	spop (v2sf)  }
0x13b: {  	s28 =	sand.u32 $0x1FFFFF80, s31  }
0x13c: {  	v56 =	vor.u32 v0, v8;
	s28 =	sadd.s32 s1, s28;
	[tilespmem:v55+s17+$0x0] =	vst.idx.msk $0xffff, v9  }
0x13d: {  	v57 =	vmov s25;
	[tilespmem:s14], [sflag:$0x2] =	stream.strided.gather [hbm4b:s28+s8], $0x2000, s9, s8, $0x38;
	[tilespmem:$0x18200] =	vst v63  }
0x13e: {  	v58 =	vshll.u32 v57, $0x3;
	_ =	swait.ge [sflag:s16], $0x2000  }
0x13f: {  	v11 =	vand.u32 $0xC00, v58;
	v10 =	vand.u32 $0x7F, v57;
	[sflag:s16] =	ssyncset.done $0x0  }
0x140: {  	v10 =	vor.u32 v10, v11;
	[sflag:s16] =	ssyncadd.s32 $0xFFFFE000  }
0x141: {  	v11 =	vor.u32 v1, v10;
	v9 =	vld.idx.msk [tilespmem:v56+s20+$0x0], $0xffff  }
0x142: {  	v59 =	vor.u32 v2, v8;
	_ =	sdelay $0x3  }
0x143: {  	[tilespmem:v11+s17+$0x0] =	vst.idx.msk $0xffff, v9  }
0x144: {  	v60 =	vor.u32 v3, v10;
	v9 =	vld.idx.msk [tilespmem:v59+s20+$0x0], $0xffff  }
0x145: {  	v61 =	vor.u32 v4, v8;
	_ =	sdelay $0x3  }
0x146: {  	[tilespmem:v60+s17+$0x0] =	vst.idx.msk $0xffff, v9  }
0x147: {  	v62 =	vor.u32 v5, v10;
	v9 =	vld.idx.msk [tilespmem:v61+s20+$0x0], $0xffff  }
0x148: {  	v8 =	vor.u32 v6, v8;
	_ =	sdelay $0x3  }
0x149: {  	[tilespmem:v62+s17+$0x0] =	vst.idx.msk $0xffff, v9  }
0x14a: {  	p0 =	sne.s32 s25, $0x1FF;
	v63 =	vor.u32 v7, v10;
	v8 =	vld.idx.msk [tilespmem:v8+s20+$0x0], $0xffff  }
.Ltmp0:
0x14b: {  	_ = 	snop;
	(pc) =	sbr.rel @p0 .LBB2_2-.Ltmp0, $2  }
0x14c: {  	_ =	sdelay $0x2  }
0x14d: {  	s25 =	sadd.s32 $0x10, s25;
	[tilespmem:v63+s17+$0x0] =	vst.idx.msk $0xffff, v8  }
0x14e: {  	_ =	swait.ge [sflag:s16], $0x2000  }
0x14f: {  	[sflag:s16] =	ssyncset.done $0x0  }
0x150: {  	[sflag:s16] =	ssyncadd.s32 $0xFFFFE000  }
0x151: {  	_ =	swait.ge [sflag:s16], $0x2000  }
0x152: {  	[sflag:s16] =	ssyncset.done $0x0  }
0x153: {  	[sflag:s16] =	ssyncadd.s32 $0xFFFFE000  }
0x154: {  	_ =	swait.ge [sflag:s16], $0x2000  }
0x155: {  	[sflag:s16] =	ssyncset.done $0x0  }
0x156: {  	[sflag:s16] =	ssyncadd.s32 $0xFFFFE000  }
0x157: {  	s24 =	sadd.s32 $0x1, s24;
	_ =	swait.ge [sflag:s16], $0x2000  }
0x158: {  	p0 =	sne.s32 s24, s6;
	[sflag:s16] =	ssyncset.done $0x0  }
.Ltmp1:
0x159: {  	[sflag:s16] =	ssyncadd.s32 $0xFFFFE000;
	(pc) =	sbr.rel @p0 .LBB2_1-.Ltmp1, $4  }
0x15a: {  	[hbm4b:s5+s21] =	stream.strided.scatter [tilespmem:s17], [sflag:$0x3], $0x8000, s22, s21, $0x38;
	[tilespmem:$0x18200] =	vst v63  }
0x15b: {  	_ =	swait.ge [sflag:s23], $0x8000  }
0x15c: {  	[sflag:s23] =	ssyncset.done $0x0  }
0x15d: {  	[sflag:s23] =	ssyncadd.s32 $0xFFFF8000  }
0x15e: {  	_ =	sfence.sel $0x180000  }
0x15f: {  	[bflag:$0x0] =	sbarrier.arrive $0xFFFF  }
0x160: {  	p0 =	sne.s32 s0, $0x0;
	_ =	strace $0x90000047  }
0x161: {  	s0 =	sadd.s32 @!p0 $0x100000, s2;
	[bflag:$0x2] =	sbarrier.arrive $0xFFFF  }
0x162: {  	[sflag:s0] =	ssyncadd.tile.s32 @!p0 $0x1;
	_ =	shalt  }
.Lfunc_end2:
_tile_overlayer_lowered:
.L_overlay_start_2:
0x163: {  	(tag) =	ssettag $0x2  }
0x164: {  	s0 =	rddreg [dreg:$0x0];
	s2 =	stileid.u32  }
0x165: {  	s1 =	rddreg [dreg:$0x1];
	p0 =	sne.s32 s2, $0x0  }
0x166: {  	s3 =	rddreg [dreg:$0x2];
	[bflag:$0x3] =	sbarrier.arrive $0xFFFF;
	s2 =	simm.s32 @!p0 $0x1C03  }
0x167: {  	[timem:s3], [sflag:s2] =	dma.local @!p0 [hbm:s0], s1  }
0x168: {  	s0 =	simm.s32 @!p0 $0x3  }
0x169: {  	_ =	swait.ge @!p0 [sflag:s0], s1  }
0x16a: {  	s1 =	ssub.s32 @!p0 $0x0, s1;
	[sflag:s0] =	ssyncset.done @!p0 $0x0  }
0x16b: {  	[sflag:s0] =	ssyncadd.s32 @!p0 s1  }
0x16c: {  	[bflag:$0x3] =	sbarrier.arrive $0xFFFF  }
0x16d: {  	_ =	shalt  }

</sc_bundles>
